<compile_context>
chip_gen: v7x
topology: tpu7x:2x2x1
jax: 0.10.2.dev20260603
libtpu: 0.0.44.dev20260713+nightly
codegen_flags: <defaults>
</compile_context>

<pallas_src>
import functools

import jax
import jax.numpy as jnp
from jax import lax
from jax.experimental import pallas as pl
from jax.experimental.pallas import tpu as pltpu
from jax.experimental.pallas import tpu_sc as plsc

VOCAB = 100000
DEPTH = 64
BATCH = 4
SEQ = 2048
NUM_TOK = BATCH * SEQ
LANES = 16
D_PER_W = DEPTH // 32
XTILE = SEQ // 128


def _emb_body(idx_hbm, tok_hbm, pos_hbm, out_hbm, idx_v, row_v, ob0_v, ob1_v,
              rsem, psem, osem):
    wid = lax.axis_index("s") * 2 + lax.axis_index("c")
    d0 = wid * D_PER_W
    obs = (ob0_v, ob1_v)

    rcopy = pltpu.async_copy(tok_hbm.at[d0], row_v, rsem)
    pltpu.sync_copy(idx_hbm, idx_v)
    pcopies = [
        pltpu.async_copy(pos_hbm.at[d0 + t], obs[t].at[b], psem)
        for t in range(D_PER_W) for b in range(BATCH)
    ]

    ocopies = []
    for t in range(D_PER_W):
        ob_v = obs[t]
        rcopy.wait()
        if t == 0:
            for cp in pcopies:
                cp.wait()

        def work(q, _ob=ob_v):
            for b in range(BATCH):
                for k in range(128 // LANES):
                    toks = idx_v[q * BATCH + b, pl.ds(k * LANES, LANES)]
                    vals = plsc.load_gather(row_v, [toks])
                    sl = pl.ds(q * 128 + k * LANES, LANES)
                    plsc.addupdate(_ob.at[b, sl], vals)

        plsc.parallel_loop(0, XTILE, unroll=2)(work)

        plsc.subcore_barrier()

        if t + 1 < D_PER_W:
            rcopy = pltpu.async_copy(tok_hbm.at[d0 + t + 1], row_v, rsem)

        ocopies.append(
            pltpu.async_copy(ob_v, out_hbm.at[:, d0 + t], osem))
    for cp in ocopies:
        cp.wait()


_emb_call = functools.partial(
    pl.kernel,
    mesh=plsc.VectorSubcoreMesh(core_axis_name="c", subcore_axis_name="s"),
    out_type=jax.ShapeDtypeStruct((BATCH, DEPTH, SEQ), jnp.float32),
    scratch_types=[
        pltpu.VMEM((BATCH * XTILE, 128), jnp.int32),
        pltpu.VMEM((VOCAB,), jnp.float32),
        pltpu.VMEM((BATCH, SEQ), jnp.float32),
        pltpu.VMEM((BATCH, SEQ), jnp.float32),
        pltpu.SemaphoreType.DMA,
        pltpu.SemaphoreType.DMA,
        pltpu.SemaphoreType.DMA,
    ],
    compiler_params=pltpu.CompilerParams(needs_layout_passes=False),
)(_emb_body)


def kernel(x, tok_table, pos_table):
    b, s = x.shape
    xq = jnp.transpose(x.reshape(BATCH, XTILE, 128),
                       (1, 0, 2)).reshape(BATCH * XTILE, 128)
    out = _emb_call(xq.astype(jnp.int32), tok_table.T, pos_table.T)
    return out.transpose(0, 2, 1)

# --- scband reference (transcript-rebuilt; emitter-appended) ---
"""Pipeline reference for scband-positional-embedding-11003706212886 (READ-ONLY COPY).

The authoritative reference and input builder live on the scoring server;
editing this copy changes nothing except your own understanding.
"""

import jax, jax.numpy as jnp
import numpy as np

VOCAB = 100000
MAXLEN = 2048
DEPTH = 64

def setup_inputs(seed: int = 0) -> dict:
    key = jax.random.key(seed)
    k1, k2, k3 = jax.random.split(key, 3)
    x = jax.random.randint(k1, (4, 2048), 0, VOCAB, dtype=jnp.int64 if jax.config.jax_enable_x64 else jnp.int32)
    tok_table = jax.random.normal(k2, (VOCAB, DEPTH), dtype=jnp.float32) * 0.05
    pos_table = jax.random.normal(k3, (MAXLEN, DEPTH), dtype=jnp.float32) * 0.05
    return {"x": x, "tok_table": tok_table, "pos_table": pos_table}

def reference(x, tok_table, pos_table):
    seq_len = x.shape[-1]
    positions = jnp.arange(seq_len)
    learned_positions = jnp.take(pos_table, positions, axis=0)  # [S, D]
    embedding = jnp.take(tok_table, x, axis=0)                  # [B, S, D]
    embedding = embedding + learned_positions                   # broadcast over batch
    return embedding

if __name__ == "__main__":
    import jax
    _d = setup_inputs()
    print(jax.jit(kernel)(*tuple(_d.values())))

</pallas_src>

<mosaic_0001>
#map = affine_map<(d0, d1) -> (0, 0)>
#map1 = affine_map<(d0, d1) -> (0, 0, 0)>
module attributes {stable_mosaic.version = 14 : i64} {
  func.func @_emb_body(%arg0: i32, %arg1: i32, %arg2: memref<64x128xi32, #tpu.memory_space<hbm>>, %arg3: memref<64x100000xf32, #tpu.memory_space<hbm>>, %arg4: memref<64x2048xf32, #tpu.memory_space<hbm>>, %arg5: memref<4x64x2048xf32, #tpu.memory_space<hbm>>, %arg6: memref<64x128xi32, #tpu.memory_space<vmem>>, %arg7: memref<100000xf32, #tpu.memory_space<vmem>>, %arg8: memref<4x2048xf32, #tpu.memory_space<vmem>>, %arg9: memref<4x2048xf32, #tpu.memory_space<vmem>>, %arg10: memref<!tpu.dma_semaphore, #tpu.memory_space<semaphore_mem>>, %arg11: memref<!tpu.dma_semaphore, #tpu.memory_space<semaphore_mem>>, %arg12: memref<!tpu.dma_semaphore, #tpu.memory_space<semaphore_mem>>) attributes {dimension_semantics = [#tpu.dimension_semantics<core_parallel>, #tpu.dimension_semantics<subcore_parallel>], iteration_bounds = array<i64: 2, 16>, scalar_prefetch = 0 : i64, scratch_operands = 7 : i64, tpu.core_type = #tpu.core_type<sc_vector_subcore>, window_params = [{transform_indices = #map}, {transform_indices = #map}, {transform_indices = #map}, {transform_indices = #map1}]} {
    %mul3A = arith.constant 2 : i32
    %mul3A_0 = arith.muli %arg1, %mul3A : i32
    %add3A = arith.addi %mul3A_0, %arg0 : i32
    %mul3A_1 = arith.constant 2 : i32
    %mul3A_2 = arith.muli %add3A, %mul3A_1 : i32
    %dma_start3A = arith.constant 0 : i32
    %dma_start3A_3 = tpu.memref_slice %arg3[%mul3A_2, %dma_start3A] : memref<64x100000xf32, #tpu.memory_space<hbm>> -> memref<1x100000xf32, #tpu.memory_space<hbm>>
    %dma_start3A_4 = tpu.memref_squeeze %dma_start3A_3 : memref<1x100000xf32, #tpu.memory_space<hbm>> -> memref<100000xf32, #tpu.memory_space<hbm>>
    %dma_start3A_5 = arith.constant 0 : i32
    %dma_start3A_6 = tpu.memref_slice %arg3[%mul3A_2, %dma_start3A_5] : memref<64x100000xf32, #tpu.memory_space<hbm>> -> memref<1x100000xf32, #tpu.memory_space<hbm>>
    %dma_start3A_7 = tpu.memref_squeeze %dma_start3A_6 : memref<1x100000xf32, #tpu.memory_space<hbm>> -> memref<100000xf32, #tpu.memory_space<hbm>>
    tpu.enqueue_dma source(%dma_start3A_7 : memref<100000xf32, #tpu.memory_space<hbm>>) target(%arg7 : memref<100000xf32, #tpu.memory_space<vmem>>) target_semaphore(%arg10 : memref<!tpu.dma_semaphore, #tpu.memory_space<semaphore_mem>>)
    "tpu.region"() ({
      %run_scoped3A = tpu.sem_alloc : memref<!tpu.dma_semaphore, #tpu.memory_space<semaphore_mem>>
      tpu.enqueue_dma source(%arg2 : memref<64x128xi32, #tpu.memory_space<hbm>>) target(%arg6 : memref<64x128xi32, #tpu.memory_space<vmem>>) target_semaphore(%run_scoped3A : memref<!tpu.dma_semaphore, #tpu.memory_space<semaphore_mem>>)
      tpu.wait_dma2 semaphore(%run_scoped3A : memref<!tpu.dma_semaphore, #tpu.memory_space<semaphore_mem>>) src(%arg2 : memref<64x128xi32, #tpu.memory_space<hbm>>) dst(%arg6 : memref<64x128xi32, #tpu.memory_space<vmem>>)
      tpu.yield
    }) : () -> ()
    %add3A_8 = arith.constant 0 : i32
    %add3A_9 = arith.addi %mul3A_2, %add3A_8 : i32
    %dma_start3A_10 = arith.constant 0 : i32
    %dma_start3A_11 = arith.constant 0 : i32
    %dma_start3A_12 = tpu.memref_slice %arg8[%dma_start3A_10, %dma_start3A_11] : memref<4x2048xf32, #tpu.memory_space<vmem>> -> memref<1x2048xf32, #tpu.memory_space<vmem>>
    %dma_start3A_13 = tpu.memref_squeeze %dma_start3A_12 : memref<1x2048xf32, #tpu.memory_space<vmem>> -> memref<2048xf32, #tpu.memory_space<vmem>>
    %dma_start3A_14 = arith.constant 0 : i32
    %dma_start3A_15 = tpu.memref_slice %arg4[%add3A_9, %dma_start3A_14] : memref<64x2048xf32, #tpu.memory_space<hbm>> -> memref<1x2048xf32, #tpu.memory_space<hbm>>
    %dma_start3A_16 = tpu.memref_squeeze %dma_start3A_15 : memref<1x2048xf32, #tpu.memory_space<hbm>> -> memref<2048xf32, #tpu.memory_space<hbm>>
    %dma_start3A_17 = arith.constant 0 : i32
    %dma_start3A_18 = tpu.memref_slice %arg8[%dma_start3A_10, %dma_start3A_17] : memref<4x2048xf32, #tpu.memory_space<vmem>> -> memref<1x2048xf32, #tpu.memory_space<vmem>>
    %dma_start3A_19 = tpu.memref_squeeze %dma_start3A_18 : memref<1x2048xf32, #tpu.memory_space<vmem>> -> memref<2048xf32, #tpu.memory_space<vmem>>
    %dma_start3A_20 = arith.constant 0 : i32
    %dma_start3A_21 = tpu.memref_slice %arg4[%add3A_9, %dma_start3A_20] : memref<64x2048xf32, #tpu.memory_space<hbm>> -> memref<1x2048xf32, #tpu.memory_space<hbm>>
    %dma_start3A_22 = tpu.memref_squeeze %dma_start3A_21 : memref<1x2048xf32, #tpu.memory_space<hbm>> -> memref<2048xf32, #tpu.memory_space<hbm>>
    tpu.enqueue_dma source(%dma_start3A_22 : memref<2048xf32, #tpu.memory_space<hbm>>) target(%dma_start3A_19 : memref<2048xf32, #tpu.memory_space<vmem>>) target_semaphore(%arg11 : memref<!tpu.dma_semaphore, #tpu.memory_space<semaphore_mem>>)
    %add3A_23 = arith.constant 0 : i32
    %add3A_24 = arith.addi %mul3A_2, %add3A_23 : i32
    %dma_start3A_25 = arith.constant 1 : i32
    %dma_start3A_26 = arith.constant 0 : i32
    %dma_start3A_27 = tpu.memref_slice %arg8[%dma_start3A_25, %dma_start3A_26] : memref<4x2048xf32, #tpu.memory_space<vmem>> -> memref<1x2048xf32, #tpu.memory_space<vmem>>
    %dma_start3A_28 = tpu.memref_squeeze %dma_start3A_27 : memref<1x2048xf32, #tpu.memory_space<vmem>> -> memref<2048xf32, #tpu.memory_space<vmem>>
    %dma_start3A_29 = arith.constant 0 : i32
    %dma_start3A_30 = tpu.memref_slice %arg4[%add3A_24, %dma_start3A_29] : memref<64x2048xf32, #tpu.memory_space<hbm>> -> memref<1x2048xf32, #tpu.memory_space<hbm>>
    %dma_start3A_31 = tpu.memref_squeeze %dma_start3A_30 : memref<1x2048xf32, #tpu.memory_space<hbm>> -> memref<2048xf32, #tpu.memory_space<hbm>>
    %dma_start3A_32 = arith.constant 0 : i32
    %dma_start3A_33 = tpu.memref_slice %arg8[%dma_start3A_25, %dma_start3A_32] : memref<4x2048xf32, #tpu.memory_space<vmem>> -> memref<1x2048xf32, #tpu.memory_space<vmem>>
    %dma_start3A_34 = tpu.memref_squeeze %dma_start3A_33 : memref<1x2048xf32, #tpu.memory_space<vmem>> -> memref<2048xf32, #tpu.memory_space<vmem>>
    %dma_start3A_35 = arith.constant 0 : i32
    %dma_start3A_36 = tpu.memref_slice %arg4[%add3A_24, %dma_start3A_35] : memref<64x2048xf32, #tpu.memory_space<hbm>> -> memref<1x2048xf32, #tpu.memory_space<hbm>>
    %dma_start3A_37 = tpu.memref_squeeze %dma_start3A_36 : memref<1x2048xf32, #tpu.memory_space<hbm>> -> memref<2048xf32, #tpu.memory_space<hbm>>
    tpu.enqueue_dma source(%dma_start3A_37 : memref<2048xf32, #tpu.memory_space<hbm>>) target(%dma_start3A_34 : memref<2048xf32, #tpu.memory_space<vmem>>) target_semaphore(%arg11 : memref<!tpu.dma_semaphore, #tpu.memory_space<semaphore_mem>>)
    %add3A_38 = arith.constant 0 : i32
    %add3A_39 = arith.addi %mul3A_2, %add3A_38 : i32
    %dma_start3A_40 = arith.constant 2 : i32
    %dma_start3A_41 = arith.constant 0 : i32
    %dma_start3A_42 = tpu.memref_slice %arg8[%dma_start3A_40, %dma_start3A_41] : memref<4x2048xf32, #tpu.memory_space<vmem>> -> memref<1x2048xf32, #tpu.memory_space<vmem>>
    %dma_start3A_43 = tpu.memref_squeeze %dma_start3A_42 : memref<1x2048xf32, #tpu.memory_space<vmem>> -> memref<2048xf32, #tpu.memory_space<vmem>>
    %dma_start3A_44 = arith.constant 0 : i32
    %dma_start3A_45 = tpu.memref_slice %arg4[%add3A_39, %dma_start3A_44] : memref<64x2048xf32, #tpu.memory_space<hbm>> -> memref<1x2048xf32, #tpu.memory_space<hbm>>
    %dma_start3A_46 = tpu.memref_squeeze %dma_start3A_45 : memref<1x2048xf32, #tpu.memory_space<hbm>> -> memref<2048xf32, #tpu.memory_space<hbm>>
    %dma_start3A_47 = arith.constant 0 : i32
    %dma_start3A_48 = tpu.memref_slice %arg8[%dma_start3A_40, %dma_start3A_47] : memref<4x2048xf32, #tpu.memory_space<vmem>> -> memref<1x2048xf32, #tpu.memory_space<vmem>>
    %dma_start3A_49 = tpu.memref_squeeze %dma_start3A_48 : memref<1x2048xf32, #tpu.memory_space<vmem>> -> memref<2048xf32, #tpu.memory_space<vmem>>
    %dma_start3A_50 = arith.constant 0 : i32
    %dma_start3A_51 = tpu.memref_slice %arg4[%add3A_39, %dma_start3A_50] : memref<64x2048xf32, #tpu.memory_space<hbm>> -> memref<1x2048xf32, #tpu.memory_space<hbm>>
    %dma_start3A_52 = tpu.memref_squeeze %dma_start3A_51 : memref<1x2048xf32, #tpu.memory_space<hbm>> -> memref<2048xf32, #tpu.memory_space<hbm>>
    tpu.enqueue_dma source(%dma_start3A_52 : memref<2048xf32, #tpu.memory_space<hbm>>) target(%dma_start3A_49 : memref<2048xf32, #tpu.memory_space<vmem>>) target_semaphore(%arg11 : memref<!tpu.dma_semaphore, #tpu.memory_space<semaphore_mem>>)
    %add3A_53 = arith.constant 0 : i32
    %add3A_54 = arith.addi %mul3A_2, %add3A_53 : i32
    %dma_start3A_55 = arith.constant 3 : i32
    %dma_start3A_56 = arith.constant 0 : i32
    %dma_start3A_57 = tpu.memref_slice %arg8[%dma_start3A_55, %dma_start3A_56] : memref<4x2048xf32, #tpu.memory_space<vmem>> -> memref<1x2048xf32, #tpu.memory_space<vmem>>
    %dma_start3A_58 = tpu.memref_squeeze %dma_start3A_57 : memref<1x2048xf32, #tpu.memory_space<vmem>> -> memref<2048xf32, #tpu.memory_space<vmem>>
    %dma_start3A_59 = arith.constant 0 : i32
    %dma_start3A_60 = tpu.memref_slice %arg4[%add3A_54, %dma_start3A_59] : memref<64x2048xf32, #tpu.memory_space<hbm>> -> memref<1x2048xf32, #tpu.memory_space<hbm>>
    %dma_start3A_61 = tpu.memref_squeeze %dma_start3A_60 : memref<1x2048xf32, #tpu.memory_space<hbm>> -> memref<2048xf32, #tpu.memory_space<hbm>>
    %dma_start3A_62 = arith.constant 0 : i32
    %dma_start3A_63 = tpu.memref_slice %arg8[%dma_start3A_55, %dma_start3A_62] : memref<4x2048xf32, #tpu.memory_space<vmem>> -> memref<1x2048xf32, #tpu.memory_space<vmem>>
    %dma_start3A_64 = tpu.memref_squeeze %dma_start3A_63 : memref<1x2048xf32, #tpu.memory_space<vmem>> -> memref<2048xf32, #tpu.memory_space<vmem>>
    %dma_start3A_65 = arith.constant 0 : i32
    %dma_start3A_66 = tpu.memref_slice %arg4[%add3A_54, %dma_start3A_65] : memref<64x2048xf32, #tpu.memory_space<hbm>> -> memref<1x2048xf32, #tpu.memory_space<hbm>>
    %dma_start3A_67 = tpu.memref_squeeze %dma_start3A_66 : memref<1x2048xf32, #tpu.memory_space<hbm>> -> memref<2048xf32, #tpu.memory_space<hbm>>
    tpu.enqueue_dma source(%dma_start3A_67 : memref<2048xf32, #tpu.memory_space<hbm>>) target(%dma_start3A_64 : memref<2048xf32, #tpu.memory_space<vmem>>) target_semaphore(%arg11 : memref<!tpu.dma_semaphore, #tpu.memory_space<semaphore_mem>>)
    %add3A_68 = arith.constant 1 : i32
    %add3A_69 = arith.addi %mul3A_2, %add3A_68 : i32
    %dma_start3A_70 = arith.constant 0 : i32
    %dma_start3A_71 = arith.constant 0 : i32
    %dma_start3A_72 = tpu.memref_slice %arg9[%dma_start3A_70, %dma_start3A_71] : memref<4x2048xf32, #tpu.memory_space<vmem>> -> memref<1x2048xf32, #tpu.memory_space<vmem>>
    %dma_start3A_73 = tpu.memref_squeeze %dma_start3A_72 : memref<1x2048xf32, #tpu.memory_space<vmem>> -> memref<2048xf32, #tpu.memory_space<vmem>>
    %dma_start3A_74 = arith.constant 0 : i32
    %dma_start3A_75 = tpu.memref_slice %arg4[%add3A_69, %dma_start3A_74] : memref<64x2048xf32, #tpu.memory_space<hbm>> -> memref<1x2048xf32, #tpu.memory_space<hbm>>
    %dma_start3A_76 = tpu.memref_squeeze %dma_start3A_75 : memref<1x2048xf32, #tpu.memory_space<hbm>> -> memref<2048xf32, #tpu.memory_space<hbm>>
    %dma_start3A_77 = arith.constant 0 : i32
    %dma_start3A_78 = tpu.memref_slice %arg9[%dma_start3A_70, %dma_start3A_77] : memref<4x2048xf32, #tpu.memory_space<vmem>> -> memref<1x2048xf32, #tpu.memory_space<vmem>>
    %dma_start3A_79 = tpu.memref_squeeze %dma_start3A_78 : memref<1x2048xf32, #tpu.memory_space<vmem>> -> memref<2048xf32, #tpu.memory_space<vmem>>
    %dma_start3A_80 = arith.constant 0 : i32
    %dma_start3A_81 = tpu.memref_slice %arg4[%add3A_69, %dma_start3A_80] : memref<64x2048xf32, #tpu.memory_space<hbm>> -> memref<1x2048xf32, #tpu.memory_space<hbm>>
    %dma_start3A_82 = tpu.memref_squeeze %dma_start3A_81 : memref<1x2048xf32, #tpu.memory_space<hbm>> -> memref<2048xf32, #tpu.memory_space<hbm>>
    tpu.enqueue_dma source(%dma_start3A_82 : memref<2048xf32, #tpu.memory_space<hbm>>) target(%dma_start3A_79 : memref<2048xf32, #tpu.memory_space<vmem>>) target_semaphore(%arg11 : memref<!tpu.dma_semaphore, #tpu.memory_space<semaphore_mem>>)
    %add3A_83 = arith.constant 1 : i32
    %add3A_84 = arith.addi %mul3A_2, %add3A_83 : i32
    %dma_start3A_85 = arith.constant 1 : i32
    %dma_start3A_86 = arith.constant 0 : i32
    %dma_start3A_87 = tpu.memref_slice %arg9[%dma_start3A_85, %dma_start3A_86] : memref<4x2048xf32, #tpu.memory_space<vmem>> -> memref<1x2048xf32, #tpu.memory_space<vmem>>
    %dma_start3A_88 = tpu.memref_squeeze %dma_start3A_87 : memref<1x2048xf32, #tpu.memory_space<vmem>> -> memref<2048xf32, #tpu.memory_space<vmem>>
    %dma_start3A_89 = arith.constant 0 : i32
    %dma_start3A_90 = tpu.memref_slice %arg4[%add3A_84, %dma_start3A_89] : memref<64x2048xf32, #tpu.memory_space<hbm>> -> memref<1x2048xf32, #tpu.memory_space<hbm>>
    %dma_start3A_91 = tpu.memref_squeeze %dma_start3A_90 : memref<1x2048xf32, #tpu.memory_space<hbm>> -> memref<2048xf32, #tpu.memory_space<hbm>>
    %dma_start3A_92 = arith.constant 0 : i32
    %dma_start3A_93 = tpu.memref_slice %arg9[%dma_start3A_85, %dma_start3A_92] : memref<4x2048xf32, #tpu.memory_space<vmem>> -> memref<1x2048xf32, #tpu.memory_space<vmem>>
    %dma_start3A_94 = tpu.memref_squeeze %dma_start3A_93 : memref<1x2048xf32, #tpu.memory_space<vmem>> -> memref<2048xf32, #tpu.memory_space<vmem>>
    %dma_start3A_95 = arith.constant 0 : i32
    %dma_start3A_96 = tpu.memref_slice %arg4[%add3A_84, %dma_start3A_95] : memref<64x2048xf32, #tpu.memory_space<hbm>> -> memref<1x2048xf32, #tpu.memory_space<hbm>>
    %dma_start3A_97 = tpu.memref_squeeze %dma_start3A_96 : memref<1x2048xf32, #tpu.memory_space<hbm>> -> memref<2048xf32, #tpu.memory_space<hbm>>
    tpu.enqueue_dma source(%dma_start3A_97 : memref<2048xf32, #tpu.memory_space<hbm>>) target(%dma_start3A_94 : memref<2048xf32, #tpu.memory_space<vmem>>) target_semaphore(%arg11 : memref<!tpu.dma_semaphore, #tpu.memory_space<semaphore_mem>>)
    %add3A_98 = arith.constant 1 : i32
    %add3A_99 = arith.addi %mul3A_2, %add3A_98 : i32
    %dma_start3A_100 = arith.constant 2 : i32
    %dma_start3A_101 = arith.constant 0 : i32
    %dma_start3A_102 = tpu.memref_slice %arg9[%dma_start3A_100, %dma_start3A_101] : memref<4x2048xf32, #tpu.memory_space<vmem>> -> memref<1x2048xf32, #tpu.memory_space<vmem>>
    %dma_start3A_103 = tpu.memref_squeeze %dma_start3A_102 : memref<1x2048xf32, #tpu.memory_space<vmem>> -> memref<2048xf32, #tpu.memory_space<vmem>>
    %dma_start3A_104 = arith.constant 0 : i32
    %dma_start3A_105 = tpu.memref_slice %arg4[%add3A_99, %dma_start3A_104] : memref<64x2048xf32, #tpu.memory_space<hbm>> -> memref<1x2048xf32, #tpu.memory_space<hbm>>
    %dma_start3A_106 = tpu.memref_squeeze %dma_start3A_105 : memref<1x2048xf32, #tpu.memory_space<hbm>> -> memref<2048xf32, #tpu.memory_space<hbm>>
    %dma_start3A_107 = arith.constant 0 : i32
    %dma_start3A_108 = tpu.memref_slice %arg9[%dma_start3A_100, %dma_start3A_107] : memref<4x2048xf32, #tpu.memory_space<vmem>> -> memref<1x2048xf32, #tpu.memory_space<vmem>>
    %dma_start3A_109 = tpu.memref_squeeze %dma_start3A_108 : memref<1x2048xf32, #tpu.memory_space<vmem>> -> memref<2048xf32, #tpu.memory_space<vmem>>
    %dma_start3A_110 = arith.constant 0 : i32
    %dma_start3A_111 = tpu.memref_slice %arg4[%add3A_99, %dma_start3A_110] : memref<64x2048xf32, #tpu.memory_space<hbm>> -> memref<1x2048xf32, #tpu.memory_space<hbm>>
    %dma_start3A_112 = tpu.memref_squeeze %dma_start3A_111 : memref<1x2048xf32, #tpu.memory_space<hbm>> -> memref<2048xf32, #tpu.memory_space<hbm>>
    tpu.enqueue_dma source(%dma_start3A_112 : memref<2048xf32, #tpu.memory_space<hbm>>) target(%dma_start3A_109 : memref<2048xf32, #tpu.memory_space<vmem>>) target_semaphore(%arg11 : memref<!tpu.dma_semaphore, #tpu.memory_space<semaphore_mem>>)
    %add3A_113 = arith.constant 1 : i32
    %add3A_114 = arith.addi %mul3A_2, %add3A_113 : i32
    %dma_start3A_115 = arith.constant 3 : i32
    %dma_start3A_116 = arith.constant 0 : i32
    %dma_start3A_117 = tpu.memref_slice %arg9[%dma_start3A_115, %dma_start3A_116] : memref<4x2048xf32, #tpu.memory_space<vmem>> -> memref<1x2048xf32, #tpu.memory_space<vmem>>
    %dma_start3A_118 = tpu.memref_squeeze %dma_start3A_117 : memref<1x2048xf32, #tpu.memory_space<vmem>> -> memref<2048xf32, #tpu.memory_space<vmem>>
    %dma_start3A_119 = arith.constant 0 : i32
    %dma_start3A_120 = tpu.memref_slice %arg4[%add3A_114, %dma_start3A_119] : memref<64x2048xf32, #tpu.memory_space<hbm>> -> memref<1x2048xf32, #tpu.memory_space<hbm>>
    %dma_start3A_121 = tpu.memref_squeeze %dma_start3A_120 : memref<1x2048xf32, #tpu.memory_space<hbm>> -> memref<2048xf32, #tpu.memory_space<hbm>>
    %dma_start3A_122 = arith.constant 0 : i32
    %dma_start3A_123 = tpu.memref_slice %arg9[%dma_start3A_115, %dma_start3A_122] : memref<4x2048xf32, #tpu.memory_space<vmem>> -> memref<1x2048xf32, #tpu.memory_space<vmem>>
    %dma_start3A_124 = tpu.memref_squeeze %dma_start3A_123 : memref<1x2048xf32, #tpu.memory_space<vmem>> -> memref<2048xf32, #tpu.memory_space<vmem>>
    %dma_start3A_125 = arith.constant 0 : i32
    %dma_start3A_126 = tpu.memref_slice %arg4[%add3A_114, %dma_start3A_125] : memref<64x2048xf32, #tpu.memory_space<hbm>> -> memref<1x2048xf32, #tpu.memory_space<hbm>>
    %dma_start3A_127 = tpu.memref_squeeze %dma_start3A_126 : memref<1x2048xf32, #tpu.memory_space<hbm>> -> memref<2048xf32, #tpu.memory_space<hbm>>
    tpu.enqueue_dma source(%dma_start3A_127 : memref<2048xf32, #tpu.memory_space<hbm>>) target(%dma_start3A_124 : memref<2048xf32, #tpu.memory_space<vmem>>) target_semaphore(%arg11 : memref<!tpu.dma_semaphore, #tpu.memory_space<semaphore_mem>>)
    %dma_wait3A = arith.constant 0 : i32
    %dma_wait3A_128 = tpu.memref_slice %arg3[%mul3A_2, %dma_wait3A] : memref<64x100000xf32, #tpu.memory_space<hbm>> -> memref<1x100000xf32, #tpu.memory_space<hbm>>
    %dma_wait3A_129 = tpu.memref_squeeze %dma_wait3A_128 : memref<1x100000xf32, #tpu.memory_space<hbm>> -> memref<100000xf32, #tpu.memory_space<hbm>>
    %dma_wait3A_130 = arith.constant 0 : i32
    %dma_wait3A_131 = tpu.memref_slice %arg3[%mul3A_2, %dma_wait3A_130] : memref<64x100000xf32, #tpu.memory_space<hbm>> -> memref<1x100000xf32, #tpu.memory_space<hbm>>
    %dma_wait3A_132 = tpu.memref_squeeze %dma_wait3A_131 : memref<1x100000xf32, #tpu.memory_space<hbm>> -> memref<100000xf32, #tpu.memory_space<hbm>>
    tpu.wait_dma2 semaphore(%arg10 : memref<!tpu.dma_semaphore, #tpu.memory_space<semaphore_mem>>) src(%dma_wait3A_132 : memref<100000xf32, #tpu.memory_space<hbm>>) dst(%arg7 : memref<100000xf32, #tpu.memory_space<vmem>>)
    %dma_wait3A_133 = arith.constant 0 : i32
    %dma_wait3A_134 = arith.constant 0 : i32
    %dma_wait3A_135 = tpu.memref_slice %arg8[%dma_wait3A_133, %dma_wait3A_134] : memref<4x2048xf32, #tpu.memory_space<vmem>> -> memref<1x2048xf32, #tpu.memory_space<vmem>>
    %dma_wait3A_136 = tpu.memref_squeeze %dma_wait3A_135 : memref<1x2048xf32, #tpu.memory_space<vmem>> -> memref<2048xf32, #tpu.memory_space<vmem>>
    %dma_wait3A_137 = arith.constant 0 : i32
    %dma_wait3A_138 = tpu.memref_slice %arg4[%add3A_9, %dma_wait3A_137] : memref<64x2048xf32, #tpu.memory_space<hbm>> -> memref<1x2048xf32, #tpu.memory_space<hbm>>
    %dma_wait3A_139 = tpu.memref_squeeze %dma_wait3A_138 : memref<1x2048xf32, #tpu.memory_space<hbm>> -> memref<2048xf32, #tpu.memory_space<hbm>>
    %dma_wait3A_140 = arith.constant 0 : i32
    %dma_wait3A_141 = tpu.memref_slice %arg8[%dma_wait3A_133, %dma_wait3A_140] : memref<4x2048xf32, #tpu.memory_space<vmem>> -> memref<1x2048xf32, #tpu.memory_space<vmem>>
    %dma_wait3A_142 = tpu.memref_squeeze %dma_wait3A_141 : memref<1x2048xf32, #tpu.memory_space<vmem>> -> memref<2048xf32, #tpu.memory_space<vmem>>
    %dma_wait3A_143 = arith.constant 0 : i32
    %dma_wait3A_144 = tpu.memref_slice %arg4[%add3A_9, %dma_wait3A_143] : memref<64x2048xf32, #tpu.memory_space<hbm>> -> memref<1x2048xf32, #tpu.memory_space<hbm>>
    %dma_wait3A_145 = tpu.memref_squeeze %dma_wait3A_144 : memref<1x2048xf32, #tpu.memory_space<hbm>> -> memref<2048xf32, #tpu.memory_space<hbm>>
    tpu.wait_dma2 semaphore(%arg11 : memref<!tpu.dma_semaphore, #tpu.memory_space<semaphore_mem>>) src(%dma_wait3A_145 : memref<2048xf32, #tpu.memory_space<hbm>>) dst(%dma_wait3A_142 : memref<2048xf32, #tpu.memory_space<vmem>>)
    %dma_wait3A_146 = arith.constant 1 : i32
    %dma_wait3A_147 = arith.constant 0 : i32
    %dma_wait3A_148 = tpu.memref_slice %arg8[%dma_wait3A_146, %dma_wait3A_147] : memref<4x2048xf32, #tpu.memory_space<vmem>> -> memref<1x2048xf32, #tpu.memory_space<vmem>>
    %dma_wait3A_149 = tpu.memref_squeeze %dma_wait3A_148 : memref<1x2048xf32, #tpu.memory_space<vmem>> -> memref<2048xf32, #tpu.memory_space<vmem>>
    %dma_wait3A_150 = arith.constant 0 : i32
    %dma_wait3A_151 = tpu.memref_slice %arg4[%add3A_24, %dma_wait3A_150] : memref<64x2048xf32, #tpu.memory_space<hbm>> -> memref<1x2048xf32, #tpu.memory_space<hbm>>
    %dma_wait3A_152 = tpu.memref_squeeze %dma_wait3A_151 : memref<1x2048xf32, #tpu.memory_space<hbm>> -> memref<2048xf32, #tpu.memory_space<hbm>>
    %dma_wait3A_153 = arith.constant 0 : i32
    %dma_wait3A_154 = tpu.memref_slice %arg8[%dma_wait3A_146, %dma_wait3A_153] : memref<4x2048xf32, #tpu.memory_space<vmem>> -> memref<1x2048xf32, #tpu.memory_space<vmem>>
    %dma_wait3A_155 = tpu.memref_squeeze %dma_wait3A_154 : memref<1x2048xf32, #tpu.memory_space<vmem>> -> memref<2048xf32, #tpu.memory_space<vmem>>
    %dma_wait3A_156 = arith.constant 0 : i32
    %dma_wait3A_157 = tpu.memref_slice %arg4[%add3A_24, %dma_wait3A_156] : memref<64x2048xf32, #tpu.memory_space<hbm>> -> memref<1x2048xf32, #tpu.memory_space<hbm>>
    %dma_wait3A_158 = tpu.memref_squeeze %dma_wait3A_157 : memref<1x2048xf32, #tpu.memory_space<hbm>> -> memref<2048xf32, #tpu.memory_space<hbm>>
    tpu.wait_dma2 semaphore(%arg11 : memref<!tpu.dma_semaphore, #tpu.memory_space<semaphore_mem>>) src(%dma_wait3A_158 : memref<2048xf32, #tpu.memory_space<hbm>>) dst(%dma_wait3A_155 : memref<2048xf32, #tpu.memory_space<vmem>>)
    %dma_wait3A_159 = arith.constant 2 : i32
    %dma_wait3A_160 = arith.constant 0 : i32
    %dma_wait3A_161 = tpu.memref_slice %arg8[%dma_wait3A_159, %dma_wait3A_160] : memref<4x2048xf32, #tpu.memory_space<vmem>> -> memref<1x2048xf32, #tpu.memory_space<vmem>>
    %dma_wait3A_162 = tpu.memref_squeeze %dma_wait3A_161 : memref<1x2048xf32, #tpu.memory_space<vmem>> -> memref<2048xf32, #tpu.memory_space<vmem>>
    %dma_wait3A_163 = arith.constant 0 : i32
    %dma_wait3A_164 = tpu.memref_slice %arg4[%add3A_39, %dma_wait3A_163] : memref<64x2048xf32, #tpu.memory_space<hbm>> -> memref<1x2048xf32, #tpu.memory_space<hbm>>
    %dma_wait3A_165 = tpu.memref_squeeze %dma_wait3A_164 : memref<1x2048xf32, #tpu.memory_space<hbm>> -> memref<2048xf32, #tpu.memory_space<hbm>>
    %dma_wait3A_166 = arith.constant 0 : i32
    %dma_wait3A_167 = tpu.memref_slice %arg8[%dma_wait3A_159, %dma_wait3A_166] : memref<4x2048xf32, #tpu.memory_space<vmem>> -> memref<1x2048xf32, #tpu.memory_space<vmem>>
    %dma_wait3A_168 = tpu.memref_squeeze %dma_wait3A_167 : memref<1x2048xf32, #tpu.memory_space<vmem>> -> memref<2048xf32, #tpu.memory_space<vmem>>
    %dma_wait3A_169 = arith.constant 0 : i32
    %dma_wait3A_170 = tpu.memref_slice %arg4[%add3A_39, %dma_wait3A_169] : memref<64x2048xf32, #tpu.memory_space<hbm>> -> memref<1x2048xf32, #tpu.memory_space<hbm>>
    %dma_wait3A_171 = tpu.memref_squeeze %dma_wait3A_170 : memref<1x2048xf32, #tpu.memory_space<hbm>> -> memref<2048xf32, #tpu.memory_space<hbm>>
    tpu.wait_dma2 semaphore(%arg11 : memref<!tpu.dma_semaphore, #tpu.memory_space<semaphore_mem>>) src(%dma_wait3A_171 : memref<2048xf32, #tpu.memory_space<hbm>>) dst(%dma_wait3A_168 : memref<2048xf32, #tpu.memory_space<vmem>>)
    %dma_wait3A_172 = arith.constant 3 : i32
    %dma_wait3A_173 = arith.constant 0 : i32
    %dma_wait3A_174 = tpu.memref_slice %arg8[%dma_wait3A_172, %dma_wait3A_173] : memref<4x2048xf32, #tpu.memory_space<vmem>> -> memref<1x2048xf32, #tpu.memory_space<vmem>>
    %dma_wait3A_175 = tpu.memref_squeeze %dma_wait3A_174 : memref<1x2048xf32, #tpu.memory_space<vmem>> -> memref<2048xf32, #tpu.memory_space<vmem>>
    %dma_wait3A_176 = arith.constant 0 : i32
    %dma_wait3A_177 = tpu.memref_slice %arg4[%add3A_54, %dma_wait3A_176] : memref<64x2048xf32, #tpu.memory_space<hbm>> -> memref<1x2048xf32, #tpu.memory_space<hbm>>
    %dma_wait3A_178 = tpu.memref_squeeze %dma_wait3A_177 : memref<1x2048xf32, #tpu.memory_space<hbm>> -> memref<2048xf32, #tpu.memory_space<hbm>>
    %dma_wait3A_179 = arith.constant 0 : i32
    %dma_wait3A_180 = tpu.memref_slice %arg8[%dma_wait3A_172, %dma_wait3A_179] : memref<4x2048xf32, #tpu.memory_space<vmem>> -> memref<1x2048xf32, #tpu.memory_space<vmem>>
    %dma_wait3A_181 = tpu.memref_squeeze %dma_wait3A_180 : memref<1x2048xf32, #tpu.memory_space<vmem>> -> memref<2048xf32, #tpu.memory_space<vmem>>
    %dma_wait3A_182 = arith.constant 0 : i32
    %dma_wait3A_183 = tpu.memref_slice %arg4[%add3A_54, %dma_wait3A_182] : memref<64x2048xf32, #tpu.memory_space<hbm>> -> memref<1x2048xf32, #tpu.memory_space<hbm>>
    %dma_wait3A_184 = tpu.memref_squeeze %dma_wait3A_183 : memref<1x2048xf32, #tpu.memory_space<hbm>> -> memref<2048xf32, #tpu.memory_space<hbm>>
    tpu.wait_dma2 semaphore(%arg11 : memref<!tpu.dma_semaphore, #tpu.memory_space<semaphore_mem>>) src(%dma_wait3A_184 : memref<2048xf32, #tpu.memory_space<hbm>>) dst(%dma_wait3A_181 : memref<2048xf32, #tpu.memory_space<vmem>>)
    %dma_wait3A_185 = arith.constant 0 : i32
    %dma_wait3A_186 = arith.constant 0 : i32
    %dma_wait3A_187 = tpu.memref_slice %arg9[%dma_wait3A_185, %dma_wait3A_186] : memref<4x2048xf32, #tpu.memory_space<vmem>> -> memref<1x2048xf32, #tpu.memory_space<vmem>>
    %dma_wait3A_188 = tpu.memref_squeeze %dma_wait3A_187 : memref<1x2048xf32, #tpu.memory_space<vmem>> -> memref<2048xf32, #tpu.memory_space<vmem>>
    %dma_wait3A_189 = arith.constant 0 : i32
    %dma_wait3A_190 = tpu.memref_slice %arg4[%add3A_69, %dma_wait3A_189] : memref<64x2048xf32, #tpu.memory_space<hbm>> -> memref<1x2048xf32, #tpu.memory_space<hbm>>
    %dma_wait3A_191 = tpu.memref_squeeze %dma_wait3A_190 : memref<1x2048xf32, #tpu.memory_space<hbm>> -> memref<2048xf32, #tpu.memory_space<hbm>>
    %dma_wait3A_192 = arith.constant 0 : i32
    %dma_wait3A_193 = tpu.memref_slice %arg9[%dma_wait3A_185, %dma_wait3A_192] : memref<4x2048xf32, #tpu.memory_space<vmem>> -> memref<1x2048xf32, #tpu.memory_space<vmem>>
    %dma_wait3A_194 = tpu.memref_squeeze %dma_wait3A_193 : memref<1x2048xf32, #tpu.memory_space<vmem>> -> memref<2048xf32, #tpu.memory_space<vmem>>
    %dma_wait3A_195 = arith.constant 0 : i32
    %dma_wait3A_196 = tpu.memref_slice %arg4[%add3A_69, %dma_wait3A_195] : memref<64x2048xf32, #tpu.memory_space<hbm>> -> memref<1x2048xf32, #tpu.memory_space<hbm>>
    %dma_wait3A_197 = tpu.memref_squeeze %dma_wait3A_196 : memref<1x2048xf32, #tpu.memory_space<hbm>> -> memref<2048xf32, #tpu.memory_space<hbm>>
    tpu.wait_dma2 semaphore(%arg11 : memref<!tpu.dma_semaphore, #tpu.memory_space<semaphore_mem>>) src(%dma_wait3A_197 : memref<2048xf32, #tpu.memory_space<hbm>>) dst(%dma_wait3A_194 : memref<2048xf32, #tpu.memory_space<vmem>>)
    %dma_wait3A_198 = arith.constant 1 : i32
    %dma_wait3A_199 = arith.constant 0 : i32
    %dma_wait3A_200 = tpu.memref_slice %arg9[%dma_wait3A_198, %dma_wait3A_199] : memref<4x2048xf32, #tpu.memory_space<vmem>> -> memref<1x2048xf32, #tpu.memory_space<vmem>>
    %dma_wait3A_201 = tpu.memref_squeeze %dma_wait3A_200 : memref<1x2048xf32, #tpu.memory_space<vmem>> -> memref<2048xf32, #tpu.memory_space<vmem>>
    %dma_wait3A_202 = arith.constant 0 : i32
    %dma_wait3A_203 = tpu.memref_slice %arg4[%add3A_84, %dma_wait3A_202] : memref<64x2048xf32, #tpu.memory_space<hbm>> -> memref<1x2048xf32, #tpu.memory_space<hbm>>
    %dma_wait3A_204 = tpu.memref_squeeze %dma_wait3A_203 : memref<1x2048xf32, #tpu.memory_space<hbm>> -> memref<2048xf32, #tpu.memory_space<hbm>>
    %dma_wait3A_205 = arith.constant 0 : i32
    %dma_wait3A_206 = tpu.memref_slice %arg9[%dma_wait3A_198, %dma_wait3A_205] : memref<4x2048xf32, #tpu.memory_space<vmem>> -> memref<1x2048xf32, #tpu.memory_space<vmem>>
    %dma_wait3A_207 = tpu.memref_squeeze %dma_wait3A_206 : memref<1x2048xf32, #tpu.memory_space<vmem>> -> memref<2048xf32, #tpu.memory_space<vmem>>
    %dma_wait3A_208 = arith.constant 0 : i32
    %dma_wait3A_209 = tpu.memref_slice %arg4[%add3A_84, %dma_wait3A_208] : memref<64x2048xf32, #tpu.memory_space<hbm>> -> memref<1x2048xf32, #tpu.memory_space<hbm>>
    %dma_wait3A_210 = tpu.memref_squeeze %dma_wait3A_209 : memref<1x2048xf32, #tpu.memory_space<hbm>> -> memref<2048xf32, #tpu.memory_space<hbm>>
    tpu.wait_dma2 semaphore(%arg11 : memref<!tpu.dma_semaphore, #tpu.memory_space<semaphore_mem>>) src(%dma_wait3A_210 : memref<2048xf32, #tpu.memory_space<hbm>>) dst(%dma_wait3A_207 : memref<2048xf32, #tpu.memory_space<vmem>>)
    %dma_wait3A_211 = arith.constant 2 : i32
    %dma_wait3A_212 = arith.constant 0 : i32
    %dma_wait3A_213 = tpu.memref_slice %arg9[%dma_wait3A_211, %dma_wait3A_212] : memref<4x2048xf32, #tpu.memory_space<vmem>> -> memref<1x2048xf32, #tpu.memory_space<vmem>>
    %dma_wait3A_214 = tpu.memref_squeeze %dma_wait3A_213 : memref<1x2048xf32, #tpu.memory_space<vmem>> -> memref<2048xf32, #tpu.memory_space<vmem>>
    %dma_wait3A_215 = arith.constant 0 : i32
    %dma_wait3A_216 = tpu.memref_slice %arg4[%add3A_99, %dma_wait3A_215] : memref<64x2048xf32, #tpu.memory_space<hbm>> -> memref<1x2048xf32, #tpu.memory_space<hbm>>
    %dma_wait3A_217 = tpu.memref_squeeze %dma_wait3A_216 : memref<1x2048xf32, #tpu.memory_space<hbm>> -> memref<2048xf32, #tpu.memory_space<hbm>>
    %dma_wait3A_218 = arith.constant 0 : i32
    %dma_wait3A_219 = tpu.memref_slice %arg9[%dma_wait3A_211, %dma_wait3A_218] : memref<4x2048xf32, #tpu.memory_space<vmem>> -> memref<1x2048xf32, #tpu.memory_space<vmem>>
    %dma_wait3A_220 = tpu.memref_squeeze %dma_wait3A_219 : memref<1x2048xf32, #tpu.memory_space<vmem>> -> memref<2048xf32, #tpu.memory_space<vmem>>
    %dma_wait3A_221 = arith.constant 0 : i32
    %dma_wait3A_222 = tpu.memref_slice %arg4[%add3A_99, %dma_wait3A_221] : memref<64x2048xf32, #tpu.memory_space<hbm>> -> memref<1x2048xf32, #tpu.memory_space<hbm>>
    %dma_wait3A_223 = tpu.memref_squeeze %dma_wait3A_222 : memref<1x2048xf32, #tpu.memory_space<hbm>> -> memref<2048xf32, #tpu.memory_space<hbm>>
    tpu.wait_dma2 semaphore(%arg11 : memref<!tpu.dma_semaphore, #tpu.memory_space<semaphore_mem>>) src(%dma_wait3A_223 : memref<2048xf32, #tpu.memory_space<hbm>>) dst(%dma_wait3A_220 : memref<2048xf32, #tpu.memory_space<vmem>>)
    %dma_wait3A_224 = arith.constant 3 : i32
    %dma_wait3A_225 = arith.constant 0 : i32
    %dma_wait3A_226 = tpu.memref_slice %arg9[%dma_wait3A_224, %dma_wait3A_225] : memref<4x2048xf32, #tpu.memory_space<vmem>> -> memref<1x2048xf32, #tpu.memory_space<vmem>>
    %dma_wait3A_227 = tpu.memref_squeeze %dma_wait3A_226 : memref<1x2048xf32, #tpu.memory_space<vmem>> -> memref<2048xf32, #tpu.memory_space<vmem>>
    %dma_wait3A_228 = arith.constant 0 : i32
    %dma_wait3A_229 = tpu.memref_slice %arg4[%add3A_114, %dma_wait3A_228] : memref<64x2048xf32, #tpu.memory_space<hbm>> -> memref<1x2048xf32, #tpu.memory_space<hbm>>
    %dma_wait3A_230 = tpu.memref_squeeze %dma_wait3A_229 : memref<1x2048xf32, #tpu.memory_space<hbm>> -> memref<2048xf32, #tpu.memory_space<hbm>>
    %dma_wait3A_231 = arith.constant 0 : i32
    %dma_wait3A_232 = tpu.memref_slice %arg9[%dma_wait3A_224, %dma_wait3A_231] : memref<4x2048xf32, #tpu.memory_space<vmem>> -> memref<1x2048xf32, #tpu.memory_space<vmem>>
    %dma_wait3A_233 = tpu.memref_squeeze %dma_wait3A_232 : memref<1x2048xf32, #tpu.memory_space<vmem>> -> memref<2048xf32, #tpu.memory_space<vmem>>
    %dma_wait3A_234 = arith.constant 0 : i32
    %dma_wait3A_235 = tpu.memref_slice %arg4[%add3A_114, %dma_wait3A_234] : memref<64x2048xf32, #tpu.memory_space<hbm>> -> memref<1x2048xf32, #tpu.memory_space<hbm>>
    %dma_wait3A_236 = tpu.memref_squeeze %dma_wait3A_235 : memref<1x2048xf32, #tpu.memory_space<hbm>> -> memref<2048xf32, #tpu.memory_space<hbm>>
    tpu.wait_dma2 semaphore(%arg11 : memref<!tpu.dma_semaphore, #tpu.memory_space<semaphore_mem>>) src(%dma_wait3A_236 : memref<2048xf32, #tpu.memory_space<hbm>>) dst(%dma_wait3A_233 : memref<2048xf32, #tpu.memory_space<vmem>>)
    %parallel_loop3A = arith.constant 0 : i32
    %parallel_loop3A_237 = arith.constant 16 : i32
    %parallel_loop3A_238 = arith.constant 1 : i32
    scf.for %parallel_loop3A_295 = %parallel_loop3A to %parallel_loop3A_237 step %parallel_loop3A_238  : i32 {
      %parallel_loop3A_296 = arith.constant 4 : i32
      %parallel_loop3A_297 = arith.muli %parallel_loop3A_295, %parallel_loop3A_296 : i32
      %parallel_loop3A_298 = arith.constant 0 : i32
      %parallel_loop3A_299 = arith.addi %parallel_loop3A_297, %parallel_loop3A_298 : i32
      %parallel_loop3A_300 = arith.index_cast %parallel_loop3A_299 : i32 to index
      %parallel_loop3A_301 = arith.constant 0 : index
      %parallel_loop3A_302 = tpu.vector_load %arg6[%parallel_loop3A_300, %parallel_loop3A_301] {strides = array<i32>} : memref<64x128xi32, #tpu.memory_space<vmem>>, vector<16xi32>,
      %parallel_loop3A_303 = tpu.vector_load_idx %arg7[%parallel_loop3A_302] : memref<100000xf32, #tpu.memory_space<vmem>>[vector<16xi32>], vector<16xf32>,
      %parallel_loop3A_304 = arith.constant 128 : i32
      %parallel_loop3A_305 = arith.muli %parallel_loop3A_295, %parallel_loop3A_304 : i32
      %parallel_loop3A_306 = arith.constant 0 : i32
      %parallel_loop3A_307 = arith.addi %parallel_loop3A_305, %parallel_loop3A_306 : i32
      %parallel_loop3A_308 = arith.constant 0 : i32
      %parallel_loop3A_309 = arith.index_cast %parallel_loop3A_308 : i32 to index
      %parallel_loop3A_310 = arith.index_cast %parallel_loop3A_307 : i32 to index
      %parallel_loop3A_311 = tpu.vector_load %arg8[%parallel_loop3A_309, %parallel_loop3A_310] {strides = array<i32>} : memref<4x2048xf32, #tpu.memory_space<vmem>>, vector<16xf32>,
      tpu.vector_store %arg8[%parallel_loop3A_309, %parallel_loop3A_310], %parallel_loop3A_303 {add = true, strides = array<i32>} : memref<4x2048xf32, #tpu.memory_space<vmem>>, vector<16xf32>,
      %parallel_loop3A_312 = arith.constant 4 : i32
      %parallel_loop3A_313 = arith.muli %parallel_loop3A_295, %parallel_loop3A_312 : i32
      %parallel_loop3A_314 = arith.constant 0 : i32
      %parallel_loop3A_315 = arith.addi %parallel_loop3A_313, %parallel_loop3A_314 : i32
      %parallel_loop3A_316 = arith.index_cast %parallel_loop3A_315 : i32 to index
      %parallel_loop3A_317 = arith.constant 16 : index
      %parallel_loop3A_318 = tpu.vector_load %arg6[%parallel_loop3A_316, %parallel_loop3A_317] {strides = array<i32>} : memref<64x128xi32, #tpu.memory_space<vmem>>, vector<16xi32>,
      %parallel_loop3A_319 = tpu.vector_load_idx %arg7[%parallel_loop3A_318] : memref<100000xf32, #tpu.memory_space<vmem>>[vector<16xi32>], vector<16xf32>,
      %parallel_loop3A_320 = arith.constant 128 : i32
      %parallel_loop3A_321 = arith.muli %parallel_loop3A_295, %parallel_loop3A_320 : i32
      %parallel_loop3A_322 = arith.constant 16 : i32
      %parallel_loop3A_323 = arith.addi %parallel_loop3A_321, %parallel_loop3A_322 : i32
      %parallel_loop3A_324 = arith.constant 0 : i32
      %parallel_loop3A_325 = arith.index_cast %parallel_loop3A_324 : i32 to index
      %parallel_loop3A_326 = arith.index_cast %parallel_loop3A_323 : i32 to index
      %parallel_loop3A_327 = tpu.vector_load %arg8[%parallel_loop3A_325, %parallel_loop3A_326] {strides = array<i32>} : memref<4x2048xf32, #tpu.memory_space<vmem>>, vector<16xf32>,
      tpu.vector_store %arg8[%parallel_loop3A_325, %parallel_loop3A_326], %parallel_loop3A_319 {add = true, strides = array<i32>} : memref<4x2048xf32, #tpu.memory_space<vmem>>, vector<16xf32>,
      %parallel_loop3A_328 = arith.constant 4 : i32
      %parallel_loop3A_329 = arith.muli %parallel_loop3A_295, %parallel_loop3A_328 : i32
      %parallel_loop3A_330 = arith.constant 0 : i32
      %parallel_loop3A_331 = arith.addi %parallel_loop3A_329, %parallel_loop3A_330 : i32
      %parallel_loop3A_332 = arith.index_cast %parallel_loop3A_331 : i32 to index
      %parallel_loop3A_333 = arith.constant 32 : index
      %parallel_loop3A_334 = tpu.vector_load %arg6[%parallel_loop3A_332, %parallel_loop3A_333] {strides = array<i32>} : memref<64x128xi32, #tpu.memory_space<vmem>>, vector<16xi32>,
      %parallel_loop3A_335 = tpu.vector_load_idx %arg7[%parallel_loop3A_334] : memref<100000xf32, #tpu.memory_space<vmem>>[vector<16xi32>], vector<16xf32>,
      %parallel_loop3A_336 = arith.constant 128 : i32
      %parallel_loop3A_337 = arith.muli %parallel_loop3A_295, %parallel_loop3A_336 : i32
      %parallel_loop3A_338 = arith.constant 32 : i32
      %parallel_loop3A_339 = arith.addi %parallel_loop3A_337, %parallel_loop3A_338 : i32
      %parallel_loop3A_340 = arith.constant 0 : i32
      %parallel_loop3A_341 = arith.index_cast %parallel_loop3A_340 : i32 to index
      %parallel_loop3A_342 = arith.index_cast %parallel_loop3A_339 : i32 to index
      %parallel_loop3A_343 = tpu.vector_load %arg8[%parallel_loop3A_341, %parallel_loop3A_342] {strides = array<i32>} : memref<4x2048xf32, #tpu.memory_space<vmem>>, vector<16xf32>,
      tpu.vector_store %arg8[%parallel_loop3A_341, %parallel_loop3A_342], %parallel_loop3A_335 {add = true, strides = array<i32>} : memref<4x2048xf32, #tpu.memory_space<vmem>>, vector<16xf32>,
      %parallel_loop3A_344 = arith.constant 4 : i32
      %parallel_loop3A_345 = arith.muli %parallel_loop3A_295, %parallel_loop3A_344 : i32
      %parallel_loop3A_346 = arith.constant 0 : i32
      %parallel_loop3A_347 = arith.addi %parallel_loop3A_345, %parallel_loop3A_346 : i32
      %parallel_loop3A_348 = arith.index_cast %parallel_loop3A_347 : i32 to index
      %parallel_loop3A_349 = arith.constant 48 : index
      %parallel_loop3A_350 = tpu.vector_load %arg6[%parallel_loop3A_348, %parallel_loop3A_349] {strides = array<i32>} : memref<64x128xi32, #tpu.memory_space<vmem>>, vector<16xi32>,
      %parallel_loop3A_351 = tpu.vector_load_idx %arg7[%parallel_loop3A_350] : memref<100000xf32, #tpu.memory_space<vmem>>[vector<16xi32>], vector<16xf32>,
      %parallel_loop3A_352 = arith.constant 128 : i32
      %parallel_loop3A_353 = arith.muli %parallel_loop3A_295, %parallel_loop3A_352 : i32
      %parallel_loop3A_354 = arith.constant 48 : i32
      %parallel_loop3A_355 = arith.addi %parallel_loop3A_353, %parallel_loop3A_354 : i32
      %parallel_loop3A_356 = arith.constant 0 : i32
      %parallel_loop3A_357 = arith.index_cast %parallel_loop3A_356 : i32 to index
      %parallel_loop3A_358 = arith.index_cast %parallel_loop3A_355 : i32 to index
      %parallel_loop3A_359 = tpu.vector_load %arg8[%parallel_loop3A_357, %parallel_loop3A_358] {strides = array<i32>} : memref<4x2048xf32, #tpu.memory_space<vmem>>, vector<16xf32>,
      tpu.vector_store %arg8[%parallel_loop3A_357, %parallel_loop3A_358], %parallel_loop3A_351 {add = true, strides = array<i32>} : memref<4x2048xf32, #tpu.memory_space<vmem>>, vector<16xf32>,
      %parallel_loop3A_360 = arith.constant 4 : i32
      %parallel_loop3A_361 = arith.muli %parallel_loop3A_295, %parallel_loop3A_360 : i32
      %parallel_loop3A_362 = arith.constant 0 : i32
      %parallel_loop3A_363 = arith.addi %parallel_loop3A_361, %parallel_loop3A_362 : i32
      %parallel_loop3A_364 = arith.index_cast %parallel_loop3A_363 : i32 to index
      %parallel_loop3A_365 = arith.constant 64 : index
      %parallel_loop3A_366 = tpu.vector_load %arg6[%parallel_loop3A_364, %parallel_loop3A_365] {strides = array<i32>} : memref<64x128xi32, #tpu.memory_space<vmem>>, vector<16xi32>,
      %parallel_loop3A_367 = tpu.vector_load_idx %arg7[%parallel_loop3A_366] : memref<100000xf32, #tpu.memory_space<vmem>>[vector<16xi32>], vector<16xf32>,
      %parallel_loop3A_368 = arith.constant 128 : i32
      %parallel_loop3A_369 = arith.muli %parallel_loop3A_295, %parallel_loop3A_368 : i32
      %parallel_loop3A_370 = arith.constant 64 : i32
      %parallel_loop3A_371 = arith.addi %parallel_loop3A_369, %parallel_loop3A_370 : i32
      %parallel_loop3A_372 = arith.constant 0 : i32
      %parallel_loop3A_373 = arith.index_cast %parallel_loop3A_372 : i32 to index
      %parallel_loop3A_374 = arith.index_cast %parallel_loop3A_371 : i32 to index
      %parallel_loop3A_375 = tpu.vector_load %arg8[%parallel_loop3A_373, %parallel_loop3A_374] {strides = array<i32>} : memref<4x2048xf32, #tpu.memory_space<vmem>>, vector<16xf32>,
      tpu.vector_store %arg8[%parallel_loop3A_373, %parallel_loop3A_374], %parallel_loop3A_367 {add = true, strides = array<i32>} : memref<4x2048xf32, #tpu.memory_space<vmem>>, vector<16xf32>,
      %parallel_loop3A_376 = arith.constant 4 : i32
      %parallel_loop3A_377 = arith.muli %parallel_loop3A_295, %parallel_loop3A_376 : i32
      %parallel_loop3A_378 = arith.constant 0 : i32
      %parallel_loop3A_379 = arith.addi %parallel_loop3A_377, %parallel_loop3A_378 : i32
      %parallel_loop3A_380 = arith.index_cast %parallel_loop3A_379 : i32 to index
      %parallel_loop3A_381 = arith.constant 80 : index
      %parallel_loop3A_382 = tpu.vector_load %arg6[%parallel_loop3A_380, %parallel_loop3A_381] {strides = array<i32>} : memref<64x128xi32, #tpu.memory_space<vmem>>, vector<16xi32>,
      %parallel_loop3A_383 = tpu.vector_load_idx %arg7[%parallel_loop3A_382] : memref<100000xf32, #tpu.memory_space<vmem>>[vector<16xi32>], vector<16xf32>,
      %parallel_loop3A_384 = arith.constant 128 : i32
      %parallel_loop3A_385 = arith.muli %parallel_loop3A_295, %parallel_loop3A_384 : i32
      %parallel_loop3A_386 = arith.constant 80 : i32
      %parallel_loop3A_387 = arith.addi %parallel_loop3A_385, %parallel_loop3A_386 : i32
      %parallel_loop3A_388 = arith.constant 0 : i32
      %parallel_loop3A_389 = arith.index_cast %parallel_loop3A_388 : i32 to index
      %parallel_loop3A_390 = arith.index_cast %parallel_loop3A_387 : i32 to index
      %parallel_loop3A_391 = tpu.vector_load %arg8[%parallel_loop3A_389, %parallel_loop3A_390] {strides = array<i32>} : memref<4x2048xf32, #tpu.memory_space<vmem>>, vector<16xf32>,
      tpu.vector_store %arg8[%parallel_loop3A_389, %parallel_loop3A_390], %parallel_loop3A_383 {add = true, strides = array<i32>} : memref<4x2048xf32, #tpu.memory_space<vmem>>, vector<16xf32>,
      %parallel_loop3A_392 = arith.constant 4 : i32
      %parallel_loop3A_393 = arith.muli %parallel_loop3A_295, %parallel_loop3A_392 : i32
      %parallel_loop3A_394 = arith.constant 0 : i32
      %parallel_loop3A_395 = arith.addi %parallel_loop3A_393, %parallel_loop3A_394 : i32
      %parallel_loop3A_396 = arith.index_cast %parallel_loop3A_395 : i32 to index
      %parallel_loop3A_397 = arith.constant 96 : index
      %parallel_loop3A_398 = tpu.vector_load %arg6[%parallel_loop3A_396, %parallel_loop3A_397] {strides = array<i32>} : memref<64x128xi32, #tpu.memory_space<vmem>>, vector<16xi32>,
      %parallel_loop3A_399 = tpu.vector_load_idx %arg7[%parallel_loop3A_398] : memref<100000xf32, #tpu.memory_space<vmem>>[vector<16xi32>], vector<16xf32>,
      %parallel_loop3A_400 = arith.constant 128 : i32
      %parallel_loop3A_401 = arith.muli %parallel_loop3A_295, %parallel_loop3A_400 : i32
      %parallel_loop3A_402 = arith.constant 96 : i32
      %parallel_loop3A_403 = arith.addi %parallel_loop3A_401, %parallel_loop3A_402 : i32
      %parallel_loop3A_404 = arith.constant 0 : i32
      %parallel_loop3A_405 = arith.index_cast %parallel_loop3A_404 : i32 to index
      %parallel_loop3A_406 = arith.index_cast %parallel_loop3A_403 : i32 to index
      %parallel_loop3A_407 = tpu.vector_load %arg8[%parallel_loop3A_405, %parallel_loop3A_406] {strides = array<i32>} : memref<4x2048xf32, #tpu.memory_space<vmem>>, vector<16xf32>,
      tpu.vector_store %arg8[%parallel_loop3A_405, %parallel_loop3A_406], %parallel_loop3A_399 {add = true, strides = array<i32>} : memref<4x2048xf32, #tpu.memory_space<vmem>>, vector<16xf32>,
      %parallel_loop3A_408 = arith.constant 4 : i32
      %parallel_loop3A_409 = arith.muli %parallel_loop3A_295, %parallel_loop3A_408 : i32
      %parallel_loop3A_410 = arith.constant 0 : i32
      %parallel_loop3A_411 = arith.addi %parallel_loop3A_409, %parallel_loop3A_410 : i32
      %parallel_loop3A_412 = arith.index_cast %parallel_loop3A_411 : i32 to index
      %parallel_loop3A_413 = arith.constant 112 : index
      %parallel_loop3A_414 = tpu.vector_load %arg6[%parallel_loop3A_412, %parallel_loop3A_413] {strides = array<i32>} : memref<64x128xi32, #tpu.memory_space<vmem>>, vector<16xi32>,
      %parallel_loop3A_415 = tpu.vector_load_idx %arg7[%parallel_loop3A_414] : memref<100000xf32, #tpu.memory_space<vmem>>[vector<16xi32>], vector<16xf32>,
      %parallel_loop3A_416 = arith.constant 128 : i32
      %parallel_loop3A_417 = arith.muli %parallel_loop3A_295, %parallel_loop3A_416 : i32
      %parallel_loop3A_418 = arith.constant 112 : i32
      %parallel_loop3A_419 = arith.addi %parallel_loop3A_417, %parallel_loop3A_418 : i32
      %parallel_loop3A_420 = arith.constant 0 : i32
      %parallel_loop3A_421 = arith.index_cast %parallel_loop3A_420 : i32 to index
      %parallel_loop3A_422 = arith.index_cast %parallel_loop3A_419 : i32 to index
      %parallel_loop3A_423 = tpu.vector_load %arg8[%parallel_loop3A_421, %parallel_loop3A_422] {strides = array<i32>} : memref<4x2048xf32, #tpu.memory_space<vmem>>, vector<16xf32>,
      tpu.vector_store %arg8[%parallel_loop3A_421, %parallel_loop3A_422], %parallel_loop3A_415 {add = true, strides = array<i32>} : memref<4x2048xf32, #tpu.memory_space<vmem>>, vector<16xf32>,
      %parallel_loop3A_424 = arith.constant 4 : i32
      %parallel_loop3A_425 = arith.muli %parallel_loop3A_295, %parallel_loop3A_424 : i32
      %parallel_loop3A_426 = arith.constant 1 : i32
      %parallel_loop3A_427 = arith.addi %parallel_loop3A_425, %parallel_loop3A_426 : i32
      %parallel_loop3A_428 = arith.index_cast %parallel_loop3A_427 : i32 to index
      %parallel_loop3A_429 = arith.constant 0 : index
      %parallel_loop3A_430 = tpu.vector_load %arg6[%parallel_loop3A_428, %parallel_loop3A_429] {strides = array<i32>} : memref<64x128xi32, #tpu.memory_space<vmem>>, vector<16xi32>,
      %parallel_loop3A_431 = tpu.vector_load_idx %arg7[%parallel_loop3A_430] : memref<100000xf32, #tpu.memory_space<vmem>>[vector<16xi32>], vector<16xf32>,
      %parallel_loop3A_432 = arith.constant 128 : i32
      %parallel_loop3A_433 = arith.muli %parallel_loop3A_295, %parallel_loop3A_432 : i32
      %parallel_loop3A_434 = arith.constant 0 : i32
      %parallel_loop3A_435 = arith.addi %parallel_loop3A_433, %parallel_loop3A_434 : i32
      %parallel_loop3A_436 = arith.constant 1 : i32
      %parallel_loop3A_437 = arith.index_cast %parallel_loop3A_436 : i32 to index
      %parallel_loop3A_438 = arith.index_cast %parallel_loop3A_435 : i32 to index
      %parallel_loop3A_439 = tpu.vector_load %arg8[%parallel_loop3A_437, %parallel_loop3A_438] {strides = array<i32>} : memref<4x2048xf32, #tpu.memory_space<vmem>>, vector<16xf32>,
      tpu.vector_store %arg8[%parallel_loop3A_437, %parallel_loop3A_438], %parallel_loop3A_431 {add = true, strides = array<i32>} : memref<4x2048xf32, #tpu.memory_space<vmem>>, vector<16xf32>,
      %parallel_loop3A_440 = arith.constant 4 : i32
      %parallel_loop3A_441 = arith.muli %parallel_loop3A_295, %parallel_loop3A_440 : i32
      %parallel_loop3A_442 = arith.constant 1 : i32
      %parallel_loop3A_443 = arith.addi %parallel_loop3A_441, %parallel_loop3A_442 : i32
      %parallel_loop3A_444 = arith.index_cast %parallel_loop3A_443 : i32 to index
      %parallel_loop3A_445 = arith.constant 16 : index
      %parallel_loop3A_446 = tpu.vector_load %arg6[%parallel_loop3A_444, %parallel_loop3A_445] {strides = array<i32>} : memref<64x128xi32, #tpu.memory_space<vmem>>, vector<16xi32>,
      %parallel_loop3A_447 = tpu.vector_load_idx %arg7[%parallel_loop3A_446] : memref<100000xf32, #tpu.memory_space<vmem>>[vector<16xi32>], vector<16xf32>,
      %parallel_loop3A_448 = arith.constant 128 : i32
      %parallel_loop3A_449 = arith.muli %parallel_loop3A_295, %parallel_loop3A_448 : i32
      %parallel_loop3A_450 = arith.constant 16 : i32
      %parallel_loop3A_451 = arith.addi %parallel_loop3A_449, %parallel_loop3A_450 : i32
      %parallel_loop3A_452 = arith.constant 1 : i32
      %parallel_loop3A_453 = arith.index_cast %parallel_loop3A_452 : i32 to index
      %parallel_loop3A_454 = arith.index_cast %parallel_loop3A_451 : i32 to index
      %parallel_loop3A_455 = tpu.vector_load %arg8[%parallel_loop3A_453, %parallel_loop3A_454] {strides = array<i32>} : memref<4x2048xf32, #tpu.memory_space<vmem>>, vector<16xf32>,
      tpu.vector_store %arg8[%parallel_loop3A_453, %parallel_loop3A_454], %parallel_loop3A_447 {add = true, strides = array<i32>} : memref<4x2048xf32, #tpu.memory_space<vmem>>, vector<16xf32>,
      %parallel_loop3A_456 = arith.constant 4 : i32
      %parallel_loop3A_457 = arith.muli %parallel_loop3A_295, %parallel_loop3A_456 : i32
      %parallel_loop3A_458 = arith.constant 1 : i32
      %parallel_loop3A_459 = arith.addi %parallel_loop3A_457, %parallel_loop3A_458 : i32
      %parallel_loop3A_460 = arith.index_cast %parallel_loop3A_459 : i32 to index
      %parallel_loop3A_461 = arith.constant 32 : index
      %parallel_loop3A_462 = tpu.vector_load %arg6[%parallel_loop3A_460, %parallel_loop3A_461] {strides = array<i32>} : memref<64x128xi32, #tpu.memory_space<vmem>>, vector<16xi32>,
      %parallel_loop3A_463 = tpu.vector_load_idx %arg7[%parallel_loop3A_462] : memref<100000xf32, #tpu.memory_space<vmem>>[vector<16xi32>], vector<16xf32>,
      %parallel_loop3A_464 = arith.constant 128 : i32
      %parallel_loop3A_465 = arith.muli %parallel_loop3A_295, %parallel_loop3A_464 : i32
      %parallel_loop3A_466 = arith.constant 32 : i32
      %parallel_loop3A_467 = arith.addi %parallel_loop3A_465, %parallel_loop3A_466 : i32
      %parallel_loop3A_468 = arith.constant 1 : i32
      %parallel_loop3A_469 = arith.index_cast %parallel_loop3A_468 : i32 to index
      %parallel_loop3A_470 = arith.index_cast %parallel_loop3A_467 : i32 to index
      %parallel_loop3A_471 = tpu.vector_load %arg8[%parallel_loop3A_469, %parallel_loop3A_470] {strides = array<i32>} : memref<4x2048xf32, #tpu.memory_space<vmem>>, vector<16xf32>,
      tpu.vector_store %arg8[%parallel_loop3A_469, %parallel_loop3A_470], %parallel_loop3A_463 {add = true, strides = array<i32>} : memref<4x2048xf32, #tpu.memory_space<vmem>>, vector<16xf32>,
      %parallel_loop3A_472 = arith.constant 4 : i32
      %parallel_loop3A_473 = arith.muli %parallel_loop3A_295, %parallel_loop3A_472 : i32
      %parallel_loop3A_474 = arith.constant 1 : i32
      %parallel_loop3A_475 = arith.addi %parallel_loop3A_473, %parallel_loop3A_474 : i32
      %parallel_loop3A_476 = arith.index_cast %parallel_loop3A_475 : i32 to index
      %parallel_loop3A_477 = arith.constant 48 : index
      %parallel_loop3A_478 = tpu.vector_load %arg6[%parallel_loop3A_476, %parallel_loop3A_477] {strides = array<i32>} : memref<64x128xi32, #tpu.memory_space<vmem>>, vector<16xi32>,
      %parallel_loop3A_479 = tpu.vector_load_idx %arg7[%parallel_loop3A_478] : memref<100000xf32, #tpu.memory_space<vmem>>[vector<16xi32>], vector<16xf32>,
      %parallel_loop3A_480 = arith.constant 128 : i32
      %parallel_loop3A_481 = arith.muli %parallel_loop3A_295, %parallel_loop3A_480 : i32
      %parallel_loop3A_482 = arith.constant 48 : i32
      %parallel_loop3A_483 = arith.addi %parallel_loop3A_481, %parallel_loop3A_482 : i32
      %parallel_loop3A_484 = arith.constant 1 : i32
      %parallel_loop3A_485 = arith.index_cast %parallel_loop3A_484 : i32 to index
      %parallel_loop3A_486 = arith.index_cast %parallel_loop3A_483 : i32 to index
      %parallel_loop3A_487 = tpu.vector_load %arg8[%parallel_loop3A_485, %parallel_loop3A_486] {strides = array<i32>} : memref<4x2048xf32, #tpu.memory_space<vmem>>, vector<16xf32>,
      tpu.vector_store %arg8[%parallel_loop3A_485, %parallel_loop3A_486], %parallel_loop3A_479 {add = true, strides = array<i32>} : memref<4x2048xf32, #tpu.memory_space<vmem>>, vector<16xf32>,
      %parallel_loop3A_488 = arith.constant 4 : i32
      %parallel_loop3A_489 = arith.muli %parallel_loop3A_295, %parallel_loop3A_488 : i32
      %parallel_loop3A_490 = arith.constant 1 : i32
      %parallel_loop3A_491 = arith.addi %parallel_loop3A_489, %parallel_loop3A_490 : i32
      %parallel_loop3A_492 = arith.index_cast %parallel_loop3A_491 : i32 to index
      %parallel_loop3A_493 = arith.constant 64 : index
      %parallel_loop3A_494 = tpu.vector_load %arg6[%parallel_loop3A_492, %parallel_loop3A_493] {strides = array<i32>} : memref<64x128xi32, #tpu.memory_space<vmem>>, vector<16xi32>,
      %parallel_loop3A_495 = tpu.vector_load_idx %arg7[%parallel_loop3A_494] : memref<100000xf32, #tpu.memory_space<vmem>>[vector<16xi32>], vector<16xf32>,
      %parallel_loop3A_496 = arith.constant 128 : i32
      %parallel_loop3A_497 = arith.muli %parallel_loop3A_295, %parallel_loop3A_496 : i32
      %parallel_loop3A_498 = arith.constant 64 : i32
      %parallel_loop3A_499 = arith.addi %parallel_loop3A_497, %parallel_loop3A_498 : i32
      %parallel_loop3A_500 = arith.constant 1 : i32
      %parallel_loop3A_501 = arith.index_cast %parallel_loop3A_500 : i32 to index
      %parallel_loop3A_502 = arith.index_cast %parallel_loop3A_499 : i32 to index
      %parallel_loop3A_503 = tpu.vector_load %arg8[%parallel_loop3A_501, %parallel_loop3A_502] {strides = array<i32>} : memref<4x2048xf32, #tpu.memory_space<vmem>>, vector<16xf32>,
      tpu.vector_store %arg8[%parallel_loop3A_501, %parallel_loop3A_502], %parallel_loop3A_495 {add = true, strides = array<i32>} : memref<4x2048xf32, #tpu.memory_space<vmem>>, vector<16xf32>,
      %parallel_loop3A_504 = arith.constant 4 : i32
      %parallel_loop3A_505 = arith.muli %parallel_loop3A_295, %parallel_loop3A_504 : i32
      %parallel_loop3A_506 = arith.constant 1 : i32
      %parallel_loop3A_507 = arith.addi %parallel_loop3A_505, %parallel_loop3A_506 : i32
      %parallel_loop3A_508 = arith.index_cast %parallel_loop3A_507 : i32 to index
      %parallel_loop3A_509 = arith.constant 80 : index
      %parallel_loop3A_510 = tpu.vector_load %arg6[%parallel_loop3A_508, %parallel_loop3A_509] {strides = array<i32>} : memref<64x128xi32, #tpu.memory_space<vmem>>, vector<16xi32>,
      %parallel_loop3A_511 = tpu.vector_load_idx %arg7[%parallel_loop3A_510] : memref<100000xf32, #tpu.memory_space<vmem>>[vector<16xi32>], vector<16xf32>,
      %parallel_loop3A_512 = arith.constant 128 : i32
      %parallel_loop3A_513 = arith.muli %parallel_loop3A_295, %parallel_loop3A_512 : i32
      %parallel_loop3A_514 = arith.constant 80 : i32
      %parallel_loop3A_515 = arith.addi %parallel_loop3A_513, %parallel_loop3A_514 : i32
      %parallel_loop3A_516 = arith.constant 1 : i32
      %parallel_loop3A_517 = arith.index_cast %parallel_loop3A_516 : i32 to index
      %parallel_loop3A_518 = arith.index_cast %parallel_loop3A_515 : i32 to index
      %parallel_loop3A_519 = tpu.vector_load %arg8[%parallel_loop3A_517, %parallel_loop3A_518] {strides = array<i32>} : memref<4x2048xf32, #tpu.memory_space<vmem>>, vector<16xf32>,
      tpu.vector_store %arg8[%parallel_loop3A_517, %parallel_loop3A_518], %parallel_loop3A_511 {add = true, strides = array<i32>} : memref<4x2048xf32, #tpu.memory_space<vmem>>, vector<16xf32>,
      %parallel_loop3A_520 = arith.constant 4 : i32
      %parallel_loop3A_521 = arith.muli %parallel_loop3A_295, %parallel_loop3A_520 : i32
      %parallel_loop3A_522 = arith.constant 1 : i32
      %parallel_loop3A_523 = arith.addi %parallel_loop3A_521, %parallel_loop3A_522 : i32
      %parallel_loop3A_524 = arith.index_cast %parallel_loop3A_523 : i32 to index
      %parallel_loop3A_525 = arith.constant 96 : index
      %parallel_loop3A_526 = tpu.vector_load %arg6[%parallel_loop3A_524, %parallel_loop3A_525] {strides = array<i32>} : memref<64x128xi32, #tpu.memory_space<vmem>>, vector<16xi32>,
      %parallel_loop3A_527 = tpu.vector_load_idx %arg7[%parallel_loop3A_526] : memref<100000xf32, #tpu.memory_space<vmem>>[vector<16xi32>], vector<16xf32>,
      %parallel_loop3A_528 = arith.constant 128 : i32
      %parallel_loop3A_529 = arith.muli %parallel_loop3A_295, %parallel_loop3A_528 : i32
      %parallel_loop3A_530 = arith.constant 96 : i32
      %parallel_loop3A_531 = arith.addi %parallel_loop3A_529, %parallel_loop3A_530 : i32
      %parallel_loop3A_532 = arith.constant 1 : i32
      %parallel_loop3A_533 = arith.index_cast %parallel_loop3A_532 : i32 to index
      %parallel_loop3A_534 = arith.index_cast %parallel_loop3A_531 : i32 to index
      %parallel_loop3A_535 = tpu.vector_load %arg8[%parallel_loop3A_533, %parallel_loop3A_534] {strides = array<i32>} : memref<4x2048xf32, #tpu.memory_space<vmem>>, vector<16xf32>,
      tpu.vector_store %arg8[%parallel_loop3A_533, %parallel_loop3A_534], %parallel_loop3A_527 {add = true, strides = array<i32>} : memref<4x2048xf32, #tpu.memory_space<vmem>>, vector<16xf32>,
      %parallel_loop3A_536 = arith.constant 4 : i32
      %parallel_loop3A_537 = arith.muli %parallel_loop3A_295, %parallel_loop3A_536 : i32
      %parallel_loop3A_538 = arith.constant 1 : i32
      %parallel_loop3A_539 = arith.addi %parallel_loop3A_537, %parallel_loop3A_538 : i32
      %parallel_loop3A_540 = arith.index_cast %parallel_loop3A_539 : i32 to index
      %parallel_loop3A_541 = arith.constant 112 : index
      %parallel_loop3A_542 = tpu.vector_load %arg6[%parallel_loop3A_540, %parallel_loop3A_541] {strides = array<i32>} : memref<64x128xi32, #tpu.memory_space<vmem>>, vector<16xi32>,
      %parallel_loop3A_543 = tpu.vector_load_idx %arg7[%parallel_loop3A_542] : memref<100000xf32, #tpu.memory_space<vmem>>[vector<16xi32>], vector<16xf32>,
      %parallel_loop3A_544 = arith.constant 128 : i32
      %parallel_loop3A_545 = arith.muli %parallel_loop3A_295, %parallel_loop3A_544 : i32
      %parallel_loop3A_546 = arith.constant 112 : i32
      %parallel_loop3A_547 = arith.addi %parallel_loop3A_545, %parallel_loop3A_546 : i32
      %parallel_loop3A_548 = arith.constant 1 : i32
      %parallel_loop3A_549 = arith.index_cast %parallel_loop3A_548 : i32 to index
      %parallel_loop3A_550 = arith.index_cast %parallel_loop3A_547 : i32 to index
      %parallel_loop3A_551 = tpu.vector_load %arg8[%parallel_loop3A_549, %parallel_loop3A_550] {strides = array<i32>} : memref<4x2048xf32, #tpu.memory_space<vmem>>, vector<16xf32>,
      tpu.vector_store %arg8[%parallel_loop3A_549, %parallel_loop3A_550], %parallel_loop3A_543 {add = true, strides = array<i32>} : memref<4x2048xf32, #tpu.memory_space<vmem>>, vector<16xf32>,
      %parallel_loop3A_552 = arith.constant 4 : i32
      %parallel_loop3A_553 = arith.muli %parallel_loop3A_295, %parallel_loop3A_552 : i32
      %parallel_loop3A_554 = arith.constant 2 : i32
      %parallel_loop3A_555 = arith.addi %parallel_loop3A_553, %parallel_loop3A_554 : i32
      %parallel_loop3A_556 = arith.index_cast %parallel_loop3A_555 : i32 to index
      %parallel_loop3A_557 = arith.constant 0 : index
      %parallel_loop3A_558 = tpu.vector_load %arg6[%parallel_loop3A_556, %parallel_loop3A_557] {strides = array<i32>} : memref<64x128xi32, #tpu.memory_space<vmem>>, vector<16xi32>,
      %parallel_loop3A_559 = tpu.vector_load_idx %arg7[%parallel_loop3A_558] : memref<100000xf32, #tpu.memory_space<vmem>>[vector<16xi32>], vector<16xf32>,
      %parallel_loop3A_560 = arith.constant 128 : i32
      %parallel_loop3A_561 = arith.muli %parallel_loop3A_295, %parallel_loop3A_560 : i32
      %parallel_loop3A_562 = arith.constant 0 : i32
      %parallel_loop3A_563 = arith.addi %parallel_loop3A_561, %parallel_loop3A_562 : i32
      %parallel_loop3A_564 = arith.constant 2 : i32
      %parallel_loop3A_565 = arith.index_cast %parallel_loop3A_564 : i32 to index
      %parallel_loop3A_566 = arith.index_cast %parallel_loop3A_563 : i32 to index
      %parallel_loop3A_567 = tpu.vector_load %arg8[%parallel_loop3A_565, %parallel_loop3A_566] {strides = array<i32>} : memref<4x2048xf32, #tpu.memory_space<vmem>>, vector<16xf32>,
      tpu.vector_store %arg8[%parallel_loop3A_565, %parallel_loop3A_566], %parallel_loop3A_559 {add = true, strides = array<i32>} : memref<4x2048xf32, #tpu.memory_space<vmem>>, vector<16xf32>,
      %parallel_loop3A_568 = arith.constant 4 : i32
      %parallel_loop3A_569 = arith.muli %parallel_loop3A_295, %parallel_loop3A_568 : i32
      %parallel_loop3A_570 = arith.constant 2 : i32
      %parallel_loop3A_571 = arith.addi %parallel_loop3A_569, %parallel_loop3A_570 : i32
      %parallel_loop3A_572 = arith.index_cast %parallel_loop3A_571 : i32 to index
      %parallel_loop3A_573 = arith.constant 16 : index
      %parallel_loop3A_574 = tpu.vector_load %arg6[%parallel_loop3A_572, %parallel_loop3A_573] {strides = array<i32>} : memref<64x128xi32, #tpu.memory_space<vmem>>, vector<16xi32>,
      %parallel_loop3A_575 = tpu.vector_load_idx %arg7[%parallel_loop3A_574] : memref<100000xf32, #tpu.memory_space<vmem>>[vector<16xi32>], vector<16xf32>,
      %parallel_loop3A_576 = arith.constant 128 : i32
      %parallel_loop3A_577 = arith.muli %parallel_loop3A_295, %parallel_loop3A_576 : i32
      %parallel_loop3A_578 = arith.constant 16 : i32
      %parallel_loop3A_579 = arith.addi %parallel_loop3A_577, %parallel_loop3A_578 : i32
      %parallel_loop3A_580 = arith.constant 2 : i32
      %parallel_loop3A_581 = arith.index_cast %parallel_loop3A_580 : i32 to index
      %parallel_loop3A_582 = arith.index_cast %parallel_loop3A_579 : i32 to index
      %parallel_loop3A_583 = tpu.vector_load %arg8[%parallel_loop3A_581, %parallel_loop3A_582] {strides = array<i32>} : memref<4x2048xf32, #tpu.memory_space<vmem>>, vector<16xf32>,
      tpu.vector_store %arg8[%parallel_loop3A_581, %parallel_loop3A_582], %parallel_loop3A_575 {add = true, strides = array<i32>} : memref<4x2048xf32, #tpu.memory_space<vmem>>, vector<16xf32>,
      %parallel_loop3A_584 = arith.constant 4 : i32
      %parallel_loop3A_585 = arith.muli %parallel_loop3A_295, %parallel_loop3A_584 : i32
      %parallel_loop3A_586 = arith.constant 2 : i32
      %parallel_loop3A_587 = arith.addi %parallel_loop3A_585, %parallel_loop3A_586 : i32
      %parallel_loop3A_588 = arith.index_cast %parallel_loop3A_587 : i32 to index
      %parallel_loop3A_589 = arith.constant 32 : index
      %parallel_loop3A_590 = tpu.vector_load %arg6[%parallel_loop3A_588, %parallel_loop3A_589] {strides = array<i32>} : memref<64x128xi32, #tpu.memory_space<vmem>>, vector<16xi32>,
      %parallel_loop3A_591 = tpu.vector_load_idx %arg7[%parallel_loop3A_590] : memref<100000xf32, #tpu.memory_space<vmem>>[vector<16xi32>], vector<16xf32>,
      %parallel_loop3A_592 = arith.constant 128 : i32
      %parallel_loop3A_593 = arith.muli %parallel_loop3A_295, %parallel_loop3A_592 : i32
      %parallel_loop3A_594 = arith.constant 32 : i32
      %parallel_loop3A_595 = arith.addi %parallel_loop3A_593, %parallel_loop3A_594 : i32
      %parallel_loop3A_596 = arith.constant 2 : i32
      %parallel_loop3A_597 = arith.index_cast %parallel_loop3A_596 : i32 to index
      %parallel_loop3A_598 = arith.index_cast %parallel_loop3A_595 : i32 to index
      %parallel_loop3A_599 = tpu.vector_load %arg8[%parallel_loop3A_597, %parallel_loop3A_598] {strides = array<i32>} : memref<4x2048xf32, #tpu.memory_space<vmem>>, vector<16xf32>,
      tpu.vector_store %arg8[%parallel_loop3A_597, %parallel_loop3A_598], %parallel_loop3A_591 {add = true, strides = array<i32>} : memref<4x2048xf32, #tpu.memory_space<vmem>>, vector<16xf32>,
      %parallel_loop3A_600 = arith.constant 4 : i32
      %parallel_loop3A_601 = arith.muli %parallel_loop3A_295, %parallel_loop3A_600 : i32
      %parallel_loop3A_602 = arith.constant 2 : i32
      %parallel_loop3A_603 = arith.addi %parallel_loop3A_601, %parallel_loop3A_602 : i32
      %parallel_loop3A_604 = arith.index_cast %parallel_loop3A_603 : i32 to index
      %parallel_loop3A_605 = arith.constant 48 : index
      %parallel_loop3A_606 = tpu.vector_load %arg6[%parallel_loop3A_604, %parallel_loop3A_605] {strides = array<i32>} : memref<64x128xi32, #tpu.memory_space<vmem>>, vector<16xi32>,
      %parallel_loop3A_607 = tpu.vector_load_idx %arg7[%parallel_loop3A_606] : memref<100000xf32, #tpu.memory_space<vmem>>[vector<16xi32>], vector<16xf32>,
      %parallel_loop3A_608 = arith.constant 128 : i32
      %parallel_loop3A_609 = arith.muli %parallel_loop3A_295, %parallel_loop3A_608 : i32
      %parallel_loop3A_610 = arith.constant 48 : i32
      %parallel_loop3A_611 = arith.addi %parallel_loop3A_609, %parallel_loop3A_610 : i32
      %parallel_loop3A_612 = arith.constant 2 : i32
      %parallel_loop3A_613 = arith.index_cast %parallel_loop3A_612 : i32 to index
      %parallel_loop3A_614 = arith.index_cast %parallel_loop3A_611 : i32 to index
      %parallel_loop3A_615 = tpu.vector_load %arg8[%parallel_loop3A_613, %parallel_loop3A_614] {strides = array<i32>} : memref<4x2048xf32, #tpu.memory_space<vmem>>, vector<16xf32>,
      tpu.vector_store %arg8[%parallel_loop3A_613, %parallel_loop3A_614], %parallel_loop3A_607 {add = true, strides = array<i32>} : memref<4x2048xf32, #tpu.memory_space<vmem>>, vector<16xf32>,
      %parallel_loop3A_616 = arith.constant 4 : i32
      %parallel_loop3A_617 = arith.muli %parallel_loop3A_295, %parallel_loop3A_616 : i32
      %parallel_loop3A_618 = arith.constant 2 : i32
      %parallel_loop3A_619 = arith.addi %parallel_loop3A_617, %parallel_loop3A_618 : i32
      %parallel_loop3A_620 = arith.index_cast %parallel_loop3A_619 : i32 to index
      %parallel_loop3A_621 = arith.constant 64 : index
      %parallel_loop3A_622 = tpu.vector_load %arg6[%parallel_loop3A_620, %parallel_loop3A_621] {strides = array<i32>} : memref<64x128xi32, #tpu.memory_space<vmem>>, vector<16xi32>,
      %parallel_loop3A_623 = tpu.vector_load_idx %arg7[%parallel_loop3A_622] : memref<100000xf32, #tpu.memory_space<vmem>>[vector<16xi32>], vector<16xf32>,
      %parallel_loop3A_624 = arith.constant 128 : i32
      %parallel_loop3A_625 = arith.muli %parallel_loop3A_295, %parallel_loop3A_624 : i32
      %parallel_loop3A_626 = arith.constant 64 : i32
      %parallel_loop3A_627 = arith.addi %parallel_loop3A_625, %parallel_loop3A_626 : i32
      %parallel_loop3A_628 = arith.constant 2 : i32
      %parallel_loop3A_629 = arith.index_cast %parallel_loop3A_628 : i32 to index
      %parallel_loop3A_630 = arith.index_cast %parallel_loop3A_627 : i32 to index
      %parallel_loop3A_631 = tpu.vector_load %arg8[%parallel_loop3A_629, %parallel_loop3A_630] {strides = array<i32>} : memref<4x2048xf32, #tpu.memory_space<vmem>>, vector<16xf32>,
      tpu.vector_store %arg8[%parallel_loop3A_629, %parallel_loop3A_630], %parallel_loop3A_623 {add = true, strides = array<i32>} : memref<4x2048xf32, #tpu.memory_space<vmem>>, vector<16xf32>,
      %parallel_loop3A_632 = arith.constant 4 : i32
      %parallel_loop3A_633 = arith.muli %parallel_loop3A_295, %parallel_loop3A_632 : i32
      %parallel_loop3A_634 = arith.constant 2 : i32
      %parallel_loop3A_635 = arith.addi %parallel_loop3A_633, %parallel_loop3A_634 : i32
      %parallel_loop3A_636 = arith.index_cast %parallel_loop3A_635 : i32 to index
      %parallel_loop3A_637 = arith.constant 80 : index
      %parallel_loop3A_638 = tpu.vector_load %arg6[%parallel_loop3A_636, %parallel_loop3A_637] {strides = array<i32>} : memref<64x128xi32, #tpu.memory_space<vmem>>, vector<16xi32>,
      %parallel_loop3A_639 = tpu.vector_load_idx %arg7[%parallel_loop3A_638] : memref<100000xf32, #tpu.memory_space<vmem>>[vector<16xi32>], vector<16xf32>,
      %parallel_loop3A_640 = arith.constant 128 : i32
      %parallel_loop3A_641 = arith.muli %parallel_loop3A_295, %parallel_loop3A_640 : i32
      %parallel_loop3A_642 = arith.constant 80 : i32
      %parallel_loop3A_643 = arith.addi %parallel_loop3A_641, %parallel_loop3A_642 : i32
      %parallel_loop3A_644 = arith.constant 2 : i32
      %parallel_loop3A_645 = arith.index_cast %parallel_loop3A_644 : i32 to index
      %parallel_loop3A_646 = arith.index_cast %parallel_loop3A_643 : i32 to index
      %parallel_loop3A_647 = tpu.vector_load %arg8[%parallel_loop3A_645, %parallel_loop3A_646] {strides = array<i32>} : memref<4x2048xf32, #tpu.memory_space<vmem>>, vector<16xf32>,
      tpu.vector_store %arg8[%parallel_loop3A_645, %parallel_loop3A_646], %parallel_loop3A_639 {add = true, strides = array<i32>} : memref<4x2048xf32, #tpu.memory_space<vmem>>, vector<16xf32>,
      %parallel_loop3A_648 = arith.constant 4 : i32
      %parallel_loop3A_649 = arith.muli %parallel_loop3A_295, %parallel_loop3A_648 : i32
      %parallel_loop3A_650 = arith.constant 2 : i32
      %parallel_loop3A_651 = arith.addi %parallel_loop3A_649, %parallel_loop3A_650 : i32
      %parallel_loop3A_652 = arith.index_cast %parallel_loop3A_651 : i32 to index
      %parallel_loop3A_653 = arith.constant 96 : index
      %parallel_loop3A_654 = tpu.vector_load %arg6[%parallel_loop3A_652, %parallel_loop3A_653] {strides = array<i32>} : memref<64x128xi32, #tpu.memory_space<vmem>>, vector<16xi32>,
      %parallel_loop3A_655 = tpu.vector_load_idx %arg7[%parallel_loop3A_654] : memref<100000xf32, #tpu.memory_space<vmem>>[vector<16xi32>], vector<16xf32>,
      %parallel_loop3A_656 = arith.constant 128 : i32
      %parallel_loop3A_657 = arith.muli %parallel_loop3A_295, %parallel_loop3A_656 : i32
      %parallel_loop3A_658 = arith.constant 96 : i32
      %parallel_loop3A_659 = arith.addi %parallel_loop3A_657, %parallel_loop3A_658 : i32
      %parallel_loop3A_660 = arith.constant 2 : i32
      %parallel_loop3A_661 = arith.index_cast %parallel_loop3A_660 : i32 to index
      %parallel_loop3A_662 = arith.index_cast %parallel_loop3A_659 : i32 to index
      %parallel_loop3A_663 = tpu.vector_load %arg8[%parallel_loop3A_661, %parallel_loop3A_662] {strides = array<i32>} : memref<4x2048xf32, #tpu.memory_space<vmem>>, vector<16xf32>,
      tpu.vector_store %arg8[%parallel_loop3A_661, %parallel_loop3A_662], %parallel_loop3A_655 {add = true, strides = array<i32>} : memref<4x2048xf32, #tpu.memory_space<vmem>>, vector<16xf32>,
      %parallel_loop3A_664 = arith.constant 4 : i32
      %parallel_loop3A_665 = arith.muli %parallel_loop3A_295, %parallel_loop3A_664 : i32
      %parallel_loop3A_666 = arith.constant 2 : i32
      %parallel_loop3A_667 = arith.addi %parallel_loop3A_665, %parallel_loop3A_666 : i32
      %parallel_loop3A_668 = arith.index_cast %parallel_loop3A_667 : i32 to index
      %parallel_loop3A_669 = arith.constant 112 : index
      %parallel_loop3A_670 = tpu.vector_load %arg6[%parallel_loop3A_668, %parallel_loop3A_669] {strides = array<i32>} : memref<64x128xi32, #tpu.memory_space<vmem>>, vector<16xi32>,
      %parallel_loop3A_671 = tpu.vector_load_idx %arg7[%parallel_loop3A_670] : memref<100000xf32, #tpu.memory_space<vmem>>[vector<16xi32>], vector<16xf32>,
      %parallel_loop3A_672 = arith.constant 128 : i32
      %parallel_loop3A_673 = arith.muli %parallel_loop3A_295, %parallel_loop3A_672 : i32
      %parallel_loop3A_674 = arith.constant 112 : i32
      %parallel_loop3A_675 = arith.addi %parallel_loop3A_673, %parallel_loop3A_674 : i32
      %parallel_loop3A_676 = arith.constant 2 : i32
      %parallel_loop3A_677 = arith.index_cast %parallel_loop3A_676 : i32 to index
      %parallel_loop3A_678 = arith.index_cast %parallel_loop3A_675 : i32 to index
      %parallel_loop3A_679 = tpu.vector_load %arg8[%parallel_loop3A_677, %parallel_loop3A_678] {strides = array<i32>} : memref<4x2048xf32, #tpu.memory_space<vmem>>, vector<16xf32>,
      tpu.vector_store %arg8[%parallel_loop3A_677, %parallel_loop3A_678], %parallel_loop3A_671 {add = true, strides = array<i32>} : memref<4x2048xf32, #tpu.memory_space<vmem>>, vector<16xf32>,
      %parallel_loop3A_680 = arith.constant 4 : i32
      %parallel_loop3A_681 = arith.muli %parallel_loop3A_295, %parallel_loop3A_680 : i32
      %parallel_loop3A_682 = arith.constant 3 : i32
      %parallel_loop3A_683 = arith.addi %parallel_loop3A_681, %parallel_loop3A_682 : i32
      %parallel_loop3A_684 = arith.index_cast %parallel_loop3A_683 : i32 to index
      %parallel_loop3A_685 = arith.constant 0 : index
      %parallel_loop3A_686 = tpu.vector_load %arg6[%parallel_loop3A_684, %parallel_loop3A_685] {strides = array<i32>} : memref<64x128xi32, #tpu.memory_space<vmem>>, vector<16xi32>,
      %parallel_loop3A_687 = tpu.vector_load_idx %arg7[%parallel_loop3A_686] : memref<100000xf32, #tpu.memory_space<vmem>>[vector<16xi32>], vector<16xf32>,
      %parallel_loop3A_688 = arith.constant 128 : i32
      %parallel_loop3A_689 = arith.muli %parallel_loop3A_295, %parallel_loop3A_688 : i32
      %parallel_loop3A_690 = arith.constant 0 : i32
      %parallel_loop3A_691 = arith.addi %parallel_loop3A_689, %parallel_loop3A_690 : i32
      %parallel_loop3A_692 = arith.constant 3 : i32
      %parallel_loop3A_693 = arith.index_cast %parallel_loop3A_692 : i32 to index
      %parallel_loop3A_694 = arith.index_cast %parallel_loop3A_691 : i32 to index
      %parallel_loop3A_695 = tpu.vector_load %arg8[%parallel_loop3A_693, %parallel_loop3A_694] {strides = array<i32>} : memref<4x2048xf32, #tpu.memory_space<vmem>>, vector<16xf32>,
      tpu.vector_store %arg8[%parallel_loop3A_693, %parallel_loop3A_694], %parallel_loop3A_687 {add = true, strides = array<i32>} : memref<4x2048xf32, #tpu.memory_space<vmem>>, vector<16xf32>,
      %parallel_loop3A_696 = arith.constant 4 : i32
      %parallel_loop3A_697 = arith.muli %parallel_loop3A_295, %parallel_loop3A_696 : i32
      %parallel_loop3A_698 = arith.constant 3 : i32
      %parallel_loop3A_699 = arith.addi %parallel_loop3A_697, %parallel_loop3A_698 : i32
      %parallel_loop3A_700 = arith.index_cast %parallel_loop3A_699 : i32 to index
      %parallel_loop3A_701 = arith.constant 16 : index
      %parallel_loop3A_702 = tpu.vector_load %arg6[%parallel_loop3A_700, %parallel_loop3A_701] {strides = array<i32>} : memref<64x128xi32, #tpu.memory_space<vmem>>, vector<16xi32>,
      %parallel_loop3A_703 = tpu.vector_load_idx %arg7[%parallel_loop3A_702] : memref<100000xf32, #tpu.memory_space<vmem>>[vector<16xi32>], vector<16xf32>,
      %parallel_loop3A_704 = arith.constant 128 : i32
      %parallel_loop3A_705 = arith.muli %parallel_loop3A_295, %parallel_loop3A_704 : i32
      %parallel_loop3A_706 = arith.constant 16 : i32
      %parallel_loop3A_707 = arith.addi %parallel_loop3A_705, %parallel_loop3A_706 : i32
      %parallel_loop3A_708 = arith.constant 3 : i32
      %parallel_loop3A_709 = arith.index_cast %parallel_loop3A_708 : i32 to index
      %parallel_loop3A_710 = arith.index_cast %parallel_loop3A_707 : i32 to index
      %parallel_loop3A_711 = tpu.vector_load %arg8[%parallel_loop3A_709, %parallel_loop3A_710] {strides = array<i32>} : memref<4x2048xf32, #tpu.memory_space<vmem>>, vector<16xf32>,
      tpu.vector_store %arg8[%parallel_loop3A_709, %parallel_loop3A_710], %parallel_loop3A_703 {add = true, strides = array<i32>} : memref<4x2048xf32, #tpu.memory_space<vmem>>, vector<16xf32>,
      %parallel_loop3A_712 = arith.constant 4 : i32
      %parallel_loop3A_713 = arith.muli %parallel_loop3A_295, %parallel_loop3A_712 : i32
      %parallel_loop3A_714 = arith.constant 3 : i32
      %parallel_loop3A_715 = arith.addi %parallel_loop3A_713, %parallel_loop3A_714 : i32
      %parallel_loop3A_716 = arith.index_cast %parallel_loop3A_715 : i32 to index
      %parallel_loop3A_717 = arith.constant 32 : index
      %parallel_loop3A_718 = tpu.vector_load %arg6[%parallel_loop3A_716, %parallel_loop3A_717] {strides = array<i32>} : memref<64x128xi32, #tpu.memory_space<vmem>>, vector<16xi32>,
      %parallel_loop3A_719 = tpu.vector_load_idx %arg7[%parallel_loop3A_718] : memref<100000xf32, #tpu.memory_space<vmem>>[vector<16xi32>], vector<16xf32>,
      %parallel_loop3A_720 = arith.constant 128 : i32
      %parallel_loop3A_721 = arith.muli %parallel_loop3A_295, %parallel_loop3A_720 : i32
      %parallel_loop3A_722 = arith.constant 32 : i32
      %parallel_loop3A_723 = arith.addi %parallel_loop3A_721, %parallel_loop3A_722 : i32
      %parallel_loop3A_724 = arith.constant 3 : i32
      %parallel_loop3A_725 = arith.index_cast %parallel_loop3A_724 : i32 to index
      %parallel_loop3A_726 = arith.index_cast %parallel_loop3A_723 : i32 to index
      %parallel_loop3A_727 = tpu.vector_load %arg8[%parallel_loop3A_725, %parallel_loop3A_726] {strides = array<i32>} : memref<4x2048xf32, #tpu.memory_space<vmem>>, vector<16xf32>,
      tpu.vector_store %arg8[%parallel_loop3A_725, %parallel_loop3A_726], %parallel_loop3A_719 {add = true, strides = array<i32>} : memref<4x2048xf32, #tpu.memory_space<vmem>>, vector<16xf32>,
      %parallel_loop3A_728 = arith.constant 4 : i32
      %parallel_loop3A_729 = arith.muli %parallel_loop3A_295, %parallel_loop3A_728 : i32
      %parallel_loop3A_730 = arith.constant 3 : i32
      %parallel_loop3A_731 = arith.addi %parallel_loop3A_729, %parallel_loop3A_730 : i32
      %parallel_loop3A_732 = arith.index_cast %parallel_loop3A_731 : i32 to index
      %parallel_loop3A_733 = arith.constant 48 : index
      %parallel_loop3A_734 = tpu.vector_load %arg6[%parallel_loop3A_732, %parallel_loop3A_733] {strides = array<i32>} : memref<64x128xi32, #tpu.memory_space<vmem>>, vector<16xi32>,
      %parallel_loop3A_735 = tpu.vector_load_idx %arg7[%parallel_loop3A_734] : memref<100000xf32, #tpu.memory_space<vmem>>[vector<16xi32>], vector<16xf32>,
      %parallel_loop3A_736 = arith.constant 128 : i32
      %parallel_loop3A_737 = arith.muli %parallel_loop3A_295, %parallel_loop3A_736 : i32
      %parallel_loop3A_738 = arith.constant 48 : i32
      %parallel_loop3A_739 = arith.addi %parallel_loop3A_737, %parallel_loop3A_738 : i32
      %parallel_loop3A_740 = arith.constant 3 : i32
      %parallel_loop3A_741 = arith.index_cast %parallel_loop3A_740 : i32 to index
      %parallel_loop3A_742 = arith.index_cast %parallel_loop3A_739 : i32 to index
      %parallel_loop3A_743 = tpu.vector_load %arg8[%parallel_loop3A_741, %parallel_loop3A_742] {strides = array<i32>} : memref<4x2048xf32, #tpu.memory_space<vmem>>, vector<16xf32>,
      tpu.vector_store %arg8[%parallel_loop3A_741, %parallel_loop3A_742], %parallel_loop3A_735 {add = true, strides = array<i32>} : memref<4x2048xf32, #tpu.memory_space<vmem>>, vector<16xf32>,
      %parallel_loop3A_744 = arith.constant 4 : i32
      %parallel_loop3A_745 = arith.muli %parallel_loop3A_295, %parallel_loop3A_744 : i32
      %parallel_loop3A_746 = arith.constant 3 : i32
      %parallel_loop3A_747 = arith.addi %parallel_loop3A_745, %parallel_loop3A_746 : i32
      %parallel_loop3A_748 = arith.index_cast %parallel_loop3A_747 : i32 to index
      %parallel_loop3A_749 = arith.constant 64 : index
      %parallel_loop3A_750 = tpu.vector_load %arg6[%parallel_loop3A_748, %parallel_loop3A_749] {strides = array<i32>} : memref<64x128xi32, #tpu.memory_space<vmem>>, vector<16xi32>,
      %parallel_loop3A_751 = tpu.vector_load_idx %arg7[%parallel_loop3A_750] : memref<100000xf32, #tpu.memory_space<vmem>>[vector<16xi32>], vector<16xf32>,
      %parallel_loop3A_752 = arith.constant 128 : i32
      %parallel_loop3A_753 = arith.muli %parallel_loop3A_295, %parallel_loop3A_752 : i32
      %parallel_loop3A_754 = arith.constant 64 : i32
      %parallel_loop3A_755 = arith.addi %parallel_loop3A_753, %parallel_loop3A_754 : i32
      %parallel_loop3A_756 = arith.constant 3 : i32
      %parallel_loop3A_757 = arith.index_cast %parallel_loop3A_756 : i32 to index
      %parallel_loop3A_758 = arith.index_cast %parallel_loop3A_755 : i32 to index
      %parallel_loop3A_759 = tpu.vector_load %arg8[%parallel_loop3A_757, %parallel_loop3A_758] {strides = array<i32>} : memref<4x2048xf32, #tpu.memory_space<vmem>>, vector<16xf32>,
      tpu.vector_store %arg8[%parallel_loop3A_757, %parallel_loop3A_758], %parallel_loop3A_751 {add = true, strides = array<i32>} : memref<4x2048xf32, #tpu.memory_space<vmem>>, vector<16xf32>,
      %parallel_loop3A_760 = arith.constant 4 : i32
      %parallel_loop3A_761 = arith.muli %parallel_loop3A_295, %parallel_loop3A_760 : i32
      %parallel_loop3A_762 = arith.constant 3 : i32
      %parallel_loop3A_763 = arith.addi %parallel_loop3A_761, %parallel_loop3A_762 : i32
      %parallel_loop3A_764 = arith.index_cast %parallel_loop3A_763 : i32 to index
      %parallel_loop3A_765 = arith.constant 80 : index
      %parallel_loop3A_766 = tpu.vector_load %arg6[%parallel_loop3A_764, %parallel_loop3A_765] {strides = array<i32>} : memref<64x128xi32, #tpu.memory_space<vmem>>, vector<16xi32>,
      %parallel_loop3A_767 = tpu.vector_load_idx %arg7[%parallel_loop3A_766] : memref<100000xf32, #tpu.memory_space<vmem>>[vector<16xi32>], vector<16xf32>,
      %parallel_loop3A_768 = arith.constant 128 : i32
      %parallel_loop3A_769 = arith.muli %parallel_loop3A_295, %parallel_loop3A_768 : i32
      %parallel_loop3A_770 = arith.constant 80 : i32
      %parallel_loop3A_771 = arith.addi %parallel_loop3A_769, %parallel_loop3A_770 : i32
      %parallel_loop3A_772 = arith.constant 3 : i32
      %parallel_loop3A_773 = arith.index_cast %parallel_loop3A_772 : i32 to index
      %parallel_loop3A_774 = arith.index_cast %parallel_loop3A_771 : i32 to index
      %parallel_loop3A_775 = tpu.vector_load %arg8[%parallel_loop3A_773, %parallel_loop3A_774] {strides = array<i32>} : memref<4x2048xf32, #tpu.memory_space<vmem>>, vector<16xf32>,
      tpu.vector_store %arg8[%parallel_loop3A_773, %parallel_loop3A_774], %parallel_loop3A_767 {add = true, strides = array<i32>} : memref<4x2048xf32, #tpu.memory_space<vmem>>, vector<16xf32>,
      %parallel_loop3A_776 = arith.constant 4 : i32
      %parallel_loop3A_777 = arith.muli %parallel_loop3A_295, %parallel_loop3A_776 : i32
      %parallel_loop3A_778 = arith.constant 3 : i32
      %parallel_loop3A_779 = arith.addi %parallel_loop3A_777, %parallel_loop3A_778 : i32
      %parallel_loop3A_780 = arith.index_cast %parallel_loop3A_779 : i32 to index
      %parallel_loop3A_781 = arith.constant 96 : index
      %parallel_loop3A_782 = tpu.vector_load %arg6[%parallel_loop3A_780, %parallel_loop3A_781] {strides = array<i32>} : memref<64x128xi32, #tpu.memory_space<vmem>>, vector<16xi32>,
      %parallel_loop3A_783 = tpu.vector_load_idx %arg7[%parallel_loop3A_782] : memref<100000xf32, #tpu.memory_space<vmem>>[vector<16xi32>], vector<16xf32>,
      %parallel_loop3A_784 = arith.constant 128 : i32
      %parallel_loop3A_785 = arith.muli %parallel_loop3A_295, %parallel_loop3A_784 : i32
      %parallel_loop3A_786 = arith.constant 96 : i32
      %parallel_loop3A_787 = arith.addi %parallel_loop3A_785, %parallel_loop3A_786 : i32
      %parallel_loop3A_788 = arith.constant 3 : i32
      %parallel_loop3A_789 = arith.index_cast %parallel_loop3A_788 : i32 to index
      %parallel_loop3A_790 = arith.index_cast %parallel_loop3A_787 : i32 to index
      %parallel_loop3A_791 = tpu.vector_load %arg8[%parallel_loop3A_789, %parallel_loop3A_790] {strides = array<i32>} : memref<4x2048xf32, #tpu.memory_space<vmem>>, vector<16xf32>,
      tpu.vector_store %arg8[%parallel_loop3A_789, %parallel_loop3A_790], %parallel_loop3A_783 {add = true, strides = array<i32>} : memref<4x2048xf32, #tpu.memory_space<vmem>>, vector<16xf32>,
      %parallel_loop3A_792 = arith.constant 4 : i32
      %parallel_loop3A_793 = arith.muli %parallel_loop3A_295, %parallel_loop3A_792 : i32
      %parallel_loop3A_794 = arith.constant 3 : i32
      %parallel_loop3A_795 = arith.addi %parallel_loop3A_793, %parallel_loop3A_794 : i32
      %parallel_loop3A_796 = arith.index_cast %parallel_loop3A_795 : i32 to index
      %parallel_loop3A_797 = arith.constant 112 : index
      %parallel_loop3A_798 = tpu.vector_load %arg6[%parallel_loop3A_796, %parallel_loop3A_797] {strides = array<i32>} : memref<64x128xi32, #tpu.memory_space<vmem>>, vector<16xi32>,
      %parallel_loop3A_799 = tpu.vector_load_idx %arg7[%parallel_loop3A_798] : memref<100000xf32, #tpu.memory_space<vmem>>[vector<16xi32>], vector<16xf32>,
      %parallel_loop3A_800 = arith.constant 128 : i32
      %parallel_loop3A_801 = arith.muli %parallel_loop3A_295, %parallel_loop3A_800 : i32
      %parallel_loop3A_802 = arith.constant 112 : i32
      %parallel_loop3A_803 = arith.addi %parallel_loop3A_801, %parallel_loop3A_802 : i32
      %parallel_loop3A_804 = arith.constant 3 : i32
      %parallel_loop3A_805 = arith.index_cast %parallel_loop3A_804 : i32 to index
      %parallel_loop3A_806 = arith.index_cast %parallel_loop3A_803 : i32 to index
      %parallel_loop3A_807 = tpu.vector_load %arg8[%parallel_loop3A_805, %parallel_loop3A_806] {strides = array<i32>} : memref<4x2048xf32, #tpu.memory_space<vmem>>, vector<16xf32>,
      tpu.vector_store %arg8[%parallel_loop3A_805, %parallel_loop3A_806], %parallel_loop3A_799 {add = true, strides = array<i32>} : memref<4x2048xf32, #tpu.memory_space<vmem>>, vector<16xf32>,
    } {sc.loop_unroll_factor = 2 : i64, sc.parallel_access}
    %barrier3A = arith.constant 0 : index
    tpu.barrier barrier_id(%barrier3A)
    %add3A_239 = arith.constant 0 : i32
    %add3A_240 = arith.addi %mul3A_2, %add3A_239 : i32
    %add3A_241 = arith.constant 1 : i32
    %add3A_242 = arith.addi %add3A_240, %add3A_241 : i32
    %dma_start3A_243 = arith.constant 0 : i32
    %dma_start3A_244 = tpu.memref_slice %arg3[%add3A_242, %dma_start3A_243] : memref<64x100000xf32, #tpu.memory_space<hbm>> -> memref<1x100000xf32, #tpu.memory_space<hbm>>
    %dma_start3A_245 = tpu.memref_squeeze %dma_start3A_244 : memref<1x100000xf32, #tpu.memory_space<hbm>> -> memref<100000xf32, #tpu.memory_space<hbm>>
    %dma_start3A_246 = arith.constant 0 : i32
    %dma_start3A_247 = tpu.memref_slice %arg3[%add3A_242, %dma_start3A_246] : memref<64x100000xf32, #tpu.memory_space<hbm>> -> memref<1x100000xf32, #tpu.memory_space<hbm>>
    %dma_start3A_248 = tpu.memref_squeeze %dma_start3A_247 : memref<1x100000xf32, #tpu.memory_space<hbm>> -> memref<100000xf32, #tpu.memory_space<hbm>>
    tpu.enqueue_dma source(%dma_start3A_248 : memref<100000xf32, #tpu.memory_space<hbm>>) target(%arg7 : memref<100000xf32, #tpu.memory_space<vmem>>) target_semaphore(%arg10 : memref<!tpu.dma_semaphore, #tpu.memory_space<semaphore_mem>>)
    %add3A_249 = arith.constant 0 : i32
    %add3A_250 = arith.addi %mul3A_2, %add3A_249 : i32
    %dma_start3A_251 = arith.constant 0 : i32
    %dma_start3A_252 = arith.constant 0 : i32
    %dma_start3A_253 = tpu.memref_slice %arg5[%dma_start3A_251, %add3A_250, %dma_start3A_252] : memref<4x64x2048xf32, #tpu.memory_space<hbm>> -> memref<4x1x2048xf32, #tpu.memory_space<hbm>>
    %dma_start3A_254 = tpu.memref_squeeze %dma_start3A_253 : memref<4x1x2048xf32, #tpu.memory_space<hbm>> -> memref<4x2048xf32, #tpu.memory_space<hbm>>
    %dma_start3A_255 = arith.constant 0 : i32
    %dma_start3A_256 = arith.constant 0 : i32
    %dma_start3A_257 = tpu.memref_slice %arg5[%dma_start3A_255, %add3A_250, %dma_start3A_256] : memref<4x64x2048xf32, #tpu.memory_space<hbm>> -> memref<4x1x2048xf32, #tpu.memory_space<hbm>>
    %dma_start3A_258 = tpu.memref_squeeze %dma_start3A_257 : memref<4x1x2048xf32, #tpu.memory_space<hbm>> -> memref<4x2048xf32, #tpu.memory_space<hbm>>
    tpu.enqueue_dma source(%arg8 : memref<4x2048xf32, #tpu.memory_space<vmem>>) target(%dma_start3A_258 : memref<4x2048xf32, #tpu.memory_space<hbm>>) target_semaphore(%arg12 : memref<!tpu.dma_semaphore, #tpu.memory_space<semaphore_mem>>)
    %dma_wait3A_259 = arith.constant 0 : i32
    %dma_wait3A_260 = tpu.memref_slice %arg3[%add3A_242, %dma_wait3A_259] : memref<64x100000xf32, #tpu.memory_space<hbm>> -> memref<1x100000xf32, #tpu.memory_space<hbm>>
    %dma_wait3A_261 = tpu.memref_squeeze %dma_wait3A_260 : memref<1x100000xf32, #tpu.memory_space<hbm>> -> memref<100000xf32, #tpu.memory_space<hbm>>
    %dma_wait3A_262 = arith.constant 0 : i32
    %dma_wait3A_263 = tpu.memref_slice %arg3[%add3A_242, %dma_wait3A_262] : memref<64x100000xf32, #tpu.memory_space<hbm>> -> memref<1x100000xf32, #tpu.memory_space<hbm>>
    %dma_wait3A_264 = tpu.memref_squeeze %dma_wait3A_263 : memref<1x100000xf32, #tpu.memory_space<hbm>> -> memref<100000xf32, #tpu.memory_space<hbm>>
    tpu.wait_dma2 semaphore(%arg10 : memref<!tpu.dma_semaphore, #tpu.memory_space<semaphore_mem>>) src(%dma_wait3A_264 : memref<100000xf32, #tpu.memory_space<hbm>>) dst(%arg7 : memref<100000xf32, #tpu.memory_space<vmem>>)
    %parallel_loop3A_265 = arith.constant 0 : i32
    %parallel_loop3A_266 = arith.constant 16 : i32
    %parallel_loop3A_267 = arith.constant 1 : i32
    scf.for %parallel_loop3A_295 = %parallel_loop3A_265 to %parallel_loop3A_266 step %parallel_loop3A_267  : i32 {
      %parallel_loop3A_296 = arith.constant 4 : i32
      %parallel_loop3A_297 = arith.muli %parallel_loop3A_295, %parallel_loop3A_296 : i32
      %parallel_loop3A_298 = arith.constant 0 : i32
      %parallel_loop3A_299 = arith.addi %parallel_loop3A_297, %parallel_loop3A_298 : i32
      %parallel_loop3A_300 = arith.index_cast %parallel_loop3A_299 : i32 to index
      %parallel_loop3A_301 = arith.constant 0 : index
      %parallel_loop3A_302 = tpu.vector_load %arg6[%parallel_loop3A_300, %parallel_loop3A_301] {strides = array<i32>} : memref<64x128xi32, #tpu.memory_space<vmem>>, vector<16xi32>,
      %parallel_loop3A_303 = tpu.vector_load_idx %arg7[%parallel_loop3A_302] : memref<100000xf32, #tpu.memory_space<vmem>>[vector<16xi32>], vector<16xf32>,
      %parallel_loop3A_304 = arith.constant 128 : i32
      %parallel_loop3A_305 = arith.muli %parallel_loop3A_295, %parallel_loop3A_304 : i32
      %parallel_loop3A_306 = arith.constant 0 : i32
      %parallel_loop3A_307 = arith.addi %parallel_loop3A_305, %parallel_loop3A_306 : i32
      %parallel_loop3A_308 = arith.constant 0 : i32
      %parallel_loop3A_309 = arith.index_cast %parallel_loop3A_308 : i32 to index
      %parallel_loop3A_310 = arith.index_cast %parallel_loop3A_307 : i32 to index
      %parallel_loop3A_311 = tpu.vector_load %arg9[%parallel_loop3A_309, %parallel_loop3A_310] {strides = array<i32>} : memref<4x2048xf32, #tpu.memory_space<vmem>>, vector<16xf32>,
      tpu.vector_store %arg9[%parallel_loop3A_309, %parallel_loop3A_310], %parallel_loop3A_303 {add = true, strides = array<i32>} : memref<4x2048xf32, #tpu.memory_space<vmem>>, vector<16xf32>,
      %parallel_loop3A_312 = arith.constant 4 : i32
      %parallel_loop3A_313 = arith.muli %parallel_loop3A_295, %parallel_loop3A_312 : i32
      %parallel_loop3A_314 = arith.constant 0 : i32
      %parallel_loop3A_315 = arith.addi %parallel_loop3A_313, %parallel_loop3A_314 : i32
      %parallel_loop3A_316 = arith.index_cast %parallel_loop3A_315 : i32 to index
      %parallel_loop3A_317 = arith.constant 16 : index
      %parallel_loop3A_318 = tpu.vector_load %arg6[%parallel_loop3A_316, %parallel_loop3A_317] {strides = array<i32>} : memref<64x128xi32, #tpu.memory_space<vmem>>, vector<16xi32>,
      %parallel_loop3A_319 = tpu.vector_load_idx %arg7[%parallel_loop3A_318] : memref<100000xf32, #tpu.memory_space<vmem>>[vector<16xi32>], vector<16xf32>,
      %parallel_loop3A_320 = arith.constant 128 : i32
      %parallel_loop3A_321 = arith.muli %parallel_loop3A_295, %parallel_loop3A_320 : i32
      %parallel_loop3A_322 = arith.constant 16 : i32
      %parallel_loop3A_323 = arith.addi %parallel_loop3A_321, %parallel_loop3A_322 : i32
      %parallel_loop3A_324 = arith.constant 0 : i32
      %parallel_loop3A_325 = arith.index_cast %parallel_loop3A_324 : i32 to index
      %parallel_loop3A_326 = arith.index_cast %parallel_loop3A_323 : i32 to index
      %parallel_loop3A_327 = tpu.vector_load %arg9[%parallel_loop3A_325, %parallel_loop3A_326] {strides = array<i32>} : memref<4x2048xf32, #tpu.memory_space<vmem>>, vector<16xf32>,
      tpu.vector_store %arg9[%parallel_loop3A_325, %parallel_loop3A_326], %parallel_loop3A_319 {add = true, strides = array<i32>} : memref<4x2048xf32, #tpu.memory_space<vmem>>, vector<16xf32>,
      %parallel_loop3A_328 = arith.constant 4 : i32
      %parallel_loop3A_329 = arith.muli %parallel_loop3A_295, %parallel_loop3A_328 : i32
      %parallel_loop3A_330 = arith.constant 0 : i32
      %parallel_loop3A_331 = arith.addi %parallel_loop3A_329, %parallel_loop3A_330 : i32
      %parallel_loop3A_332 = arith.index_cast %parallel_loop3A_331 : i32 to index
      %parallel_loop3A_333 = arith.constant 32 : index
      %parallel_loop3A_334 = tpu.vector_load %arg6[%parallel_loop3A_332, %parallel_loop3A_333] {strides = array<i32>} : memref<64x128xi32, #tpu.memory_space<vmem>>, vector<16xi32>,
      %parallel_loop3A_335 = tpu.vector_load_idx %arg7[%parallel_loop3A_334] : memref<100000xf32, #tpu.memory_space<vmem>>[vector<16xi32>], vector<16xf32>,
      %parallel_loop3A_336 = arith.constant 128 : i32
      %parallel_loop3A_337 = arith.muli %parallel_loop3A_295, %parallel_loop3A_336 : i32
      %parallel_loop3A_338 = arith.constant 32 : i32
      %parallel_loop3A_339 = arith.addi %parallel_loop3A_337, %parallel_loop3A_338 : i32
      %parallel_loop3A_340 = arith.constant 0 : i32
      %parallel_loop3A_341 = arith.index_cast %parallel_loop3A_340 : i32 to index
      %parallel_loop3A_342 = arith.index_cast %parallel_loop3A_339 : i32 to index
      %parallel_loop3A_343 = tpu.vector_load %arg9[%parallel_loop3A_341, %parallel_loop3A_342] {strides = array<i32>} : memref<4x2048xf32, #tpu.memory_space<vmem>>, vector<16xf32>,
      tpu.vector_store %arg9[%parallel_loop3A_341, %parallel_loop3A_342], %parallel_loop3A_335 {add = true, strides = array<i32>} : memref<4x2048xf32, #tpu.memory_space<vmem>>, vector<16xf32>,
      %parallel_loop3A_344 = arith.constant 4 : i32
      %parallel_loop3A_345 = arith.muli %parallel_loop3A_295, %parallel_loop3A_344 : i32
      %parallel_loop3A_346 = arith.constant 0 : i32
      %parallel_loop3A_347 = arith.addi %parallel_loop3A_345, %parallel_loop3A_346 : i32
      %parallel_loop3A_348 = arith.index_cast %parallel_loop3A_347 : i32 to index
      %parallel_loop3A_349 = arith.constant 48 : index
      %parallel_loop3A_350 = tpu.vector_load %arg6[%parallel_loop3A_348, %parallel_loop3A_349] {strides = array<i32>} : memref<64x128xi32, #tpu.memory_space<vmem>>, vector<16xi32>,
      %parallel_loop3A_351 = tpu.vector_load_idx %arg7[%parallel_loop3A_350] : memref<100000xf32, #tpu.memory_space<vmem>>[vector<16xi32>], vector<16xf32>,
      %parallel_loop3A_352 = arith.constant 128 : i32
      %parallel_loop3A_353 = arith.muli %parallel_loop3A_295, %parallel_loop3A_352 : i32
      %parallel_loop3A_354 = arith.constant 48 : i32
      %parallel_loop3A_355 = arith.addi %parallel_loop3A_353, %parallel_loop3A_354 : i32
      %parallel_loop3A_356 = arith.constant 0 : i32
      %parallel_loop3A_357 = arith.index_cast %parallel_loop3A_356 : i32 to index
      %parallel_loop3A_358 = arith.index_cast %parallel_loop3A_355 : i32 to index
      %parallel_loop3A_359 = tpu.vector_load %arg9[%parallel_loop3A_357, %parallel_loop3A_358] {strides = array<i32>} : memref<4x2048xf32, #tpu.memory_space<vmem>>, vector<16xf32>,
      tpu.vector_store %arg9[%parallel_loop3A_357, %parallel_loop3A_358], %parallel_loop3A_351 {add = true, strides = array<i32>} : memref<4x2048xf32, #tpu.memory_space<vmem>>, vector<16xf32>,
      %parallel_loop3A_360 = arith.constant 4 : i32
      %parallel_loop3A_361 = arith.muli %parallel_loop3A_295, %parallel_loop3A_360 : i32
      %parallel_loop3A_362 = arith.constant 0 : i32
      %parallel_loop3A_363 = arith.addi %parallel_loop3A_361, %parallel_loop3A_362 : i32
      %parallel_loop3A_364 = arith.index_cast %parallel_loop3A_363 : i32 to index
      %parallel_loop3A_365 = arith.constant 64 : index
      %parallel_loop3A_366 = tpu.vector_load %arg6[%parallel_loop3A_364, %parallel_loop3A_365] {strides = array<i32>} : memref<64x128xi32, #tpu.memory_space<vmem>>, vector<16xi32>,
      %parallel_loop3A_367 = tpu.vector_load_idx %arg7[%parallel_loop3A_366] : memref<100000xf32, #tpu.memory_space<vmem>>[vector<16xi32>], vector<16xf32>,
      %parallel_loop3A_368 = arith.constant 128 : i32
      %parallel_loop3A_369 = arith.muli %parallel_loop3A_295, %parallel_loop3A_368 : i32
      %parallel_loop3A_370 = arith.constant 64 : i32
      %parallel_loop3A_371 = arith.addi %parallel_loop3A_369, %parallel_loop3A_370 : i32
      %parallel_loop3A_372 = arith.constant 0 : i32
      %parallel_loop3A_373 = arith.index_cast %parallel_loop3A_372 : i32 to index
      %parallel_loop3A_374 = arith.index_cast %parallel_loop3A_371 : i32 to index
      %parallel_loop3A_375 = tpu.vector_load %arg9[%parallel_loop3A_373, %parallel_loop3A_374] {strides = array<i32>} : memref<4x2048xf32, #tpu.memory_space<vmem>>, vector<16xf32>,
      tpu.vector_store %arg9[%parallel_loop3A_373, %parallel_loop3A_374], %parallel_loop3A_367 {add = true, strides = array<i32>} : memref<4x2048xf32, #tpu.memory_space<vmem>>, vector<16xf32>,
      %parallel_loop3A_376 = arith.constant 4 : i32
      %parallel_loop3A_377 = arith.muli %parallel_loop3A_295, %parallel_loop3A_376 : i32
      %parallel_loop3A_378 = arith.constant 0 : i32
      %parallel_loop3A_379 = arith.addi %parallel_loop3A_377, %parallel_loop3A_378 : i32
      %parallel_loop3A_380 = arith.index_cast %parallel_loop3A_379 : i32 to index
      %parallel_loop3A_381 = arith.constant 80 : index
      %parallel_loop3A_382 = tpu.vector_load %arg6[%parallel_loop3A_380, %parallel_loop3A_381] {strides = array<i32>} : memref<64x128xi32, #tpu.memory_space<vmem>>, vector<16xi32>,
      %parallel_loop3A_383 = tpu.vector_load_idx %arg7[%parallel_loop3A_382] : memref<100000xf32, #tpu.memory_space<vmem>>[vector<16xi32>], vector<16xf32>,
      %parallel_loop3A_384 = arith.constant 128 : i32
      %parallel_loop3A_385 = arith.muli %parallel_loop3A_295, %parallel_loop3A_384 : i32
      %parallel_loop3A_386 = arith.constant 80 : i32
      %parallel_loop3A_387 = arith.addi %parallel_loop3A_385, %parallel_loop3A_386 : i32
      %parallel_loop3A_388 = arith.constant 0 : i32
      %parallel_loop3A_389 = arith.index_cast %parallel_loop3A_388 : i32 to index
      %parallel_loop3A_390 = arith.index_cast %parallel_loop3A_387 : i32 to index
      %parallel_loop3A_391 = tpu.vector_load %arg9[%parallel_loop3A_389, %parallel_loop3A_390] {strides = array<i32>} : memref<4x2048xf32, #tpu.memory_space<vmem>>, vector<16xf32>,
      tpu.vector_store %arg9[%parallel_loop3A_389, %parallel_loop3A_390], %parallel_loop3A_383 {add = true, strides = array<i32>} : memref<4x2048xf32, #tpu.memory_space<vmem>>, vector<16xf32>,
      %parallel_loop3A_392 = arith.constant 4 : i32
      %parallel_loop3A_393 = arith.muli %parallel_loop3A_295, %parallel_loop3A_392 : i32
      %parallel_loop3A_394 = arith.constant 0 : i32
      %parallel_loop3A_395 = arith.addi %parallel_loop3A_393, %parallel_loop3A_394 : i32
      %parallel_loop3A_396 = arith.index_cast %parallel_loop3A_395 : i32 to index
      %parallel_loop3A_397 = arith.constant 96 : index
      %parallel_loop3A_398 = tpu.vector_load %arg6[%parallel_loop3A_396, %parallel_loop3A_397] {strides = array<i32>} : memref<64x128xi32, #tpu.memory_space<vmem>>, vector<16xi32>,
      %parallel_loop3A_399 = tpu.vector_load_idx %arg7[%parallel_loop3A_398] : memref<100000xf32, #tpu.memory_space<vmem>>[vector<16xi32>], vector<16xf32>,
      %parallel_loop3A_400 = arith.constant 128 : i32
      %parallel_loop3A_401 = arith.muli %parallel_loop3A_295, %parallel_loop3A_400 : i32
      %parallel_loop3A_402 = arith.constant 96 : i32
      %parallel_loop3A_403 = arith.addi %parallel_loop3A_401, %parallel_loop3A_402 : i32
      %parallel_loop3A_404 = arith.constant 0 : i32
      %parallel_loop3A_405 = arith.index_cast %parallel_loop3A_404 : i32 to index
      %parallel_loop3A_406 = arith.index_cast %parallel_loop3A_403 : i32 to index
      %parallel_loop3A_407 = tpu.vector_load %arg9[%parallel_loop3A_405, %parallel_loop3A_406] {strides = array<i32>} : memref<4x2048xf32, #tpu.memory_space<vmem>>, vector<16xf32>,
      tpu.vector_store %arg9[%parallel_loop3A_405, %parallel_loop3A_406], %parallel_loop3A_399 {add = true, strides = array<i32>} : memref<4x2048xf32, #tpu.memory_space<vmem>>, vector<16xf32>,
      %parallel_loop3A_408 = arith.constant 4 : i32
      %parallel_loop3A_409 = arith.muli %parallel_loop3A_295, %parallel_loop3A_408 : i32
      %parallel_loop3A_410 = arith.constant 0 : i32
      %parallel_loop3A_411 = arith.addi %parallel_loop3A_409, %parallel_loop3A_410 : i32
      %parallel_loop3A_412 = arith.index_cast %parallel_loop3A_411 : i32 to index
      %parallel_loop3A_413 = arith.constant 112 : index
      %parallel_loop3A_414 = tpu.vector_load %arg6[%parallel_loop3A_412, %parallel_loop3A_413] {strides = array<i32>} : memref<64x128xi32, #tpu.memory_space<vmem>>, vector<16xi32>,
      %parallel_loop3A_415 = tpu.vector_load_idx %arg7[%parallel_loop3A_414] : memref<100000xf32, #tpu.memory_space<vmem>>[vector<16xi32>], vector<16xf32>,
      %parallel_loop3A_416 = arith.constant 128 : i32
      %parallel_loop3A_417 = arith.muli %parallel_loop3A_295, %parallel_loop3A_416 : i32
      %parallel_loop3A_418 = arith.constant 112 : i32
      %parallel_loop3A_419 = arith.addi %parallel_loop3A_417, %parallel_loop3A_418 : i32
      %parallel_loop3A_420 = arith.constant 0 : i32
      %parallel_loop3A_421 = arith.index_cast %parallel_loop3A_420 : i32 to index
      %parallel_loop3A_422 = arith.index_cast %parallel_loop3A_419 : i32 to index
      %parallel_loop3A_423 = tpu.vector_load %arg9[%parallel_loop3A_421, %parallel_loop3A_422] {strides = array<i32>} : memref<4x2048xf32, #tpu.memory_space<vmem>>, vector<16xf32>,
      tpu.vector_store %arg9[%parallel_loop3A_421, %parallel_loop3A_422], %parallel_loop3A_415 {add = true, strides = array<i32>} : memref<4x2048xf32, #tpu.memory_space<vmem>>, vector<16xf32>,
      %parallel_loop3A_424 = arith.constant 4 : i32
      %parallel_loop3A_425 = arith.muli %parallel_loop3A_295, %parallel_loop3A_424 : i32
      %parallel_loop3A_426 = arith.constant 1 : i32
      %parallel_loop3A_427 = arith.addi %parallel_loop3A_425, %parallel_loop3A_426 : i32
      %parallel_loop3A_428 = arith.index_cast %parallel_loop3A_427 : i32 to index
      %parallel_loop3A_429 = arith.constant 0 : index
      %parallel_loop3A_430 = tpu.vector_load %arg6[%parallel_loop3A_428, %parallel_loop3A_429] {strides = array<i32>} : memref<64x128xi32, #tpu.memory_space<vmem>>, vector<16xi32>,
      %parallel_loop3A_431 = tpu.vector_load_idx %arg7[%parallel_loop3A_430] : memref<100000xf32, #tpu.memory_space<vmem>>[vector<16xi32>], vector<16xf32>,
      %parallel_loop3A_432 = arith.constant 128 : i32
      %parallel_loop3A_433 = arith.muli %parallel_loop3A_295, %parallel_loop3A_432 : i32
      %parallel_loop3A_434 = arith.constant 0 : i32
      %parallel_loop3A_435 = arith.addi %parallel_loop3A_433, %parallel_loop3A_434 : i32
      %parallel_loop3A_436 = arith.constant 1 : i32
      %parallel_loop3A_437 = arith.index_cast %parallel_loop3A_436 : i32 to index
      %parallel_loop3A_438 = arith.index_cast %parallel_loop3A_435 : i32 to index
      %parallel_loop3A_439 = tpu.vector_load %arg9[%parallel_loop3A_437, %parallel_loop3A_438] {strides = array<i32>} : memref<4x2048xf32, #tpu.memory_space<vmem>>, vector<16xf32>,
      tpu.vector_store %arg9[%parallel_loop3A_437, %parallel_loop3A_438], %parallel_loop3A_431 {add = true, strides = array<i32>} : memref<4x2048xf32, #tpu.memory_space<vmem>>, vector<16xf32>,
      %parallel_loop3A_440 = arith.constant 4 : i32
      %parallel_loop3A_441 = arith.muli %parallel_loop3A_295, %parallel_loop3A_440 : i32
      %parallel_loop3A_442 = arith.constant 1 : i32
      %parallel_loop3A_443 = arith.addi %parallel_loop3A_441, %parallel_loop3A_442 : i32
      %parallel_loop3A_444 = arith.index_cast %parallel_loop3A_443 : i32 to index
      %parallel_loop3A_445 = arith.constant 16 : index
      %parallel_loop3A_446 = tpu.vector_load %arg6[%parallel_loop3A_444, %parallel_loop3A_445] {strides = array<i32>} : memref<64x128xi32, #tpu.memory_space<vmem>>, vector<16xi32>,
      %parallel_loop3A_447 = tpu.vector_load_idx %arg7[%parallel_loop3A_446] : memref<100000xf32, #tpu.memory_space<vmem>>[vector<16xi32>], vector<16xf32>,
      %parallel_loop3A_448 = arith.constant 128 : i32
      %parallel_loop3A_449 = arith.muli %parallel_loop3A_295, %parallel_loop3A_448 : i32
      %parallel_loop3A_450 = arith.constant 16 : i32
      %parallel_loop3A_451 = arith.addi %parallel_loop3A_449, %parallel_loop3A_450 : i32
      %parallel_loop3A_452 = arith.constant 1 : i32
      %parallel_loop3A_453 = arith.index_cast %parallel_loop3A_452 : i32 to index
      %parallel_loop3A_454 = arith.index_cast %parallel_loop3A_451 : i32 to index
      %parallel_loop3A_455 = tpu.vector_load %arg9[%parallel_loop3A_453, %parallel_loop3A_454] {strides = array<i32>} : memref<4x2048xf32, #tpu.memory_space<vmem>>, vector<16xf32>,
      tpu.vector_store %arg9[%parallel_loop3A_453, %parallel_loop3A_454], %parallel_loop3A_447 {add = true, strides = array<i32>} : memref<4x2048xf32, #tpu.memory_space<vmem>>, vector<16xf32>,
      %parallel_loop3A_456 = arith.constant 4 : i32
      %parallel_loop3A_457 = arith.muli %parallel_loop3A_295, %parallel_loop3A_456 : i32
      %parallel_loop3A_458 = arith.constant 1 : i32
      %parallel_loop3A_459 = arith.addi %parallel_loop3A_457, %parallel_loop3A_458 : i32
      %parallel_loop3A_460 = arith.index_cast %parallel_loop3A_459 : i32 to index
      %parallel_loop3A_461 = arith.constant 32 : index
      %parallel_loop3A_462 = tpu.vector_load %arg6[%parallel_loop3A_460, %parallel_loop3A_461] {strides = array<i32>} : memref<64x128xi32, #tpu.memory_space<vmem>>, vector<16xi32>,
      %parallel_loop3A_463 = tpu.vector_load_idx %arg7[%parallel_loop3A_462] : memref<100000xf32, #tpu.memory_space<vmem>>[vector<16xi32>], vector<16xf32>,
      %parallel_loop3A_464 = arith.constant 128 : i32
      %parallel_loop3A_465 = arith.muli %parallel_loop3A_295, %parallel_loop3A_464 : i32
      %parallel_loop3A_466 = arith.constant 32 : i32
      %parallel_loop3A_467 = arith.addi %parallel_loop3A_465, %parallel_loop3A_466 : i32
      %parallel_loop3A_468 = arith.constant 1 : i32
      %parallel_loop3A_469 = arith.index_cast %parallel_loop3A_468 : i32 to index
      %parallel_loop3A_470 = arith.index_cast %parallel_loop3A_467 : i32 to index
      %parallel_loop3A_471 = tpu.vector_load %arg9[%parallel_loop3A_469, %parallel_loop3A_470] {strides = array<i32>} : memref<4x2048xf32, #tpu.memory_space<vmem>>, vector<16xf32>,
      tpu.vector_store %arg9[%parallel_loop3A_469, %parallel_loop3A_470], %parallel_loop3A_463 {add = true, strides = array<i32>} : memref<4x2048xf32, #tpu.memory_space<vmem>>, vector<16xf32>,
      %parallel_loop3A_472 = arith.constant 4 : i32
      %parallel_loop3A_473 = arith.muli %parallel_loop3A_295, %parallel_loop3A_472 : i32
      %parallel_loop3A_474 = arith.constant 1 : i32
      %parallel_loop3A_475 = arith.addi %parallel_loop3A_473, %parallel_loop3A_474 : i32
      %parallel_loop3A_476 = arith.index_cast %parallel_loop3A_475 : i32 to index
      %parallel_loop3A_477 = arith.constant 48 : index
      %parallel_loop3A_478 = tpu.vector_load %arg6[%parallel_loop3A_476, %parallel_loop3A_477] {strides = array<i32>} : memref<64x128xi32, #tpu.memory_space<vmem>>, vector<16xi32>,
      %parallel_loop3A_479 = tpu.vector_load_idx %arg7[%parallel_loop3A_478] : memref<100000xf32, #tpu.memory_space<vmem>>[vector<16xi32>], vector<16xf32>,
      %parallel_loop3A_480 = arith.constant 128 : i32
      %parallel_loop3A_481 = arith.muli %parallel_loop3A_295, %parallel_loop3A_480 : i32
      %parallel_loop3A_482 = arith.constant 48 : i32
      %parallel_loop3A_483 = arith.addi %parallel_loop3A_481, %parallel_loop3A_482 : i32
      %parallel_loop3A_484 = arith.constant 1 : i32
      %parallel_loop3A_485 = arith.index_cast %parallel_loop3A_484 : i32 to index
      %parallel_loop3A_486 = arith.index_cast %parallel_loop3A_483 : i32 to index
      %parallel_loop3A_487 = tpu.vector_load %arg9[%parallel_loop3A_485, %parallel_loop3A_486] {strides = array<i32>} : memref<4x2048xf32, #tpu.memory_space<vmem>>, vector<16xf32>,
      tpu.vector_store %arg9[%parallel_loop3A_485, %parallel_loop3A_486], %parallel_loop3A_479 {add = true, strides = array<i32>} : memref<4x2048xf32, #tpu.memory_space<vmem>>, vector<16xf32>,
      %parallel_loop3A_488 = arith.constant 4 : i32
      %parallel_loop3A_489 = arith.muli %parallel_loop3A_295, %parallel_loop3A_488 : i32
      %parallel_loop3A_490 = arith.constant 1 : i32
      %parallel_loop3A_491 = arith.addi %parallel_loop3A_489, %parallel_loop3A_490 : i32
      %parallel_loop3A_492 = arith.index_cast %parallel_loop3A_491 : i32 to index
      %parallel_loop3A_493 = arith.constant 64 : index
      %parallel_loop3A_494 = tpu.vector_load %arg6[%parallel_loop3A_492, %parallel_loop3A_493] {strides = array<i32>} : memref<64x128xi32, #tpu.memory_space<vmem>>, vector<16xi32>,
      %parallel_loop3A_495 = tpu.vector_load_idx %arg7[%parallel_loop3A_494] : memref<100000xf32, #tpu.memory_space<vmem>>[vector<16xi32>], vector<16xf32>,
      %parallel_loop3A_496 = arith.constant 128 : i32
      %parallel_loop3A_497 = arith.muli %parallel_loop3A_295, %parallel_loop3A_496 : i32
      %parallel_loop3A_498 = arith.constant 64 : i32
      %parallel_loop3A_499 = arith.addi %parallel_loop3A_497, %parallel_loop3A_498 : i32
      %parallel_loop3A_500 = arith.constant 1 : i32
      %parallel_loop3A_501 = arith.index_cast %parallel_loop3A_500 : i32 to index
      %parallel_loop3A_502 = arith.index_cast %parallel_loop3A_499 : i32 to index
      %parallel_loop3A_503 = tpu.vector_load %arg9[%parallel_loop3A_501, %parallel_loop3A_502] {strides = array<i32>} : memref<4x2048xf32, #tpu.memory_space<vmem>>, vector<16xf32>,
      tpu.vector_store %arg9[%parallel_loop3A_501, %parallel_loop3A_502], %parallel_loop3A_495 {add = true, strides = array<i32>} : memref<4x2048xf32, #tpu.memory_space<vmem>>, vector<16xf32>,
      %parallel_loop3A_504 = arith.constant 4 : i32
      %parallel_loop3A_505 = arith.muli %parallel_loop3A_295, %parallel_loop3A_504 : i32
      %parallel_loop3A_506 = arith.constant 1 : i32
      %parallel_loop3A_507 = arith.addi %parallel_loop3A_505, %parallel_loop3A_506 : i32
      %parallel_loop3A_508 = arith.index_cast %parallel_loop3A_507 : i32 to index
      %parallel_loop3A_509 = arith.constant 80 : index
      %parallel_loop3A_510 = tpu.vector_load %arg6[%parallel_loop3A_508, %parallel_loop3A_509] {strides = array<i32>} : memref<64x128xi32, #tpu.memory_space<vmem>>, vector<16xi32>,
      %parallel_loop3A_511 = tpu.vector_load_idx %arg7[%parallel_loop3A_510] : memref<100000xf32, #tpu.memory_space<vmem>>[vector<16xi32>], vector<16xf32>,
      %parallel_loop3A_512 = arith.constant 128 : i32
      %parallel_loop3A_513 = arith.muli %parallel_loop3A_295, %parallel_loop3A_512 : i32
      %parallel_loop3A_514 = arith.constant 80 : i32
      %parallel_loop3A_515 = arith.addi %parallel_loop3A_513, %parallel_loop3A_514 : i32
      %parallel_loop3A_516 = arith.constant 1 : i32
      %parallel_loop3A_517 = arith.index_cast %parallel_loop3A_516 : i32 to index
      %parallel_loop3A_518 = arith.index_cast %parallel_loop3A_515 : i32 to index
      %parallel_loop3A_519 = tpu.vector_load %arg9[%parallel_loop3A_517, %parallel_loop3A_518] {strides = array<i32>} : memref<4x2048xf32, #tpu.memory_space<vmem>>, vector<16xf32>,
      tpu.vector_store %arg9[%parallel_loop3A_517, %parallel_loop3A_518], %parallel_loop3A_511 {add = true, strides = array<i32>} : memref<4x2048xf32, #tpu.memory_space<vmem>>, vector<16xf32>,
      %parallel_loop3A_520 = arith.constant 4 : i32
      %parallel_loop3A_521 = arith.muli %parallel_loop3A_295, %parallel_loop3A_520 : i32
      %parallel_loop3A_522 = arith.constant 1 : i32
      %parallel_loop3A_523 = arith.addi %parallel_loop3A_521, %parallel_loop3A_522 : i32
      %parallel_loop3A_524 = arith.index_cast %parallel_loop3A_523 : i32 to index
      %parallel_loop3A_525 = arith.constant 96 : index
      %parallel_loop3A_526 = tpu.vector_load %arg6[%parallel_loop3A_524, %parallel_loop3A_525] {strides = array<i32>} : memref<64x128xi32, #tpu.memory_space<vmem>>, vector<16xi32>,
      %parallel_loop3A_527 = tpu.vector_load_idx %arg7[%parallel_loop3A_526] : memref<100000xf32, #tpu.memory_space<vmem>>[vector<16xi32>], vector<16xf32>,
      %parallel_loop3A_528 = arith.constant 128 : i32
      %parallel_loop3A_529 = arith.muli %parallel_loop3A_295, %parallel_loop3A_528 : i32
      %parallel_loop3A_530 = arith.constant 96 : i32
      %parallel_loop3A_531 = arith.addi %parallel_loop3A_529, %parallel_loop3A_530 : i32
      %parallel_loop3A_532 = arith.constant 1 : i32
      %parallel_loop3A_533 = arith.index_cast %parallel_loop3A_532 : i32 to index
      %parallel_loop3A_534 = arith.index_cast %parallel_loop3A_531 : i32 to index
      %parallel_loop3A_535 = tpu.vector_load %arg9[%parallel_loop3A_533, %parallel_loop3A_534] {strides = array<i32>} : memref<4x2048xf32, #tpu.memory_space<vmem>>, vector<16xf32>,
      tpu.vector_store %arg9[%parallel_loop3A_533, %parallel_loop3A_534], %parallel_loop3A_527 {add = true, strides = array<i32>} : memref<4x2048xf32, #tpu.memory_space<vmem>>, vector<16xf32>,
      %parallel_loop3A_536 = arith.constant 4 : i32
      %parallel_loop3A_537 = arith.muli %parallel_loop3A_295, %parallel_loop3A_536 : i32
      %parallel_loop3A_538 = arith.constant 1 : i32
      %parallel_loop3A_539 = arith.addi %parallel_loop3A_537, %parallel_loop3A_538 : i32
      %parallel_loop3A_540 = arith.index_cast %parallel_loop3A_539 : i32 to index
      %parallel_loop3A_541 = arith.constant 112 : index
      %parallel_loop3A_542 = tpu.vector_load %arg6[%parallel_loop3A_540, %parallel_loop3A_541] {strides = array<i32>} : memref<64x128xi32, #tpu.memory_space<vmem>>, vector<16xi32>,
      %parallel_loop3A_543 = tpu.vector_load_idx %arg7[%parallel_loop3A_542] : memref<100000xf32, #tpu.memory_space<vmem>>[vector<16xi32>], vector<16xf32>,
      %parallel_loop3A_544 = arith.constant 128 : i32
      %parallel_loop3A_545 = arith.muli %parallel_loop3A_295, %parallel_loop3A_544 : i32
      %parallel_loop3A_546 = arith.constant 112 : i32
      %parallel_loop3A_547 = arith.addi %parallel_loop3A_545, %parallel_loop3A_546 : i32
      %parallel_loop3A_548 = arith.constant 1 : i32
      %parallel_loop3A_549 = arith.index_cast %parallel_loop3A_548 : i32 to index
      %parallel_loop3A_550 = arith.index_cast %parallel_loop3A_547 : i32 to index
      %parallel_loop3A_551 = tpu.vector_load %arg9[%parallel_loop3A_549, %parallel_loop3A_550] {strides = array<i32>} : memref<4x2048xf32, #tpu.memory_space<vmem>>, vector<16xf32>,
      tpu.vector_store %arg9[%parallel_loop3A_549, %parallel_loop3A_550], %parallel_loop3A_543 {add = true, strides = array<i32>} : memref<4x2048xf32, #tpu.memory_space<vmem>>, vector<16xf32>,
      %parallel_loop3A_552 = arith.constant 4 : i32
      %parallel_loop3A_553 = arith.muli %parallel_loop3A_295, %parallel_loop3A_552 : i32
      %parallel_loop3A_554 = arith.constant 2 : i32
      %parallel_loop3A_555 = arith.addi %parallel_loop3A_553, %parallel_loop3A_554 : i32
      %parallel_loop3A_556 = arith.index_cast %parallel_loop3A_555 : i32 to index
      %parallel_loop3A_557 = arith.constant 0 : index
      %parallel_loop3A_558 = tpu.vector_load %arg6[%parallel_loop3A_556, %parallel_loop3A_557] {strides = array<i32>} : memref<64x128xi32, #tpu.memory_space<vmem>>, vector<16xi32>,
      %parallel_loop3A_559 = tpu.vector_load_idx %arg7[%parallel_loop3A_558] : memref<100000xf32, #tpu.memory_space<vmem>>[vector<16xi32>], vector<16xf32>,
      %parallel_loop3A_560 = arith.constant 128 : i32
      %parallel_loop3A_561 = arith.muli %parallel_loop3A_295, %parallel_loop3A_560 : i32
      %parallel_loop3A_562 = arith.constant 0 : i32
      %parallel_loop3A_563 = arith.addi %parallel_loop3A_561, %parallel_loop3A_562 : i32
      %parallel_loop3A_564 = arith.constant 2 : i32
      %parallel_loop3A_565 = arith.index_cast %parallel_loop3A_564 : i32 to index
      %parallel_loop3A_566 = arith.index_cast %parallel_loop3A_563 : i32 to index
      %parallel_loop3A_567 = tpu.vector_load %arg9[%parallel_loop3A_565, %parallel_loop3A_566] {strides = array<i32>} : memref<4x2048xf32, #tpu.memory_space<vmem>>, vector<16xf32>,
      tpu.vector_store %arg9[%parallel_loop3A_565, %parallel_loop3A_566], %parallel_loop3A_559 {add = true, strides = array<i32>} : memref<4x2048xf32, #tpu.memory_space<vmem>>, vector<16xf32>,
      %parallel_loop3A_568 = arith.constant 4 : i32
      %parallel_loop3A_569 = arith.muli %parallel_loop3A_295, %parallel_loop3A_568 : i32
      %parallel_loop3A_570 = arith.constant 2 : i32
      %parallel_loop3A_571 = arith.addi %parallel_loop3A_569, %parallel_loop3A_570 : i32
      %parallel_loop3A_572 = arith.index_cast %parallel_loop3A_571 : i32 to index
      %parallel_loop3A_573 = arith.constant 16 : index
      %parallel_loop3A_574 = tpu.vector_load %arg6[%parallel_loop3A_572, %parallel_loop3A_573] {strides = array<i32>} : memref<64x128xi32, #tpu.memory_space<vmem>>, vector<16xi32>,
      %parallel_loop3A_575 = tpu.vector_load_idx %arg7[%parallel_loop3A_574] : memref<100000xf32, #tpu.memory_space<vmem>>[vector<16xi32>], vector<16xf32>,
      %parallel_loop3A_576 = arith.constant 128 : i32
      %parallel_loop3A_577 = arith.muli %parallel_loop3A_295, %parallel_loop3A_576 : i32
      %parallel_loop3A_578 = arith.constant 16 : i32
      %parallel_loop3A_579 = arith.addi %parallel_loop3A_577, %parallel_loop3A_578 : i32
      %parallel_loop3A_580 = arith.constant 2 : i32
      %parallel_loop3A_581 = arith.index_cast %parallel_loop3A_580 : i32 to index
      %parallel_loop3A_582 = arith.index_cast %parallel_loop3A_579 : i32 to index
      %parallel_loop3A_583 = tpu.vector_load %arg9[%parallel_loop3A_581, %parallel_loop3A_582] {strides = array<i32>} : memref<4x2048xf32, #tpu.memory_space<vmem>>, vector<16xf32>,
      tpu.vector_store %arg9[%parallel_loop3A_581, %parallel_loop3A_582], %parallel_loop3A_575 {add = true, strides = array<i32>} : memref<4x2048xf32, #tpu.memory_space<vmem>>, vector<16xf32>,
      %parallel_loop3A_584 = arith.constant 4 : i32
      %parallel_loop3A_585 = arith.muli %parallel_loop3A_295, %parallel_loop3A_584 : i32
      %parallel_loop3A_586 = arith.constant 2 : i32
      %parallel_loop3A_587 = arith.addi %parallel_loop3A_585, %parallel_loop3A_586 : i32
      %parallel_loop3A_588 = arith.index_cast %parallel_loop3A_587 : i32 to index
      %parallel_loop3A_589 = arith.constant 32 : index
      %parallel_loop3A_590 = tpu.vector_load %arg6[%parallel_loop3A_588, %parallel_loop3A_589] {strides = array<i32>} : memref<64x128xi32, #tpu.memory_space<vmem>>, vector<16xi32>,
      %parallel_loop3A_591 = tpu.vector_load_idx %arg7[%parallel_loop3A_590] : memref<100000xf32, #tpu.memory_space<vmem>>[vector<16xi32>], vector<16xf32>,
      %parallel_loop3A_592 = arith.constant 128 : i32
      %parallel_loop3A_593 = arith.muli %parallel_loop3A_295, %parallel_loop3A_592 : i32
      %parallel_loop3A_594 = arith.constant 32 : i32
      %parallel_loop3A_595 = arith.addi %parallel_loop3A_593, %parallel_loop3A_594 : i32
      %parallel_loop3A_596 = arith.constant 2 : i32
      %parallel_loop3A_597 = arith.index_cast %parallel_loop3A_596 : i32 to index
      %parallel_loop3A_598 = arith.index_cast %parallel_loop3A_595 : i32 to index
      %parallel_loop3A_599 = tpu.vector_load %arg9[%parallel_loop3A_597, %parallel_loop3A_598] {strides = array<i32>} : memref<4x2048xf32, #tpu.memory_space<vmem>>, vector<16xf32>,
      tpu.vector_store %arg9[%parallel_loop3A_597, %parallel_loop3A_598], %parallel_loop3A_591 {add = true, strides = array<i32>} : memref<4x2048xf32, #tpu.memory_space<vmem>>, vector<16xf32>,
      %parallel_loop3A_600 = arith.constant 4 : i32
      %parallel_loop3A_601 = arith.muli %parallel_loop3A_295, %parallel_loop3A_600 : i32
      %parallel_loop3A_602 = arith.constant 2 : i32
      %parallel_loop3A_603 = arith.addi %parallel_loop3A_601, %parallel_loop3A_602 : i32
      %parallel_loop3A_604 = arith.index_cast %parallel_loop3A_603 : i32 to index
      %parallel_loop3A_605 = arith.constant 48 : index
      %parallel_loop3A_606 = tpu.vector_load %arg6[%parallel_loop3A_604, %parallel_loop3A_605] {strides = array<i32>} : memref<64x128xi32, #tpu.memory_space<vmem>>, vector<16xi32>,
      %parallel_loop3A_607 = tpu.vector_load_idx %arg7[%parallel_loop3A_606] : memref<100000xf32, #tpu.memory_space<vmem>>[vector<16xi32>], vector<16xf32>,
      %parallel_loop3A_608 = arith.constant 128 : i32
      %parallel_loop3A_609 = arith.muli %parallel_loop3A_295, %parallel_loop3A_608 : i32
      %parallel_loop3A_610 = arith.constant 48 : i32
      %parallel_loop3A_611 = arith.addi %parallel_loop3A_609, %parallel_loop3A_610 : i32
      %parallel_loop3A_612 = arith.constant 2 : i32
      %parallel_loop3A_613 = arith.index_cast %parallel_loop3A_612 : i32 to index
      %parallel_loop3A_614 = arith.index_cast %parallel_loop3A_611 : i32 to index
      %parallel_loop3A_615 = tpu.vector_load %arg9[%parallel_loop3A_613, %parallel_loop3A_614] {strides = array<i32>} : memref<4x2048xf32, #tpu.memory_space<vmem>>, vector<16xf32>,
      tpu.vector_store %arg9[%parallel_loop3A_613, %parallel_loop3A_614], %parallel_loop3A_607 {add = true, strides = array<i32>} : memref<4x2048xf32, #tpu.memory_space<vmem>>, vector<16xf32>,
      %parallel_loop3A_616 = arith.constant 4 : i32
      %parallel_loop3A_617 = arith.muli %parallel_loop3A_295, %parallel_loop3A_616 : i32
      %parallel_loop3A_618 = arith.constant 2 : i32
      %parallel_loop3A_619 = arith.addi %parallel_loop3A_617, %parallel_loop3A_618 : i32
      %parallel_loop3A_620 = arith.index_cast %parallel_loop3A_619 : i32 to index
      %parallel_loop3A_621 = arith.constant 64 : index
      %parallel_loop3A_622 = tpu.vector_load %arg6[%parallel_loop3A_620, %parallel_loop3A_621] {strides = array<i32>} : memref<64x128xi32, #tpu.memory_space<vmem>>, vector<16xi32>,
      %parallel_loop3A_623 = tpu.vector_load_idx %arg7[%parallel_loop3A_622] : memref<100000xf32, #tpu.memory_space<vmem>>[vector<16xi32>], vector<16xf32>,
      %parallel_loop3A_624 = arith.constant 128 : i32
      %parallel_loop3A_625 = arith.muli %parallel_loop3A_295, %parallel_loop3A_624 : i32
      %parallel_loop3A_626 = arith.constant 64 : i32
      %parallel_loop3A_627 = arith.addi %parallel_loop3A_625, %parallel_loop3A_626 : i32
      %parallel_loop3A_628 = arith.constant 2 : i32
      %parallel_loop3A_629 = arith.index_cast %parallel_loop3A_628 : i32 to index
      %parallel_loop3A_630 = arith.index_cast %parallel_loop3A_627 : i32 to index
      %parallel_loop3A_631 = tpu.vector_load %arg9[%parallel_loop3A_629, %parallel_loop3A_630] {strides = array<i32>} : memref<4x2048xf32, #tpu.memory_space<vmem>>, vector<16xf32>,
      tpu.vector_store %arg9[%parallel_loop3A_629, %parallel_loop3A_630], %parallel_loop3A_623 {add = true, strides = array<i32>} : memref<4x2048xf32, #tpu.memory_space<vmem>>, vector<16xf32>,
      %parallel_loop3A_632 = arith.constant 4 : i32
      %parallel_loop3A_633 = arith.muli %parallel_loop3A_295, %parallel_loop3A_632 : i32
      %parallel_loop3A_634 = arith.constant 2 : i32
      %parallel_loop3A_635 = arith.addi %parallel_loop3A_633, %parallel_loop3A_634 : i32
      %parallel_loop3A_636 = arith.index_cast %parallel_loop3A_635 : i32 to index
      %parallel_loop3A_637 = arith.constant 80 : index
      %parallel_loop3A_638 = tpu.vector_load %arg6[%parallel_loop3A_636, %parallel_loop3A_637] {strides = array<i32>} : memref<64x128xi32, #tpu.memory_space<vmem>>, vector<16xi32>,
      %parallel_loop3A_639 = tpu.vector_load_idx %arg7[%parallel_loop3A_638] : memref<100000xf32, #tpu.memory_space<vmem>>[vector<16xi32>], vector<16xf32>,
      %parallel_loop3A_640 = arith.constant 128 : i32
      %parallel_loop3A_641 = arith.muli %parallel_loop3A_295, %parallel_loop3A_640 : i32
      %parallel_loop3A_642 = arith.constant 80 : i32
      %parallel_loop3A_643 = arith.addi %parallel_loop3A_641, %parallel_loop3A_642 : i32
      %parallel_loop3A_644 = arith.constant 2 : i32
      %parallel_loop3A_645 = arith.index_cast %parallel_loop3A_644 : i32 to index
      %parallel_loop3A_646 = arith.index_cast %parallel_loop3A_643 : i32 to index
      %parallel_loop3A_647 = tpu.vector_load %arg9[%parallel_loop3A_645, %parallel_loop3A_646] {strides = array<i32>} : memref<4x2048xf32, #tpu.memory_space<vmem>>, vector<16xf32>,
      tpu.vector_store %arg9[%parallel_loop3A_645, %parallel_loop3A_646], %parallel_loop3A_639 {add = true, strides = array<i32>} : memref<4x2048xf32, #tpu.memory_space<vmem>>, vector<16xf32>,
      %parallel_loop3A_648 = arith.constant 4 : i32
      %parallel_loop3A_649 = arith.muli %parallel_loop3A_295, %parallel_loop3A_648 : i32
      %parallel_loop3A_650 = arith.constant 2 : i32
      %parallel_loop3A_651 = arith.addi %parallel_loop3A_649, %parallel_loop3A_650 : i32
      %parallel_loop3A_652 = arith.index_cast %parallel_loop3A_651 : i32 to index
      %parallel_loop3A_653 = arith.constant 96 : index
      %parallel_loop3A_654 = tpu.vector_load %arg6[%parallel_loop3A_652, %parallel_loop3A_653] {strides = array<i32>} : memref<64x128xi32, #tpu.memory_space<vmem>>, vector<16xi32>,
      %parallel_loop3A_655 = tpu.vector_load_idx %arg7[%parallel_loop3A_654] : memref<100000xf32, #tpu.memory_space<vmem>>[vector<16xi32>], vector<16xf32>,
      %parallel_loop3A_656 = arith.constant 128 : i32
      %parallel_loop3A_657 = arith.muli %parallel_loop3A_295, %parallel_loop3A_656 : i32
      %parallel_loop3A_658 = arith.constant 96 : i32
      %parallel_loop3A_659 = arith.addi %parallel_loop3A_657, %parallel_loop3A_658 : i32
      %parallel_loop3A_660 = arith.constant 2 : i32
      %parallel_loop3A_661 = arith.index_cast %parallel_loop3A_660 : i32 to index
      %parallel_loop3A_662 = arith.index_cast %parallel_loop3A_659 : i32 to index
      %parallel_loop3A_663 = tpu.vector_load %arg9[%parallel_loop3A_661, %parallel_loop3A_662] {strides = array<i32>} : memref<4x2048xf32, #tpu.memory_space<vmem>>, vector<16xf32>,
      tpu.vector_store %arg9[%parallel_loop3A_661, %parallel_loop3A_662], %parallel_loop3A_655 {add = true, strides = array<i32>} : memref<4x2048xf32, #tpu.memory_space<vmem>>, vector<16xf32>,
      %parallel_loop3A_664 = arith.constant 4 : i32
      %parallel_loop3A_665 = arith.muli %parallel_loop3A_295, %parallel_loop3A_664 : i32
      %parallel_loop3A_666 = arith.constant 2 : i32
      %parallel_loop3A_667 = arith.addi %parallel_loop3A_665, %parallel_loop3A_666 : i32
      %parallel_loop3A_668 = arith.index_cast %parallel_loop3A_667 : i32 to index
      %parallel_loop3A_669 = arith.constant 112 : index
      %parallel_loop3A_670 = tpu.vector_load %arg6[%parallel_loop3A_668, %parallel_loop3A_669] {strides = array<i32>} : memref<64x128xi32, #tpu.memory_space<vmem>>, vector<16xi32>,
      %parallel_loop3A_671 = tpu.vector_load_idx %arg7[%parallel_loop3A_670] : memref<100000xf32, #tpu.memory_space<vmem>>[vector<16xi32>], vector<16xf32>,
      %parallel_loop3A_672 = arith.constant 128 : i32
      %parallel_loop3A_673 = arith.muli %parallel_loop3A_295, %parallel_loop3A_672 : i32
      %parallel_loop3A_674 = arith.constant 112 : i32
      %parallel_loop3A_675 = arith.addi %parallel_loop3A_673, %parallel_loop3A_674 : i32
      %parallel_loop3A_676 = arith.constant 2 : i32
      %parallel_loop3A_677 = arith.index_cast %parallel_loop3A_676 : i32 to index
      %parallel_loop3A_678 = arith.index_cast %parallel_loop3A_675 : i32 to index
      %parallel_loop3A_679 = tpu.vector_load %arg9[%parallel_loop3A_677, %parallel_loop3A_678] {strides = array<i32>} : memref<4x2048xf32, #tpu.memory_space<vmem>>, vector<16xf32>,
      tpu.vector_store %arg9[%parallel_loop3A_677, %parallel_loop3A_678], %parallel_loop3A_671 {add = true, strides = array<i32>} : memref<4x2048xf32, #tpu.memory_space<vmem>>, vector<16xf32>,
      %parallel_loop3A_680 = arith.constant 4 : i32
      %parallel_loop3A_681 = arith.muli %parallel_loop3A_295, %parallel_loop3A_680 : i32
      %parallel_loop3A_682 = arith.constant 3 : i32
      %parallel_loop3A_683 = arith.addi %parallel_loop3A_681, %parallel_loop3A_682 : i32
      %parallel_loop3A_684 = arith.index_cast %parallel_loop3A_683 : i32 to index
      %parallel_loop3A_685 = arith.constant 0 : index
      %parallel_loop3A_686 = tpu.vector_load %arg6[%parallel_loop3A_684, %parallel_loop3A_685] {strides = array<i32>} : memref<64x128xi32, #tpu.memory_space<vmem>>, vector<16xi32>,
      %parallel_loop3A_687 = tpu.vector_load_idx %arg7[%parallel_loop3A_686] : memref<100000xf32, #tpu.memory_space<vmem>>[vector<16xi32>], vector<16xf32>,
      %parallel_loop3A_688 = arith.constant 128 : i32
      %parallel_loop3A_689 = arith.muli %parallel_loop3A_295, %parallel_loop3A_688 : i32
      %parallel_loop3A_690 = arith.constant 0 : i32
      %parallel_loop3A_691 = arith.addi %parallel_loop3A_689, %parallel_loop3A_690 : i32
      %parallel_loop3A_692 = arith.constant 3 : i32
      %parallel_loop3A_693 = arith.index_cast %parallel_loop3A_692 : i32 to index
      %parallel_loop3A_694 = arith.index_cast %parallel_loop3A_691 : i32 to index
      %parallel_loop3A_695 = tpu.vector_load %arg9[%parallel_loop3A_693, %parallel_loop3A_694] {strides = array<i32>} : memref<4x2048xf32, #tpu.memory_space<vmem>>, vector<16xf32>,
      tpu.vector_store %arg9[%parallel_loop3A_693, %parallel_loop3A_694], %parallel_loop3A_687 {add = true, strides = array<i32>} : memref<4x2048xf32, #tpu.memory_space<vmem>>, vector<16xf32>,
      %parallel_loop3A_696 = arith.constant 4 : i32
      %parallel_loop3A_697 = arith.muli %parallel_loop3A_295, %parallel_loop3A_696 : i32
      %parallel_loop3A_698 = arith.constant 3 : i32
      %parallel_loop3A_699 = arith.addi %parallel_loop3A_697, %parallel_loop3A_698 : i32
      %parallel_loop3A_700 = arith.index_cast %parallel_loop3A_699 : i32 to index
      %parallel_loop3A_701 = arith.constant 16 : index
      %parallel_loop3A_702 = tpu.vector_load %arg6[%parallel_loop3A_700, %parallel_loop3A_701] {strides = array<i32>} : memref<64x128xi32, #tpu.memory_space<vmem>>, vector<16xi32>,
      %parallel_loop3A_703 = tpu.vector_load_idx %arg7[%parallel_loop3A_702] : memref<100000xf32, #tpu.memory_space<vmem>>[vector<16xi32>], vector<16xf32>,
      %parallel_loop3A_704 = arith.constant 128 : i32
      %parallel_loop3A_705 = arith.muli %parallel_loop3A_295, %parallel_loop3A_704 : i32
      %parallel_loop3A_706 = arith.constant 16 : i32
      %parallel_loop3A_707 = arith.addi %parallel_loop3A_705, %parallel_loop3A_706 : i32
      %parallel_loop3A_708 = arith.constant 3 : i32
      %parallel_loop3A_709 = arith.index_cast %parallel_loop3A_708 : i32 to index
      %parallel_loop3A_710 = arith.index_cast %parallel_loop3A_707 : i32 to index
      %parallel_loop3A_711 = tpu.vector_load %arg9[%parallel_loop3A_709, %parallel_loop3A_710] {strides = array<i32>} : memref<4x2048xf32, #tpu.memory_space<vmem>>, vector<16xf32>,
      tpu.vector_store %arg9[%parallel_loop3A_709, %parallel_loop3A_710], %parallel_loop3A_703 {add = true, strides = array<i32>} : memref<4x2048xf32, #tpu.memory_space<vmem>>, vector<16xf32>,
      %parallel_loop3A_712 = arith.constant 4 : i32
      %parallel_loop3A_713 = arith.muli %parallel_loop3A_295, %parallel_loop3A_712 : i32
      %parallel_loop3A_714 = arith.constant 3 : i32
      %parallel_loop3A_715 = arith.addi %parallel_loop3A_713, %parallel_loop3A_714 : i32
      %parallel_loop3A_716 = arith.index_cast %parallel_loop3A_715 : i32 to index
      %parallel_loop3A_717 = arith.constant 32 : index
      %parallel_loop3A_718 = tpu.vector_load %arg6[%parallel_loop3A_716, %parallel_loop3A_717] {strides = array<i32>} : memref<64x128xi32, #tpu.memory_space<vmem>>, vector<16xi32>,
      %parallel_loop3A_719 = tpu.vector_load_idx %arg7[%parallel_loop3A_718] : memref<100000xf32, #tpu.memory_space<vmem>>[vector<16xi32>], vector<16xf32>,
      %parallel_loop3A_720 = arith.constant 128 : i32
      %parallel_loop3A_721 = arith.muli %parallel_loop3A_295, %parallel_loop3A_720 : i32
      %parallel_loop3A_722 = arith.constant 32 : i32
      %parallel_loop3A_723 = arith.addi %parallel_loop3A_721, %parallel_loop3A_722 : i32
      %parallel_loop3A_724 = arith.constant 3 : i32
      %parallel_loop3A_725 = arith.index_cast %parallel_loop3A_724 : i32 to index
      %parallel_loop3A_726 = arith.index_cast %parallel_loop3A_723 : i32 to index
      %parallel_loop3A_727 = tpu.vector_load %arg9[%parallel_loop3A_725, %parallel_loop3A_726] {strides = array<i32>} : memref<4x2048xf32, #tpu.memory_space<vmem>>, vector<16xf32>,
      tpu.vector_store %arg9[%parallel_loop3A_725, %parallel_loop3A_726], %parallel_loop3A_719 {add = true, strides = array<i32>} : memref<4x2048xf32, #tpu.memory_space<vmem>>, vector<16xf32>,
      %parallel_loop3A_728 = arith.constant 4 : i32
      %parallel_loop3A_729 = arith.muli %parallel_loop3A_295, %parallel_loop3A_728 : i32
      %parallel_loop3A_730 = arith.constant 3 : i32
      %parallel_loop3A_731 = arith.addi %parallel_loop3A_729, %parallel_loop3A_730 : i32
      %parallel_loop3A_732 = arith.index_cast %parallel_loop3A_731 : i32 to index
      %parallel_loop3A_733 = arith.constant 48 : index
      %parallel_loop3A_734 = tpu.vector_load %arg6[%parallel_loop3A_732, %parallel_loop3A_733] {strides = array<i32>} : memref<64x128xi32, #tpu.memory_space<vmem>>, vector<16xi32>,
      %parallel_loop3A_735 = tpu.vector_load_idx %arg7[%parallel_loop3A_734] : memref<100000xf32, #tpu.memory_space<vmem>>[vector<16xi32>], vector<16xf32>,
      %parallel_loop3A_736 = arith.constant 128 : i32
      %parallel_loop3A_737 = arith.muli %parallel_loop3A_295, %parallel_loop3A_736 : i32
      %parallel_loop3A_738 = arith.constant 48 : i32
      %parallel_loop3A_739 = arith.addi %parallel_loop3A_737, %parallel_loop3A_738 : i32
      %parallel_loop3A_740 = arith.constant 3 : i32
      %parallel_loop3A_741 = arith.index_cast %parallel_loop3A_740 : i32 to index
      %parallel_loop3A_742 = arith.index_cast %parallel_loop3A_739 : i32 to index
      %parallel_loop3A_743 = tpu.vector_load %arg9[%parallel_loop3A_741, %parallel_loop3A_742] {strides = array<i32>} : memref<4x2048xf32, #tpu.memory_space<vmem>>, vector<16xf32>,
      tpu.vector_store %arg9[%parallel_loop3A_741, %parallel_loop3A_742], %parallel_loop3A_735 {add = true, strides = array<i32>} : memref<4x2048xf32, #tpu.memory_space<vmem>>, vector<16xf32>,
      %parallel_loop3A_744 = arith.constant 4 : i32
      %parallel_loop3A_745 = arith.muli %parallel_loop3A_295, %parallel_loop3A_744 : i32
      %parallel_loop3A_746 = arith.constant 3 : i32
      %parallel_loop3A_747 = arith.addi %parallel_loop3A_745, %parallel_loop3A_746 : i32
      %parallel_loop3A_748 = arith.index_cast %parallel_loop3A_747 : i32 to index
      %parallel_loop3A_749 = arith.constant 64 : index
      %parallel_loop3A_750 = tpu.vector_load %arg6[%parallel_loop3A_748, %parallel_loop3A_749] {strides = array<i32>} : memref<64x128xi32, #tpu.memory_space<vmem>>, vector<16xi32>,
      %parallel_loop3A_751 = tpu.vector_load_idx %arg7[%parallel_loop3A_750] : memref<100000xf32, #tpu.memory_space<vmem>>[vector<16xi32>], vector<16xf32>,
      %parallel_loop3A_752 = arith.constant 128 : i32
      %parallel_loop3A_753 = arith.muli %parallel_loop3A_295, %parallel_loop3A_752 : i32
      %parallel_loop3A_754 = arith.constant 64 : i32
      %parallel_loop3A_755 = arith.addi %parallel_loop3A_753, %parallel_loop3A_754 : i32
      %parallel_loop3A_756 = arith.constant 3 : i32
      %parallel_loop3A_757 = arith.index_cast %parallel_loop3A_756 : i32 to index
      %parallel_loop3A_758 = arith.index_cast %parallel_loop3A_755 : i32 to index
      %parallel_loop3A_759 = tpu.vector_load %arg9[%parallel_loop3A_757, %parallel_loop3A_758] {strides = array<i32>} : memref<4x2048xf32, #tpu.memory_space<vmem>>, vector<16xf32>,
      tpu.vector_store %arg9[%parallel_loop3A_757, %parallel_loop3A_758], %parallel_loop3A_751 {add = true, strides = array<i32>} : memref<4x2048xf32, #tpu.memory_space<vmem>>, vector<16xf32>,
      %parallel_loop3A_760 = arith.constant 4 : i32
      %parallel_loop3A_761 = arith.muli %parallel_loop3A_295, %parallel_loop3A_760 : i32
      %parallel_loop3A_762 = arith.constant 3 : i32
      %parallel_loop3A_763 = arith.addi %parallel_loop3A_761, %parallel_loop3A_762 : i32
      %parallel_loop3A_764 = arith.index_cast %parallel_loop3A_763 : i32 to index
      %parallel_loop3A_765 = arith.constant 80 : index
      %parallel_loop3A_766 = tpu.vector_load %arg6[%parallel_loop3A_764, %parallel_loop3A_765] {strides = array<i32>} : memref<64x128xi32, #tpu.memory_space<vmem>>, vector<16xi32>,
      %parallel_loop3A_767 = tpu.vector_load_idx %arg7[%parallel_loop3A_766] : memref<100000xf32, #tpu.memory_space<vmem>>[vector<16xi32>], vector<16xf32>,
      %parallel_loop3A_768 = arith.constant 128 : i32
      %parallel_loop3A_769 = arith.muli %parallel_loop3A_295, %parallel_loop3A_768 : i32
      %parallel_loop3A_770 = arith.constant 80 : i32
      %parallel_loop3A_771 = arith.addi %parallel_loop3A_769, %parallel_loop3A_770 : i32
      %parallel_loop3A_772 = arith.constant 3 : i32
      %parallel_loop3A_773 = arith.index_cast %parallel_loop3A_772 : i32 to index
      %parallel_loop3A_774 = arith.index_cast %parallel_loop3A_771 : i32 to index
      %parallel_loop3A_775 = tpu.vector_load %arg9[%parallel_loop3A_773, %parallel_loop3A_774] {strides = array<i32>} : memref<4x2048xf32, #tpu.memory_space<vmem>>, vector<16xf32>,
      tpu.vector_store %arg9[%parallel_loop3A_773, %parallel_loop3A_774], %parallel_loop3A_767 {add = true, strides = array<i32>} : memref<4x2048xf32, #tpu.memory_space<vmem>>, vector<16xf32>,
      %parallel_loop3A_776 = arith.constant 4 : i32
      %parallel_loop3A_777 = arith.muli %parallel_loop3A_295, %parallel_loop3A_776 : i32
      %parallel_loop3A_778 = arith.constant 3 : i32
      %parallel_loop3A_779 = arith.addi %parallel_loop3A_777, %parallel_loop3A_778 : i32
      %parallel_loop3A_780 = arith.index_cast %parallel_loop3A_779 : i32 to index
      %parallel_loop3A_781 = arith.constant 96 : index
      %parallel_loop3A_782 = tpu.vector_load %arg6[%parallel_loop3A_780, %parallel_loop3A_781] {strides = array<i32>} : memref<64x128xi32, #tpu.memory_space<vmem>>, vector<16xi32>,
      %parallel_loop3A_783 = tpu.vector_load_idx %arg7[%parallel_loop3A_782] : memref<100000xf32, #tpu.memory_space<vmem>>[vector<16xi32>], vector<16xf32>,
      %parallel_loop3A_784 = arith.constant 128 : i32
      %parallel_loop3A_785 = arith.muli %parallel_loop3A_295, %parallel_loop3A_784 : i32
      %parallel_loop3A_786 = arith.constant 96 : i32
      %parallel_loop3A_787 = arith.addi %parallel_loop3A_785, %parallel_loop3A_786 : i32
      %parallel_loop3A_788 = arith.constant 3 : i32
      %parallel_loop3A_789 = arith.index_cast %parallel_loop3A_788 : i32 to index
      %parallel_loop3A_790 = arith.index_cast %parallel_loop3A_787 : i32 to index
      %parallel_loop3A_791 = tpu.vector_load %arg9[%parallel_loop3A_789, %parallel_loop3A_790] {strides = array<i32>} : memref<4x2048xf32, #tpu.memory_space<vmem>>, vector<16xf32>,
      tpu.vector_store %arg9[%parallel_loop3A_789, %parallel_loop3A_790], %parallel_loop3A_783 {add = true, strides = array<i32>} : memref<4x2048xf32, #tpu.memory_space<vmem>>, vector<16xf32>,
      %parallel_loop3A_792 = arith.constant 4 : i32
      %parallel_loop3A_793 = arith.muli %parallel_loop3A_295, %parallel_loop3A_792 : i32
      %parallel_loop3A_794 = arith.constant 3 : i32
      %parallel_loop3A_795 = arith.addi %parallel_loop3A_793, %parallel_loop3A_794 : i32
      %parallel_loop3A_796 = arith.index_cast %parallel_loop3A_795 : i32 to index
      %parallel_loop3A_797 = arith.constant 112 : index
      %parallel_loop3A_798 = tpu.vector_load %arg6[%parallel_loop3A_796, %parallel_loop3A_797] {strides = array<i32>} : memref<64x128xi32, #tpu.memory_space<vmem>>, vector<16xi32>,
      %parallel_loop3A_799 = tpu.vector_load_idx %arg7[%parallel_loop3A_798] : memref<100000xf32, #tpu.memory_space<vmem>>[vector<16xi32>], vector<16xf32>,
      %parallel_loop3A_800 = arith.constant 128 : i32
      %parallel_loop3A_801 = arith.muli %parallel_loop3A_295, %parallel_loop3A_800 : i32
      %parallel_loop3A_802 = arith.constant 112 : i32
      %parallel_loop3A_803 = arith.addi %parallel_loop3A_801, %parallel_loop3A_802 : i32
      %parallel_loop3A_804 = arith.constant 3 : i32
      %parallel_loop3A_805 = arith.index_cast %parallel_loop3A_804 : i32 to index
      %parallel_loop3A_806 = arith.index_cast %parallel_loop3A_803 : i32 to index
      %parallel_loop3A_807 = tpu.vector_load %arg9[%parallel_loop3A_805, %parallel_loop3A_806] {strides = array<i32>} : memref<4x2048xf32, #tpu.memory_space<vmem>>, vector<16xf32>,
      tpu.vector_store %arg9[%parallel_loop3A_805, %parallel_loop3A_806], %parallel_loop3A_799 {add = true, strides = array<i32>} : memref<4x2048xf32, #tpu.memory_space<vmem>>, vector<16xf32>,
    } {sc.loop_unroll_factor = 2 : i64, sc.parallel_access}
    %barrier3A_268 = arith.constant 0 : index
    tpu.barrier barrier_id(%barrier3A_268)
    %add3A_269 = arith.constant 1 : i32
    %add3A_270 = arith.addi %mul3A_2, %add3A_269 : i32
    %dma_start3A_271 = arith.constant 0 : i32
    %dma_start3A_272 = arith.constant 0 : i32
    %dma_start3A_273 = tpu.memref_slice %arg5[%dma_start3A_271, %add3A_270, %dma_start3A_272] : memref<4x64x2048xf32, #tpu.memory_space<hbm>> -> memref<4x1x2048xf32, #tpu.memory_space<hbm>>
    %dma_start3A_274 = tpu.memref_squeeze %dma_start3A_273 : memref<4x1x2048xf32, #tpu.memory_space<hbm>> -> memref<4x2048xf32, #tpu.memory_space<hbm>>
    %dma_start3A_275 = arith.constant 0 : i32
    %dma_start3A_276 = arith.constant 0 : i32
    %dma_start3A_277 = tpu.memref_slice %arg5[%dma_start3A_275, %add3A_270, %dma_start3A_276] : memref<4x64x2048xf32, #tpu.memory_space<hbm>> -> memref<4x1x2048xf32, #tpu.memory_space<hbm>>
    %dma_start3A_278 = tpu.memref_squeeze %dma_start3A_277 : memref<4x1x2048xf32, #tpu.memory_space<hbm>> -> memref<4x2048xf32, #tpu.memory_space<hbm>>
    tpu.enqueue_dma source(%arg9 : memref<4x2048xf32, #tpu.memory_space<vmem>>) target(%dma_start3A_278 : memref<4x2048xf32, #tpu.memory_space<hbm>>) target_semaphore(%arg12 : memref<!tpu.dma_semaphore, #tpu.memory_space<semaphore_mem>>)
    %dma_wait3A_279 = arith.constant 0 : i32
    %dma_wait3A_280 = arith.constant 0 : i32
    %dma_wait3A_281 = tpu.memref_slice %arg5[%dma_wait3A_279, %add3A_250, %dma_wait3A_280] : memref<4x64x2048xf32, #tpu.memory_space<hbm>> -> memref<4x1x2048xf32, #tpu.memory_space<hbm>>
    %dma_wait3A_282 = tpu.memref_squeeze %dma_wait3A_281 : memref<4x1x2048xf32, #tpu.memory_space<hbm>> -> memref<4x2048xf32, #tpu.memory_space<hbm>>
    %dma_wait3A_283 = arith.constant 0 : i32
    %dma_wait3A_284 = arith.constant 0 : i32
    %dma_wait3A_285 = tpu.memref_slice %arg5[%dma_wait3A_283, %add3A_250, %dma_wait3A_284] : memref<4x64x2048xf32, #tpu.memory_space<hbm>> -> memref<4x1x2048xf32, #tpu.memory_space<hbm>>
    %dma_wait3A_286 = tpu.memref_squeeze %dma_wait3A_285 : memref<4x1x2048xf32, #tpu.memory_space<hbm>> -> memref<4x2048xf32, #tpu.memory_space<hbm>>
    tpu.wait_dma2 semaphore(%arg12 : memref<!tpu.dma_semaphore, #tpu.memory_space<semaphore_mem>>) src(%arg8 : memref<4x2048xf32, #tpu.memory_space<vmem>>) dst(%dma_wait3A_286 : memref<4x2048xf32, #tpu.memory_space<hbm>>)
    %dma_wait3A_287 = arith.constant 0 : i32
    %dma_wait3A_288 = arith.constant 0 : i32
    %dma_wait3A_289 = tpu.memref_slice %arg5[%dma_wait3A_287, %add3A_270, %dma_wait3A_288] : memref<4x64x2048xf32, #tpu.memory_space<hbm>> -> memref<4x1x2048xf32, #tpu.memory_space<hbm>>
    %dma_wait3A_290 = tpu.memref_squeeze %dma_wait3A_289 : memref<4x1x2048xf32, #tpu.memory_space<hbm>> -> memref<4x2048xf32, #tpu.memory_space<hbm>>
    %dma_wait3A_291 = arith.constant 0 : i32
    %dma_wait3A_292 = arith.constant 0 : i32
    %dma_wait3A_293 = tpu.memref_slice %arg5[%dma_wait3A_291, %add3A_270, %dma_wait3A_292] : memref<4x64x2048xf32, #tpu.memory_space<hbm>> -> memref<4x1x2048xf32, #tpu.memory_space<hbm>>
    %dma_wait3A_294 = tpu.memref_squeeze %dma_wait3A_293 : memref<4x1x2048xf32, #tpu.memory_space<hbm>> -> memref<4x2048xf32, #tpu.memory_space<hbm>>
    tpu.wait_dma2 semaphore(%arg12 : memref<!tpu.dma_semaphore, #tpu.memory_space<semaphore_mem>>) src(%arg9 : memref<4x2048xf32, #tpu.memory_space<vmem>>) dst(%dma_wait3A_294 : memref<4x2048xf32, #tpu.memory_space<hbm>>)
    return
  }
}

</mosaic_0001>

<sc_bundles>
// kernel: kernel.3.cloned.1.call-start
scs
__scs_entry_jumppad:
0x0: {  	(pc) =	sbr.rel $0x88, $3  }
0x1: {  	(tag) =	ssettag $0x0;
	lr =	simm.s32 $0x1  }
0x2: {  	[smem:$0x3F9E] =	sst lr;
	_ =	strace $0xD0000000  }
0x3: {  	_ = 	snop  }
0x4: {  	_ = 	snop  }
0x5: {  	_ = 	snop  }
0x6: {  	_ = 	snop  }
0x7: {  	_ = 	snop  }
__scs_overlays_trampoline_lowered:
0x8: {  	[smem:$0x3FAD] =	sst s0  }
0x9: {  	[smem:$0x3FAE] =	sst s1  }
0xa: {  	[smem:$0x3FAF] =	sst s2  }
0xb: {  	[smem:$0x3FB0] =	sst s3  }
0xc: {  	[smem:$0x3FB1] =	sst s4  }
0xd: {  	[smem:$0x3FB2] =	sst s5  }
0xe: {  	[smem:$0x3FB3] =	sst s6  }
0xf: {  	[smem:$0x3FB4] =	sst s7  }
0x10: {  	[smem:$0x3FB5] =	sst s8  }
0x11: {  	[smem:$0x3FB6] =	sst s9;
	s0 =	simm.s32 @!p0 $0x0  }
0x12: {  	s1 =	sld [smem:$0x3F9C];
	s0 =	simm.s32 @p0 $0x1  }
0x13: {  	[smem:$0x3FB7] =	sst s0;
	s0 =	simm.s32 @!p1 $0x0  }
0x14: {  	s2 =	sld [smem:$0x3F9B];
	s0 =	simm.s32 @p1 $0x1  }
0x15: {  	[smem:$0x3FB8] =	sst s0;
	s0 =	simm.s32 @!p2 $0x0  }
0x16: {  	s3 =	sld [smem:$0x3FDB];
	s0 =	simm.s32 @p2 $0x1  }
0x17: {  	s4 =	simm.s32 $0x1BF5;
	[smem:$0x3FBA] =	sst s0  }
0x18: {  	s0 =	sld [smem:$0x3F9D];
	_ =	swait.ge [sflag:s4], $0x0  }
0x19: {  	s7 =	sld [smem:$0x3F9E]  }
0x1a: {  	s8 =	sadd.s32 $0xFFFFE003, lr  }
0x1b: {  	s9 =	sadd.s32 $0xFFFFFEF7, lr;
	s5 =	simm.s32 $0xFFFFFFFF;
	p2 =	slt.u32 s8, $0xFFFFF086  }
0x1c: {  	p1 =	slt.u32 s9, $0xF7A;
	s5 =	simm.s32 @!p2 $0x0  }
0x1d: {  	s5 =	simm.s32 @p1 $0x1;
	p0 =	seq.s32 s7, s2  }
0x1e: {  	s7 =	smul.u32 @!p0 $0xF7A, s2;
	p2 =	seq.s32 @!p0 s5, $0x0  }
0x1f: {  	s9 =	smul.u32 $0xF7A, s1;
	s8 =	simm.s32 @!p0 $0x1BF5;
	p2 =	por !p2, p0  }
0x20: {  	[sflag:s8] =	ssyncset.s32 @!p0 $0xFFFFF086;
	s6 =	sadd.s32 @!p0 s3, s7;
	s7 =	simm.s32 @!p0 $0x108  }
0x21: {  	s3 =	sadd.s32 s3, s9;
	s6 =	sadd.s32 @!p0 $0x88, s6;
	s7 =	simm.s32 @p2 $0x1082  }
0x22: {  	[simem:s7], [sflag:s8] =	dma.local @!p0 [hbm:s6], $0xF7A  }
0x23: {  	s9 =	sor.u32 $0xD0000000, s2;
	s6 =	simm.s32 $0x108;
	_ =	swait.ge @!p0 [sflag:s8], $0x0  }
0x24: {  	s3 =	sadd.s32 $0x88, s3;
	s6 =	simm.s32 @!p1 $0x1082;
	[sflag:s4] =	ssyncset.s32 $0xFFFFF086  }
0x25: {  	[simem:s6], [sflag:s4] =	dma.local [hbm:s3], $0xF7A  }
0x26: {  	[smem:$0x3F9E] =	sst s1;
	(tag) =	ssettag s2;
	_ =	strace s9  }
0x27: {  	s1 =	sld [smem:$0x3FAE]  }
0x28: {  	s2 =	sld [smem:$0x3FAF]  }
0x29: {  	s4 =	sld [smem:$0x3FB1]  }
0x2a: {  	p0 =	seq.s32 s5, $0x0;
	s5 =	sld [smem:$0x3FB2]  }
0x2b: {  	s6 =	sld [smem:$0x3FB3]  }
0x2c: {  	s7 =	sld [smem:$0x3FB4]  }
0x2d: {  	s3 =	simm.s32 $0x108;
	s8 =	sld [smem:$0x3FB5]  }
0x2e: {  	s3 =	simm.s32 @!p0 $0x1082;
	s9 =	sld [smem:$0x3FB6]  }
0x2f: {  	lr =	sadd.s32 s0, s3;
	s0 =	sld [smem:$0x3FAD]  }
0x30: {  	s3 =	sld [smem:$0x3FB0]  }
0x31: {  	[smem:$0x3FB9] =	sst s10  }
0x32: {  	s10 =	sld [smem:$0x3FB7];
	_ =	sdelay $0x3  }
0x33: {  	p0 =	seq.s32 s10, $0x1;
	s10 =	sld [smem:$0x3FB9];
	_ =	sdelay $0x3  }
0x34: {  	[smem:$0x3FB9] =	sst s10  }
0x35: {  	s10 =	sld [smem:$0x3FB8];
	_ =	sdelay $0x3  }
0x36: {  	p1 =	seq.s32 s10, $0x1;
	s10 =	sld [smem:$0x3FB9];
	_ =	sdelay $0x3  }
0x37: {  	[smem:$0x3FB9] =	sst s10  }
0x38: {  	s10 =	sld [smem:$0x3FBA]  }
0x39: {  	_ = 	snop;
	(pc) =	sbr.ind lr, $3  }
0x3a: {  	_ = 	snop  }
0x3b: {  	_ = 	snop  }
0x3c: {  	p2 =	seq.s32 s10, $0x1;
	s10 =	sld [smem:$0x3FB9]  }
0x3d: {  	_ =	shalt  }
0x3e: {  	_ =	shalt  }
0x3f: {  	_ =	shalt  }
0x40: {  	_ =	shalt  }
0x41: {  	_ =	shalt  }
0x42: {  	_ =	shalt  }
0x43: {  	_ =	shalt  }
0x44: {  	_ =	shalt  }
0x45: {  	_ =	shalt  }
0x46: {  	_ =	shalt  }
0x47: {  	_ =	shalt  }
0x48: {  	_ =	shalt  }
0x49: {  	_ =	shalt  }
0x4a: {  	_ =	shalt  }
0x4b: {  	_ =	shalt  }
0x4c: {  	_ =	shalt  }
0x4d: {  	_ =	shalt  }
0x4e: {  	_ =	shalt  }
0x4f: {  	_ =	shalt  }
0x50: {  	_ =	shalt  }
0x51: {  	_ =	shalt  }
0x52: {  	_ =	shalt  }
0x53: {  	_ =	shalt  }
0x54: {  	_ =	shalt  }
0x55: {  	_ =	shalt  }
0x56: {  	_ =	shalt  }
0x57: {  	_ =	shalt  }
0x58: {  	_ =	shalt  }
0x59: {  	_ =	shalt  }
0x5a: {  	_ =	shalt  }
0x5b: {  	_ =	shalt  }
0x5c: {  	_ =	shalt  }
0x5d: {  	_ =	shalt  }
0x5e: {  	_ =	shalt  }
0x5f: {  	_ =	shalt  }
0x60: {  	_ =	shalt  }
0x61: {  	_ =	shalt  }
0x62: {  	_ =	shalt  }
0x63: {  	_ =	shalt  }
0x64: {  	_ =	shalt  }
0x65: {  	_ =	shalt  }
0x66: {  	_ =	shalt  }
0x67: {  	_ =	shalt  }
0x68: {  	_ =	shalt  }
0x69: {  	_ =	shalt  }
0x6a: {  	_ =	shalt  }
0x6b: {  	_ =	shalt  }
0x6c: {  	_ =	shalt  }
0x6d: {  	_ =	shalt  }
0x6e: {  	_ =	shalt  }
0x6f: {  	_ =	shalt  }
0x70: {  	_ =	shalt  }
0x71: {  	_ =	shalt  }
0x72: {  	_ =	shalt  }
0x73: {  	_ =	shalt  }
0x74: {  	_ =	shalt  }
0x75: {  	_ =	shalt  }
0x76: {  	_ =	shalt  }
0x77: {  	_ =	shalt  }
0x78: {  	_ =	shalt  }
0x79: {  	_ =	shalt  }
0x7a: {  	_ =	shalt  }
0x7b: {  	_ =	shalt  }
0x7c: {  	_ =	shalt  }
0x7d: {  	_ =	shalt  }
0x7e: {  	_ =	shalt  }
0x7f: {  	_ =	shalt  }
0x80: {  	_ =	shalt  }
0x81: {  	_ =	shalt  }
0x82: {  	_ =	shalt  }
0x83: {  	_ =	shalt  }
0x84: {  	_ =	shalt  }
0x85: {  	_ =	shalt  }
0x86: {  	_ =	shalt  }
0x87: {  	_ =	shalt  }
.Lfunc_end0:
.L_simem_size_0:
called_computation_lowered:
.L_overlay_start_0:
0x88: {  	s2 =	sld [smem:$0x3FD9]  }
0x89: {  	s3 =	sld [smem:$0x3FFE];
	_ =	sdelay $0x1  }
0x8a: {  	s1 =	srdreg.scid  }
0x8b: {  	s0 =	sand.u32 $0x1, s1  }
0x8c: {  	s18 =	sshll.u32 s0, $0xA;
	s2 =	sadd.s32 s3, s2  }
0x8d: {  	s2 =	sadd.s32 s2, s18  }
0x8e: {  	[smem:$0x3FC5] =	sst s2  }
0x8f: {  	_ = 	snop  }
0x90: {  	s2 =	sld [smem:$0x3FC9]  }
0x91: {  	s19 =	sld [smem:$0x3FC8]  }
0x92: {  	s4 =	sld [smem:$0x3FC7]  }
0x93: {  	s5 =	sld [smem:$0x3FD0];
	(tm) =	ssettm $0x1  }
0x94: {  	s6 =	sld [smem:$0x3FFB];
	_ =	sdelay $0x3  }
0x95: {  	_ =	strace s6  }
0x96: {  	s6 =	sld [smem:$0x3FFC];
	_ =	sdelay $0x3  }
0x97: {  	_ =	strace s6  }
0x98: {  	s6 =	sld [smem:$0x3FFD];
	_ =	sdelay $0x3  }
0x99: {  	_ =	strace s6  }
0x9a: {  	_ =	strace $0x8FFFFFFF  }
0x9b: {  	s20 =	sld [smem:$0x3FDB];
	_ =	sdelay $0x1  }
0x9c: {  	s7 =	simm.s32 $_scs_section_size  }
0x9d: {  	s8 =	simm.s32 $_size__tile_overlayer_lowered;
	s9 =	simm.s32 $_tile_overlayer_lowered  }
0x9e: {  	s23 =	simm.s32 $0x1BFF;
	s22 =	sshll.u32 s9, $0x1;
	s6 =	sadd.s32 s7, s20  }
0x9f: {  	s10 =	simm.s32 $0x0;
	s21 =	sshll.u32 s8, $0x1;
	s8 =	sadd.s32 s22, s6  }
0xa0: {  	[timem:s10], [sflag:s23] =	dma.local [hbm:s8], s21  }
0xa1: {  	_ =	swait.ge [sflag:s23], s21  }
0xa2: {  	s7 =	ssub.s32 $0x0, s21;
	[sflag:s23] =	ssyncset.done $0x0  }
0xa3: {  	[sflag:s23] =	ssyncadd.s32 s7;
	_ =	sdelay $0x1  }
0xa4: {  	s24 =	simm.s32 $0x1B8B  }
0xa5: {  	_ =	swait.ge [sflag:s24], $0x1  }
0xa6: {  	[sflag:s24] =	ssyncset.done $0x0  }
0xa7: {  	s25 =	simm.s32 $0x1B8E;
	[sflag:s24] =	ssyncadd.s32 $0xFFFFFFFF  }
0xa8: {  	s26 =	simm.s32 $execute0_lowered;
	[smem:$0x3FD2] =	sst s25  }
0xa9: {  	s7 =	sshll.u32 s26, $0x1;
	_ =	strace $0x80000046;
	[dreg:$0x1] =	wrdreg $0xFFFFFFFF  }
0xaa: {  	s28 =	simm.s32 $_size_execute0_lowered;
	s6 =	sadd.s32 s6, s7;
	[dreg:$0x0] =	wrdreg $0x0  }
0xab: {  	s7 =	sshll.u32 s28, $0x1;
	[dreg:$0x2] =	wrdreg s6  }
0xac: {  	[dreg:$0x3] =	wrdreg s7  }
0xad: {  	[dreg:$0x4] =	wrdreg $0xC0  }
0xae: {  	_ =	task [dreg:s10], $0x5FFFF  }
0xaf: {  	[dreg:$0x1] =	wrdreg $0xFFFFFFFF  }
0xb0: {  	[dreg:$0x0] =	wrdreg $0x60  }
0xb1: {  	[dreg:$0x2] =	wrdreg s2  }
0xb2: {  	[dreg:$0x3] =	wrdreg s19  }
0xb3: {  	[dreg:$0x4] =	wrdreg s4  }
0xb4: {  	[dreg:$0x5] =	wrdreg s5  }
0xb5: {  	[dreg:$0x6] =	wrdreg $0x9  }
0xb6: {  	_ =	task.clear_ibuf [dreg:s10], $0x7FFFF;
	_ =	strace $0x90000046  }
0xb7: {  	s29 =	simm.s32 $0x9;
	_ =	strace $0x80000048  }
0xb8: {  	_ =	swait.ge [sflag:s29], $0x1  }
0xb9: {  	[sflag:s29] =	ssyncadd.s32 $0xFFFFFFFF  }
0xba: {  	_ =	strace $0x90000048  }
0xbb: {  	_ =	sfence  }
0xbc: {  	s30 =	sld [smem:$0x0];
	_ =	sdelay $0x2  }
0xbd: {  	s31 =	sshll.u32 s1, $0xD;
	s1 =	sshrl.u32 s1, $0x2  }
0xbe: {  	s3 =	sand.u32 $0x4000, s31;
	s1 =	sadd.s32 s1, s30  }
0xbf: {  	s0 =	sor.u32 s3, s0;
	s1 =	sshll.u32 s1, $0x11  }
0xc0: {  	s0 =	sor.u32 s1, s0  }
0xc1: {  	s0 =	sadd.s32 $0x8F2B, s0  }
0xc2: {  	[sflag:s0] =	ssyncadd.remote.s32 $0x1  }
0xc3: {  	_ =	sfence.sel $0xFFFF  }
0xc4: {  	[dreg:$0x0] =	wrdreg $0xFFFFFFFF;
	(pc) =	sbr.abs _section_cstart, $3  }
0xc5: {  	[dreg:$0x1] =	wrdreg $0xFFFFFFFF  }
0xc6: {  	_ =	task.clear_ibuf [dreg:s10], $0x2FFFF;
	_ =	strace $0x9FFFFFFF  }
0xc7: {  	(tm) =	ssettm $0x7FFFFFFF  }
tec
execute0_lowered:
.L_overlay_start_1:
0x0: {  	(tag) =	ssettag $0x1  }
0x1: {  	s0 =	rddreg [dreg:$0x1]  }
0x2: {  	s1 =	rddreg [dreg:$0x2]  }
0x3: {  	s2 =	rddreg [dreg:$0x3];
	s3 =	simm.s32 $0x0  }
0x4: {  	s4 =	srdreg.scid;
	s6 =	stileid.u32;
	s11 =	simm.s32 $0x80  }
0x5: {  	s13 =	simm.s32 $0x2000;
	s20 =	simm.s32 $0x1A700;
	s21 =	simm.s32 $0x1A900  }
0x6: {  	s22 =	simm.s32 $0x1AB00;
	s23 =	simm.s32 $0x1AD00;
	s28 =	simm.s32 $0x1B500  }
0x7: {  	s29 =	simm.s32 $0x1B700;
	s10 =	simm.s32 $0x0;
	s4 =	sand.u32 $0x1, s4  }
0x8: {  	s5 =	sshll.u32 s6, $0x9;
	s6 =	sshrl.u32 s6, $0x1;
	[smem:$0x7FF] =	sst s3  }
0x9: {  	s7 =	sshll.u32 s4, $0x8;
	s8 =	smul.u32 $0xC3800, s6;
	s5 =	sand.u32 $0x200, s5  }
0xa: {  	s4 =	ssub.s32 $0x2, s4;
	_ =	strace $0x80000047;
	s5 =	sor.u32 s7, s5  }
0xb: {  	s6 =	sshll.u32 s6, $0xE;
	s24 =	sshrl.u32 s4, $0x1;
	s9 =	sor.u32 s8, s5  }
0xc: {  	s4 =	ssub.s32 s4, s24;
	s26 =	sor.u32 s6, s5;
	s5 =	sor.u32 $0x80, s5  }
0xd: {  	s24 =	simm.s32 $0x1AF00;
	s25 =	sshrl.u32 s9, $0x3;
	s6 =	sor.u32 s6, s5  }
0xe: {  	s8 =	sor.u32 s8, s5;
	s31 =	smax.u32 s4, $0x1;
	s4 =	simm.s32 $0x400  }
0xf: {  	s7 =	sadd.s32 s0, s25;
	s30 =	sshrl.u32 s6, $0x3;
	[dreg:$0x7] =	wrdreg s31  }
0x10: {  	s8 =	sshrl.u32 s8, $0x3;
	s25 =	simm.s32 $0x1B100;
	[dreg:$0x5] =	wrdreg s7  }
0x11: {  	s7 =	sshrl.u32 s26, $0x3;
	s6 =	sadd.s32 s1, s30;
	s0 =	sadd.s32 s0, s8  }
0x12: {  	s9 =	sadd.s32 s2, s30;
	s26 =	simm.s32 $0x1B300;
	s5 =	sadd.s32 s1, s7  }
0x13: {  	[dreg:$0x6] =	wrdreg s0;
	s8 =	sadd.s32 s2, s7;
	s0 =	simm.s32 $0x2  }
0x14: {  	s2 =	simm.s32 $0x20000;
	s16 =	sadd.s32 $0x80, s5;
	s18 =	sadd.s32 $0x100, s5  }
.LBB2_1:
0x15: {  	s1 =	rddreg [dreg:$0x5]  }
0x16: {  	[tilespmem:s13], [sflag:$0x1] =	stream.strided.gather [hbm4b:s1+s11], $0x18700, s4, s11, $0x38;
	[tilespmem:$0x1E700] =	vst v63  }
0x17: {  	s17 =	rddreg [dreg:$0x0];
	s19 =	simm.s32 $0x4  }
0x18: {  	[tilespmem:s3], [sflag:$0x4] =	stream.linear.gather [hbm4b:s17+s3], $0x2000, $0x38;
	[tilespmem:$0x1E700] =	vst v63  }
0x19: {  	_ =	swait.ge [sflag:s19], $0x2000  }
0x1a: {  	[sflag:s19] =	ssyncset.done $0x0  }
0x1b: {  	[sflag:s19] =	ssyncadd.s32 $0xFFFFE000  }
0x1c: {  	[tilespmem:s20], [sflag:$0x2] =	stream.linear.gather [hbm4b:s5+s3], $0x80, $0x38;
	[tilespmem:$0x1E700] =	vst v63  }
0x1d: {  	_ = 	snop  }
0x1e: {  	[tilespmem:s21], [sflag:$0x2] =	stream.linear.gather [hbm4b:s16+s3], $0x80, $0x38;
	[tilespmem:$0x1E700] =	vst v63  }
0x1f: {  	_ = 	snop  }
0x20: {  	[tilespmem:s22], [sflag:$0x2] =	stream.linear.gather [hbm4b:s18+s3], $0x80, $0x38;
	[tilespmem:$0x1E700] =	vst v63  }
0x21: {  	s1 =	sadd.s32 $0x180, s5  }
0x22: {  	[tilespmem:s23], [sflag:$0x2] =	stream.linear.gather [hbm4b:s1+s3], $0x80, $0x38;
	[tilespmem:$0x1E700] =	vst v63  }
0x23: {  	s12 =	sadd.s32 $0x200, s5  }
0x24: {  	[tilespmem:s24], [sflag:$0x2] =	stream.linear.gather [hbm4b:s12+s3], $0x80, $0x38;
	[tilespmem:$0x1E700] =	vst v63  }
0x25: {  	s15 =	sadd.s32 $0x280, s5  }
0x26: {  	[tilespmem:s25], [sflag:$0x2] =	stream.linear.gather [hbm4b:s15+s3], $0x80, $0x38;
	[tilespmem:$0x1E700] =	vst v63  }
0x27: {  	s17 =	sadd.s32 $0x300, s5  }
0x28: {  	[tilespmem:s26], [sflag:$0x2] =	stream.linear.gather [hbm4b:s17+s3], $0x80, $0x38;
	[tilespmem:$0x1E700] =	vst v63  }
0x29: {  	s19 =	sadd.s32 $0x380, s5  }
0x2a: {  	[tilespmem:s28], [sflag:$0x2] =	stream.linear.gather [hbm4b:s19+s3], $0x80, $0x38;
	[tilespmem:$0x1E700] =	vst v63  }
0x2b: {  	s20 =	sadd.s32 $0x400, s5  }
0x2c: {  	[tilespmem:s29], [sflag:$0x2] =	stream.linear.gather [hbm4b:s20+s3], $0x80, $0x38;
	[tilespmem:$0x1E700] =	vst v63  }
0x2d: {  	s21 =	sadd.s32 $0x480, s5;
	s22 =	simm.s32 $0x1B900  }
0x2e: {  	[tilespmem:s22], [sflag:$0x2] =	stream.linear.gather [hbm4b:s21+s3], $0x80, $0x38;
	[tilespmem:$0x1E700] =	vst v63  }
0x2f: {  	s23 =	simm.s32 $0x1BB00;
	s22 =	sadd.s32 $0x500, s5  }
0x30: {  	[tilespmem:s23], [sflag:$0x2] =	stream.linear.gather [hbm4b:s22+s3], $0x80, $0x38;
	[tilespmem:$0x1E700] =	vst v63  }
0x31: {  	s24 =	simm.s32 $0x1BD00;
	s23 =	sadd.s32 $0x580, s5  }
0x32: {  	[tilespmem:s24], [sflag:$0x2] =	stream.linear.gather [hbm4b:s23+s3], $0x80, $0x38;
	[tilespmem:$0x1E700] =	vst v63  }
0x33: {  	s25 =	simm.s32 $0x1BF00;
	s24 =	sadd.s32 $0x600, s5  }
0x34: {  	[tilespmem:s25], [sflag:$0x2] =	stream.linear.gather [hbm4b:s24+s3], $0x80, $0x38;
	[tilespmem:$0x1E700] =	vst v63  }
0x35: {  	s26 =	simm.s32 $0x1C100;
	s25 =	sadd.s32 $0x680, s5  }
0x36: {  	[tilespmem:s26], [sflag:$0x2] =	stream.linear.gather [hbm4b:s25+s3], $0x80, $0x38;
	[tilespmem:$0x1E700] =	vst v63  }
0x37: {  	s28 =	simm.s32 $0x1C300;
	s26 =	sadd.s32 $0x700, s5  }
0x38: {  	[tilespmem:s28], [sflag:$0x2] =	stream.linear.gather [hbm4b:s26+s3], $0x80, $0x38;
	[tilespmem:$0x1E700] =	vst v63  }
0x39: {  	s29 =	simm.s32 $0x1C500;
	s28 =	sadd.s32 $0x780, s5  }
0x3a: {  	[tilespmem:s29], [sflag:$0x2] =	stream.linear.gather [hbm4b:s28+s3], $0x80, $0x38;
	[tilespmem:$0x1E700] =	vst v63  }
0x3b: {  	s29 =	simm.s32 $0x1A780  }
0x3c: {  	[tilespmem:s29], [sflag:$0x2] =	stream.linear.gather [hbm4b:s5+s3], $0x80, $0x38;
	[tilespmem:$0x1E700] =	vst v63  }
0x3d: {  	s29 =	simm.s32 $0x1A980  }
0x3e: {  	[tilespmem:s29], [sflag:$0x2] =	stream.linear.gather [hbm4b:s16+s3], $0x80, $0x38;
	[tilespmem:$0x1E700] =	vst v63  }
0x3f: {  	s29 =	simm.s32 $0x1AB80  }
0x40: {  	[tilespmem:s29], [sflag:$0x2] =	stream.linear.gather [hbm4b:s18+s3], $0x80, $0x38;
	[tilespmem:$0x1E700] =	vst v63  }
0x41: {  	s29 =	simm.s32 $0x1AD80  }
0x42: {  	[tilespmem:s29], [sflag:$0x2] =	stream.linear.gather [hbm4b:s1+s3], $0x80, $0x38;
	[tilespmem:$0x1E700] =	vst v63  }
0x43: {  	s29 =	simm.s32 $0x1AF80  }
0x44: {  	[tilespmem:s29], [sflag:$0x2] =	stream.linear.gather [hbm4b:s12+s3], $0x80, $0x38;
	[tilespmem:$0x1E700] =	vst v63  }
0x45: {  	s29 =	simm.s32 $0x1B180  }
0x46: {  	[tilespmem:s29], [sflag:$0x2] =	stream.linear.gather [hbm4b:s15+s3], $0x80, $0x38;
	[tilespmem:$0x1E700] =	vst v63  }
0x47: {  	s29 =	simm.s32 $0x1B380  }
0x48: {  	[tilespmem:s29], [sflag:$0x2] =	stream.linear.gather [hbm4b:s17+s3], $0x80, $0x38;
	[tilespmem:$0x1E700] =	vst v63  }
0x49: {  	s29 =	simm.s32 $0x1B580  }
0x4a: {  	[tilespmem:s29], [sflag:$0x2] =	stream.linear.gather [hbm4b:s19+s3], $0x80, $0x38;
	[tilespmem:$0x1E700] =	vst v63  }
0x4b: {  	s29 =	simm.s32 $0x1B780  }
0x4c: {  	[tilespmem:s29], [sflag:$0x2] =	stream.linear.gather [hbm4b:s20+s3], $0x80, $0x38;
	[tilespmem:$0x1E700] =	vst v63  }
0x4d: {  	s29 =	simm.s32 $0x1B980  }
0x4e: {  	[tilespmem:s29], [sflag:$0x2] =	stream.linear.gather [hbm4b:s21+s3], $0x80, $0x38;
	[tilespmem:$0x1E700] =	vst v63  }
0x4f: {  	s29 =	simm.s32 $0x1BB80  }
0x50: {  	[tilespmem:s29], [sflag:$0x2] =	stream.linear.gather [hbm4b:s22+s3], $0x80, $0x38;
	[tilespmem:$0x1E700] =	vst v63  }
0x51: {  	s29 =	simm.s32 $0x1BD80  }
0x52: {  	[tilespmem:s29], [sflag:$0x2] =	stream.linear.gather [hbm4b:s23+s3], $0x80, $0x38;
	[tilespmem:$0x1E700] =	vst v63  }
0x53: {  	s29 =	simm.s32 $0x1BF80  }
0x54: {  	[tilespmem:s29], [sflag:$0x2] =	stream.linear.gather [hbm4b:s24+s3], $0x80, $0x38;
	[tilespmem:$0x1E700] =	vst v63  }
0x55: {  	s29 =	simm.s32 $0x1C180  }
0x56: {  	[tilespmem:s29], [sflag:$0x2] =	stream.linear.gather [hbm4b:s25+s3], $0x80, $0x38;
	[tilespmem:$0x1E700] =	vst v63  }
0x57: {  	s29 =	simm.s32 $0x1C380  }
0x58: {  	[tilespmem:s29], [sflag:$0x2] =	stream.linear.gather [hbm4b:s26+s3], $0x80, $0x38;
	[tilespmem:$0x1E700] =	vst v63  }
0x59: {  	s29 =	simm.s32 $0x1C580  }
0x5a: {  	[tilespmem:s29], [sflag:$0x2] =	stream.linear.gather [hbm4b:s28+s3], $0x80, $0x38;
	[tilespmem:$0x1E700] =	vst v63  }
0x5b: {  	s29 =	simm.s32 $0x1A800  }
0x5c: {  	[tilespmem:s29], [sflag:$0x2] =	stream.linear.gather [hbm4b:s5+s3], $0x80, $0x38;
	[tilespmem:$0x1E700] =	vst v63  }
0x5d: {  	s29 =	simm.s32 $0x1AA00  }
0x5e: {  	[tilespmem:s29], [sflag:$0x2] =	stream.linear.gather [hbm4b:s16+s3], $0x80, $0x38;
	[tilespmem:$0x1E700] =	vst v63  }
0x5f: {  	s29 =	simm.s32 $0x1AC00  }
0x60: {  	[tilespmem:s29], [sflag:$0x2] =	stream.linear.gather [hbm4b:s18+s3], $0x80, $0x38;
	[tilespmem:$0x1E700] =	vst v63  }
0x61: {  	s29 =	simm.s32 $0x1AE00  }
0x62: {  	[tilespmem:s29], [sflag:$0x2] =	stream.linear.gather [hbm4b:s1+s3], $0x80, $0x38;
	[tilespmem:$0x1E700] =	vst v63  }
0x63: {  	s29 =	simm.s32 $0x1B000  }
0x64: {  	[tilespmem:s29], [sflag:$0x2] =	stream.linear.gather [hbm4b:s12+s3], $0x80, $0x38;
	[tilespmem:$0x1E700] =	vst v63  }
0x65: {  	s29 =	simm.s32 $0x1B200  }
0x66: {  	[tilespmem:s29], [sflag:$0x2] =	stream.linear.gather [hbm4b:s15+s3], $0x80, $0x38;
	[tilespmem:$0x1E700] =	vst v63  }
0x67: {  	s29 =	simm.s32 $0x1B400  }
0x68: {  	[tilespmem:s29], [sflag:$0x2] =	stream.linear.gather [hbm4b:s17+s3], $0x80, $0x38;
	[tilespmem:$0x1E700] =	vst v63  }
0x69: {  	s29 =	simm.s32 $0x1B600  }
0x6a: {  	[tilespmem:s29], [sflag:$0x2] =	stream.linear.gather [hbm4b:s19+s3], $0x80, $0x38;
	[tilespmem:$0x1E700] =	vst v63  }
0x6b: {  	s29 =	simm.s32 $0x1B800  }
0x6c: {  	[tilespmem:s29], [sflag:$0x2] =	stream.linear.gather [hbm4b:s20+s3], $0x80, $0x38;
	[tilespmem:$0x1E700] =	vst v63  }
0x6d: {  	s29 =	simm.s32 $0x1BA00  }
0x6e: {  	[tilespmem:s29], [sflag:$0x2] =	stream.linear.gather [hbm4b:s21+s3], $0x80, $0x38;
	[tilespmem:$0x1E700] =	vst v63  }
0x6f: {  	s29 =	simm.s32 $0x1BC00  }
0x70: {  	[tilespmem:s29], [sflag:$0x2] =	stream.linear.gather [hbm4b:s22+s3], $0x80, $0x38;
	[tilespmem:$0x1E700] =	vst v63  }
0x71: {  	s29 =	simm.s32 $0x1BE00  }
0x72: {  	[tilespmem:s29], [sflag:$0x2] =	stream.linear.gather [hbm4b:s23+s3], $0x80, $0x38;
	[tilespmem:$0x1E700] =	vst v63  }
0x73: {  	s29 =	simm.s32 $0x1C000  }
0x74: {  	[tilespmem:s29], [sflag:$0x2] =	stream.linear.gather [hbm4b:s24+s3], $0x80, $0x38;
	[tilespmem:$0x1E700] =	vst v63  }
0x75: {  	s29 =	simm.s32 $0x1C200  }
0x76: {  	[tilespmem:s29], [sflag:$0x2] =	stream.linear.gather [hbm4b:s25+s3], $0x80, $0x38;
	[tilespmem:$0x1E700] =	vst v63  }
0x77: {  	s29 =	simm.s32 $0x1C400  }
0x78: {  	[tilespmem:s29], [sflag:$0x2] =	stream.linear.gather [hbm4b:s26+s3], $0x80, $0x38;
	[tilespmem:$0x1E700] =	vst v63  }
0x79: {  	s29 =	simm.s32 $0x1C600  }
0x7a: {  	[tilespmem:s29], [sflag:$0x2] =	stream.linear.gather [hbm4b:s28+s3], $0x80, $0x38;
	[tilespmem:$0x1E700] =	vst v63  }
0x7b: {  	s29 =	simm.s32 $0x1A880  }
0x7c: {  	[tilespmem:s29], [sflag:$0x2] =	stream.linear.gather [hbm4b:s5+s3], $0x80, $0x38;
	[tilespmem:$0x1E700] =	vst v63  }
0x7d: {  	s29 =	simm.s32 $0x1AA80  }
0x7e: {  	[tilespmem:s29], [sflag:$0x2] =	stream.linear.gather [hbm4b:s16+s3], $0x80, $0x38;
	[tilespmem:$0x1E700] =	vst v63  }
0x7f: {  	s29 =	simm.s32 $0x1AC80  }
0x80: {  	[tilespmem:s29], [sflag:$0x2] =	stream.linear.gather [hbm4b:s18+s3], $0x80, $0x38;
	[tilespmem:$0x1E700] =	vst v63  }
0x81: {  	s29 =	simm.s32 $0x1AE80  }
0x82: {  	[tilespmem:s29], [sflag:$0x2] =	stream.linear.gather [hbm4b:s1+s3], $0x80, $0x38;
	[tilespmem:$0x1E700] =	vst v63  }
0x83: {  	s4 =	simm.s32 $0x1B080  }
0x84: {  	[tilespmem:s4], [sflag:$0x2] =	stream.linear.gather [hbm4b:s12+s3], $0x80, $0x38;
	[tilespmem:$0x1E700] =	vst v63  }
0x85: {  	s12 =	simm.s32 $0x1B280  }
0x86: {  	[tilespmem:s12], [sflag:$0x2] =	stream.linear.gather [hbm4b:s15+s3], $0x80, $0x38;
	[tilespmem:$0x1E700] =	vst v63  }
0x87: {  	s29 =	simm.s32 $0x1B480  }
0x88: {  	[tilespmem:s29], [sflag:$0x2] =	stream.linear.gather [hbm4b:s17+s3], $0x80, $0x38;
	[tilespmem:$0x1E700] =	vst v63  }
0x89: {  	s4 =	simm.s32 $0x1B680  }
0x8a: {  	[tilespmem:s4], [sflag:$0x2] =	stream.linear.gather [hbm4b:s19+s3], $0x80, $0x38;
	[tilespmem:$0x1E700] =	vst v63  }
0x8b: {  	s12 =	simm.s32 $0x1B880  }
0x8c: {  	[tilespmem:s12], [sflag:$0x2] =	stream.linear.gather [hbm4b:s20+s3], $0x80, $0x38;
	[tilespmem:$0x1E700] =	vst v63  }
0x8d: {  	s15 =	simm.s32 $0x1BA80  }
0x8e: {  	[tilespmem:s15], [sflag:$0x2] =	stream.linear.gather [hbm4b:s21+s3], $0x80, $0x38;
	[tilespmem:$0x1E700] =	vst v63  }
0x8f: {  	s17 =	simm.s32 $0x1BC80  }
0x90: {  	[tilespmem:s17], [sflag:$0x2] =	stream.linear.gather [hbm4b:s22+s3], $0x80, $0x38;
	[tilespmem:$0x1E700] =	vst v63  }
0x91: {  	s19 =	simm.s32 $0x1BE80  }
0x92: {  	[tilespmem:s19], [sflag:$0x2] =	stream.linear.gather [hbm4b:s23+s3], $0x80, $0x38;
	[tilespmem:$0x1E700] =	vst v63  }
0x93: {  	s20 =	simm.s32 $0x1C080  }
0x94: {  	[tilespmem:s20], [sflag:$0x2] =	stream.linear.gather [hbm4b:s24+s3], $0x80, $0x38;
	[tilespmem:$0x1E700] =	vst v63  }
0x95: {  	s21 =	simm.s32 $0x1C280  }
0x96: {  	[tilespmem:s21], [sflag:$0x2] =	stream.linear.gather [hbm4b:s25+s3], $0x80, $0x38;
	[tilespmem:$0x1E700] =	vst v63  }
0x97: {  	s22 =	simm.s32 $0x1C480  }
0x98: {  	[tilespmem:s22], [sflag:$0x2] =	stream.linear.gather [hbm4b:s26+s3], $0x80, $0x38;
	[tilespmem:$0x1E700] =	vst v63  }
0x99: {  	s23 =	simm.s32 $0x1C680  }
0x9a: {  	[tilespmem:s23], [sflag:$0x2] =	stream.linear.gather [hbm4b:s28+s3], $0x80, $0x38;
	[tilespmem:$0x1E700] =	vst v63  }
0x9b: {  	s30 =	simm.s32 $0x1C700  }
0x9c: {  	[tilespmem:s30], [sflag:$0x2] =	stream.linear.gather [hbm4b:s6+s3], $0x80, $0x38;
	[tilespmem:$0x1E700] =	vst v63  }
0x9d: {  	s1 =	sadd.s32 $0x80, s6;
	s30 =	simm.s32 $0x1C900  }
0x9e: {  	[tilespmem:s30], [sflag:$0x2] =	stream.linear.gather [hbm4b:s1+s3], $0x80, $0x38;
	[tilespmem:$0x1E700] =	vst v63  }
0x9f: {  	s14 =	simm.s32 $0x1CB00;
	s12 =	sadd.s32 $0x100, s6  }
0xa0: {  	[tilespmem:s14], [sflag:$0x2] =	stream.linear.gather [hbm4b:s12+s3], $0x80, $0x38;
	[tilespmem:$0x1E700] =	vst v63  }
0xa1: {  	s15 =	sadd.s32 $0x180, s6;
	s14 =	simm.s32 $0x1CD00  }
0xa2: {  	[tilespmem:s14], [sflag:$0x2] =	stream.linear.gather [hbm4b:s15+s3], $0x80, $0x38;
	[tilespmem:$0x1E700] =	vst v63  }
0xa3: {  	s31 =	simm.s32 $0x1CF00;
	s17 =	sadd.s32 $0x200, s6  }
0xa4: {  	[tilespmem:s31], [sflag:$0x2] =	stream.linear.gather [hbm4b:s17+s3], $0x80, $0x38;
	[tilespmem:$0x1E700] =	vst v63  }
0xa5: {  	s19 =	sadd.s32 $0x280, s6;
	s31 =	simm.s32 $0x1D100  }
0xa6: {  	[tilespmem:s31], [sflag:$0x2] =	stream.linear.gather [hbm4b:s19+s3], $0x80, $0x38;
	[tilespmem:$0x1E700] =	vst v63  }
0xa7: {  	s7 =	simm.s32 $0x1D300;
	s20 =	sadd.s32 $0x300, s6  }
0xa8: {  	[tilespmem:s7], [sflag:$0x2] =	stream.linear.gather [hbm4b:s20+s3], $0x80, $0x38;
	[tilespmem:$0x1E700] =	vst v63  }
0xa9: {  	s25 =	simm.s32 $0x1D500;
	s21 =	sadd.s32 $0x380, s6  }
0xaa: {  	[tilespmem:s25], [sflag:$0x2] =	stream.linear.gather [hbm4b:s21+s3], $0x80, $0x38;
	[tilespmem:$0x1E700] =	vst v63  }
0xab: {  	s24 =	simm.s32 $0x1D700;
	s22 =	sadd.s32 $0x400, s6  }
0xac: {  	[tilespmem:s24], [sflag:$0x2] =	stream.linear.gather [hbm4b:s22+s3], $0x80, $0x38;
	[tilespmem:$0x1E700] =	vst v63  }
0xad: {  	s28 =	simm.s32 $0x1D900;
	s23 =	sadd.s32 $0x480, s6  }
0xae: {  	[tilespmem:s28], [sflag:$0x2] =	stream.linear.gather [hbm4b:s23+s3], $0x80, $0x38;
	[tilespmem:$0x1E700] =	vst v63  }
0xaf: {  	s26 =	simm.s32 $0x1DB00;
	s24 =	sadd.s32 $0x500, s6  }
0xb0: {  	[tilespmem:s26], [sflag:$0x2] =	stream.linear.gather [hbm4b:s24+s3], $0x80, $0x38;
	[tilespmem:$0x1E700] =	vst v63  }
0xb1: {  	s25 =	sadd.s32 $0x580, s6;
	s28 =	simm.s32 $0x1DD00  }
0xb2: {  	[tilespmem:s28], [sflag:$0x2] =	stream.linear.gather [hbm4b:s25+s3], $0x80, $0x38;
	[tilespmem:$0x1E700] =	vst v63  }
0xb3: {  	s29 =	simm.s32 $0x1DF00;
	s26 =	sadd.s32 $0x600, s6  }
0xb4: {  	[tilespmem:s29], [sflag:$0x2] =	stream.linear.gather [hbm4b:s26+s3], $0x80, $0x38;
	[tilespmem:$0x1E700] =	vst v63  }
0xb5: {  	s28 =	sadd.s32 $0x680, s6;
	s29 =	simm.s32 $0x1E100  }
0xb6: {  	[tilespmem:s29], [sflag:$0x2] =	stream.linear.gather [hbm4b:s28+s3], $0x80, $0x38;
	[tilespmem:$0x1E700] =	vst v63  }
0xb7: {  	s4 =	sadd.s32 $0x700, s6;
	s7 =	simm.s32 $0x1E300  }
0xb8: {  	[tilespmem:s7], [sflag:$0x2] =	stream.linear.gather [hbm4b:s4+s3], $0x80, $0x38;
	[tilespmem:$0x1E700] =	vst v63  }
0xb9: {  	s29 =	sadd.s32 $0x780, s6;
	s7 =	simm.s32 $0x1E500  }
0xba: {  	[tilespmem:s7], [sflag:$0x2] =	stream.linear.gather [hbm4b:s29+s3], $0x80, $0x38;
	[tilespmem:$0x1E700] =	vst v63  }
0xbb: {  	s7 =	simm.s32 $0x1C780  }
0xbc: {  	[tilespmem:s7], [sflag:$0x2] =	stream.linear.gather [hbm4b:s6+s3], $0x80, $0x38;
	[tilespmem:$0x1E700] =	vst v63  }
0xbd: {  	s7 =	simm.s32 $0x1C980  }
0xbe: {  	[tilespmem:s7], [sflag:$0x2] =	stream.linear.gather [hbm4b:s1+s3], $0x80, $0x38;
	[tilespmem:$0x1E700] =	vst v63  }
0xbf: {  	s7 =	simm.s32 $0x1CB80  }
0xc0: {  	[tilespmem:s7], [sflag:$0x2] =	stream.linear.gather [hbm4b:s12+s3], $0x80, $0x38;
	[tilespmem:$0x1E700] =	vst v63  }
0xc1: {  	s7 =	simm.s32 $0x1CD80  }
0xc2: {  	[tilespmem:s7], [sflag:$0x2] =	stream.linear.gather [hbm4b:s15+s3], $0x80, $0x38;
	[tilespmem:$0x1E700] =	vst v63  }
0xc3: {  	s7 =	simm.s32 $0x1CF80  }
0xc4: {  	[tilespmem:s7], [sflag:$0x2] =	stream.linear.gather [hbm4b:s17+s3], $0x80, $0x38;
	[tilespmem:$0x1E700] =	vst v63  }
0xc5: {  	s7 =	simm.s32 $0x1D180  }
0xc6: {  	[tilespmem:s7], [sflag:$0x2] =	stream.linear.gather [hbm4b:s19+s3], $0x80, $0x38;
	[tilespmem:$0x1E700] =	vst v63  }
0xc7: {  	s7 =	simm.s32 $0x1D380  }
0xc8: {  	[tilespmem:s7], [sflag:$0x2] =	stream.linear.gather [hbm4b:s20+s3], $0x80, $0x38;
	[tilespmem:$0x1E700] =	vst v63  }
0xc9: {  	s7 =	simm.s32 $0x1D580  }
0xca: {  	[tilespmem:s7], [sflag:$0x2] =	stream.linear.gather [hbm4b:s21+s3], $0x80, $0x38;
	[tilespmem:$0x1E700] =	vst v63  }
0xcb: {  	s7 =	simm.s32 $0x1D780  }
0xcc: {  	[tilespmem:s7], [sflag:$0x2] =	stream.linear.gather [hbm4b:s22+s3], $0x80, $0x38;
	[tilespmem:$0x1E700] =	vst v63  }
0xcd: {  	s7 =	simm.s32 $0x1D980  }
0xce: {  	[tilespmem:s7], [sflag:$0x2] =	stream.linear.gather [hbm4b:s23+s3], $0x80, $0x38;
	[tilespmem:$0x1E700] =	vst v63  }
0xcf: {  	s7 =	simm.s32 $0x1DB80  }
0xd0: {  	[tilespmem:s7], [sflag:$0x2] =	stream.linear.gather [hbm4b:s24+s3], $0x80, $0x38;
	[tilespmem:$0x1E700] =	vst v63  }
0xd1: {  	s7 =	simm.s32 $0x1DD80  }
0xd2: {  	[tilespmem:s7], [sflag:$0x2] =	stream.linear.gather [hbm4b:s25+s3], $0x80, $0x38;
	[tilespmem:$0x1E700] =	vst v63  }
0xd3: {  	s7 =	simm.s32 $0x1DF80  }
0xd4: {  	[tilespmem:s7], [sflag:$0x2] =	stream.linear.gather [hbm4b:s26+s3], $0x80, $0x38;
	[tilespmem:$0x1E700] =	vst v63  }
0xd5: {  	s7 =	simm.s32 $0x1E180  }
0xd6: {  	[tilespmem:s7], [sflag:$0x2] =	stream.linear.gather [hbm4b:s28+s3], $0x80, $0x38;
	[tilespmem:$0x1E700] =	vst v63  }
0xd7: {  	s7 =	simm.s32 $0x1E380  }
0xd8: {  	[tilespmem:s7], [sflag:$0x2] =	stream.linear.gather [hbm4b:s4+s3], $0x80, $0x38;
	[tilespmem:$0x1E700] =	vst v63  }
0xd9: {  	s7 =	simm.s32 $0x1E580  }
0xda: {  	[tilespmem:s7], [sflag:$0x2] =	stream.linear.gather [hbm4b:s29+s3], $0x80, $0x38;
	[tilespmem:$0x1E700] =	vst v63  }
0xdb: {  	s7 =	simm.s32 $0x1C800  }
0xdc: {  	[tilespmem:s7], [sflag:$0x2] =	stream.linear.gather [hbm4b:s6+s3], $0x80, $0x38;
	[tilespmem:$0x1E700] =	vst v63  }
0xdd: {  	s7 =	simm.s32 $0x1CA00  }
0xde: {  	[tilespmem:s7], [sflag:$0x2] =	stream.linear.gather [hbm4b:s1+s3], $0x80, $0x38;
	[tilespmem:$0x1E700] =	vst v63  }
0xdf: {  	s7 =	simm.s32 $0x1CC00  }
0xe0: {  	[tilespmem:s7], [sflag:$0x2] =	stream.linear.gather [hbm4b:s12+s3], $0x80, $0x38;
	[tilespmem:$0x1E700] =	vst v63  }
0xe1: {  	s7 =	simm.s32 $0x1CE00  }
0xe2: {  	[tilespmem:s7], [sflag:$0x2] =	stream.linear.gather [hbm4b:s15+s3], $0x80, $0x38;
	[tilespmem:$0x1E700] =	vst v63  }
0xe3: {  	s7 =	simm.s32 $0x1D000  }
0xe4: {  	[tilespmem:s7], [sflag:$0x2] =	stream.linear.gather [hbm4b:s17+s3], $0x80, $0x38;
	[tilespmem:$0x1E700] =	vst v63  }
0xe5: {  	s7 =	simm.s32 $0x1D200  }
0xe6: {  	[tilespmem:s7], [sflag:$0x2] =	stream.linear.gather [hbm4b:s19+s3], $0x80, $0x38;
	[tilespmem:$0x1E700] =	vst v63  }
0xe7: {  	s7 =	simm.s32 $0x1D400  }
0xe8: {  	[tilespmem:s7], [sflag:$0x2] =	stream.linear.gather [hbm4b:s20+s3], $0x80, $0x38;
	[tilespmem:$0x1E700] =	vst v63  }
0xe9: {  	s7 =	simm.s32 $0x1D600  }
0xea: {  	[tilespmem:s7], [sflag:$0x2] =	stream.linear.gather [hbm4b:s21+s3], $0x80, $0x38;
	[tilespmem:$0x1E700] =	vst v63  }
0xeb: {  	s7 =	simm.s32 $0x1D800  }
0xec: {  	[tilespmem:s7], [sflag:$0x2] =	stream.linear.gather [hbm4b:s22+s3], $0x80, $0x38;
	[tilespmem:$0x1E700] =	vst v63  }
0xed: {  	s7 =	simm.s32 $0x1DA00  }
0xee: {  	[tilespmem:s7], [sflag:$0x2] =	stream.linear.gather [hbm4b:s23+s3], $0x80, $0x38;
	[tilespmem:$0x1E700] =	vst v63  }
0xef: {  	s7 =	simm.s32 $0x1DC00  }
0xf0: {  	[tilespmem:s7], [sflag:$0x2] =	stream.linear.gather [hbm4b:s24+s3], $0x80, $0x38;
	[tilespmem:$0x1E700] =	vst v63  }
0xf1: {  	s7 =	simm.s32 $0x1DE00  }
0xf2: {  	[tilespmem:s7], [sflag:$0x2] =	stream.linear.gather [hbm4b:s25+s3], $0x80, $0x38;
	[tilespmem:$0x1E700] =	vst v63  }
0xf3: {  	s7 =	simm.s32 $0x1E000  }
0xf4: {  	[tilespmem:s7], [sflag:$0x2] =	stream.linear.gather [hbm4b:s26+s3], $0x80, $0x38;
	[tilespmem:$0x1E700] =	vst v63  }
0xf5: {  	s7 =	simm.s32 $0x1E200  }
0xf6: {  	[tilespmem:s7], [sflag:$0x2] =	stream.linear.gather [hbm4b:s28+s3], $0x80, $0x38;
	[tilespmem:$0x1E700] =	vst v63  }
0xf7: {  	s7 =	simm.s32 $0x1E400  }
0xf8: {  	[tilespmem:s7], [sflag:$0x2] =	stream.linear.gather [hbm4b:s4+s3], $0x80, $0x38;
	[tilespmem:$0x1E700] =	vst v63  }
0xf9: {  	s7 =	simm.s32 $0x1E600  }
0xfa: {  	[tilespmem:s7], [sflag:$0x2] =	stream.linear.gather [hbm4b:s29+s3], $0x80, $0x38;
	[tilespmem:$0x1E700] =	vst v63  }
0xfb: {  	s7 =	simm.s32 $0x1C880  }
0xfc: {  	[tilespmem:s7], [sflag:$0x2] =	stream.linear.gather [hbm4b:s6+s3], $0x80, $0x38;
	[tilespmem:$0x1E700] =	vst v63  }
0xfd: {  	s7 =	simm.s32 $0x1CA80  }
0xfe: {  	[tilespmem:s7], [sflag:$0x2] =	stream.linear.gather [hbm4b:s1+s3], $0x80, $0x38;
	[tilespmem:$0x1E700] =	vst v63  }
0xff: {  	s7 =	simm.s32 $0x1CC80  }
0x100: {  	[tilespmem:s7], [sflag:$0x2] =	stream.linear.gather [hbm4b:s12+s3], $0x80, $0x38;
	[tilespmem:$0x1E700] =	vst v63  }
0x101: {  	s7 =	simm.s32 $0x1CE80  }
0x102: {  	[tilespmem:s7], [sflag:$0x2] =	stream.linear.gather [hbm4b:s15+s3], $0x80, $0x38;
	[tilespmem:$0x1E700] =	vst v63  }
0x103: {  	s12 =	simm.s32 $0x1D080  }
0x104: {  	[tilespmem:s12], [sflag:$0x2] =	stream.linear.gather [hbm4b:s17+s3], $0x80, $0x38;
	[tilespmem:$0x1E700] =	vst v63  }
0x105: {  	s15 =	simm.s32 $0x1D280  }
0x106: {  	[tilespmem:s15], [sflag:$0x2] =	stream.linear.gather [hbm4b:s19+s3], $0x80, $0x38;
	[tilespmem:$0x1E700] =	vst v63  }
0x107: {  	s17 =	simm.s32 $0x1D480  }
0x108: {  	[tilespmem:s17], [sflag:$0x2] =	stream.linear.gather [hbm4b:s20+s3], $0x80, $0x38;
	[tilespmem:$0x1E700] =	vst v63  }
0x109: {  	s19 =	simm.s32 $0x1D680  }
0x10a: {  	[tilespmem:s19], [sflag:$0x2] =	stream.linear.gather [hbm4b:s21+s3], $0x80, $0x38;
	[tilespmem:$0x1E700] =	vst v63  }
0x10b: {  	s20 =	simm.s32 $0x1D880  }
0x10c: {  	[tilespmem:s20], [sflag:$0x2] =	stream.linear.gather [hbm4b:s22+s3], $0x80, $0x38;
	[tilespmem:$0x1E700] =	vst v63  }
0x10d: {  	s21 =	simm.s32 $0x1DA80  }
0x10e: {  	[tilespmem:s21], [sflag:$0x2] =	stream.linear.gather [hbm4b:s23+s3], $0x80, $0x38;
	[tilespmem:$0x1E700] =	vst v63  }
0x10f: {  	s22 =	simm.s32 $0x1DC80  }
0x110: {  	[tilespmem:s22], [sflag:$0x2] =	stream.linear.gather [hbm4b:s24+s3], $0x80, $0x38;
	[tilespmem:$0x1E700] =	vst v63  }
0x111: {  	s23 =	simm.s32 $0x1DE80  }
0x112: {  	[tilespmem:s23], [sflag:$0x2] =	stream.linear.gather [hbm4b:s25+s3], $0x80, $0x38;
	[tilespmem:$0x1E700] =	vst v63  }
0x113: {  	s24 =	simm.s32 $0x1E080  }
0x114: {  	[tilespmem:s24], [sflag:$0x2] =	stream.linear.gather [hbm4b:s26+s3], $0x80, $0x38;
	[tilespmem:$0x1E700] =	vst v63  }
0x115: {  	s25 =	simm.s32 $0x1E280  }
0x116: {  	[tilespmem:s25], [sflag:$0x2] =	stream.linear.gather [hbm4b:s28+s3], $0x80, $0x38;
	[tilespmem:$0x1E700] =	vst v63  }
0x117: {  	s26 =	simm.s32 $0x1E480  }
0x118: {  	[tilespmem:s26], [sflag:$0x2] =	stream.linear.gather [hbm4b:s4+s3], $0x80, $0x38;
	[tilespmem:$0x1E700] =	vst v63  }
0x119: {  	s28 =	simm.s32 $0x1E680  }
0x11a: {  	[tilespmem:s28], [sflag:$0x2] =	stream.linear.gather [hbm4b:s29+s3], $0x80, $0x38;
	[tilespmem:$0x1E700] =	vst v63  }
0x11b: {  	s29 =	simm.s32 $0x1  }
0x11c: {  	_ =	swait.ge [sflag:s29], $0x18700  }
0x11d: {  	[sflag:s29] =	ssyncset.done $0x0  }
0x11e: {  	[sflag:s29] =	ssyncadd.s32 $0xFFFE7900  }
0x11f: {  	_ =	swait.ge [sflag:s0], $0x800  }
0x120: {  	[sflag:s0] =	ssyncset.done $0x0  }
0x121: {  	[sflag:s0] =	ssyncadd.s32 $0xFFFFF800  }
0x122: {  	_ =	swait.ge [sflag:s0], $0x800  }
0x123: {  	[sflag:s0] =	ssyncset.done $0x0  }
0x124: {  	[sflag:s0] =	ssyncadd.s32 $0xFFFFF800  }
0x125: {  	_ =	swait.ge [sflag:s0], $0x800  }
0x126: {  	[sflag:s0] =	ssyncset.done $0x0  }
0x127: {  	[sflag:s0] =	ssyncadd.s32 $0xFFFFF800  }
0x128: {  	_ =	swait.ge [sflag:s0], $0x800  }
0x129: {  	[sflag:s0] =	ssyncset.done $0x0  }
0x12a: {  	[sflag:s0] =	ssyncadd.s32 $0xFFFFF800  }
0x12b: {  	_ =	swait.ge [sflag:s0], $0x800  }
0x12c: {  	[sflag:s0] =	ssyncset.done $0x0  }
0x12d: {  	[sflag:s0] =	ssyncadd.s32 $0xFFFFF800  }
0x12e: {  	_ =	swait.ge [sflag:s0], $0x800  }
0x12f: {  	[sflag:s0] =	ssyncset.done $0x0  }
0x130: {  	[sflag:s0] =	ssyncadd.s32 $0xFFFFF800  }
0x131: {  	_ =	swait.ge [sflag:s0], $0x800  }
0x132: {  	[sflag:s0] =	ssyncset.done $0x0  }
0x133: {  	[sflag:s0] =	ssyncadd.s32 $0xFFFFF800  }
0x134: {  	_ =	swait.ge [sflag:s0], $0x800  }
0x135: {  	[sflag:s0] =	ssyncset.done $0x0  }
0x136: {  	s1 =	simm.s32 $0x0;
	[sflag:s0] =	ssyncadd.s32 $0xFFFFF800  }
0x137: {  	v0 =	vld [tilespmem:s1+$0x200]  }
0x138: {  	v1 =	vld [tilespmem:s1+$0x210]  }
0x139: {  	v2 =	vld [tilespmem:s1+$0x0]  }
0x13a: {  	v3 =	vld [tilespmem:s1+$0x220]  }
0x13b: {  	v4 =	vld [tilespmem:s1+$0x230]  }
0x13c: {  	v5 =	vld [tilespmem:s1+$0x60]  }
0x13d: {  	v6 =	vld [tilespmem:s1+$0x70]  }
0x13e: {  	v7 =	vld [tilespmem:s1+$0x270]  }
0x13f: {  	v8 =	vld [tilespmem:s1+$0x280]  }
0x140: {  	v9 =	vld [tilespmem:s1+$0x290]  }
0x141: {  	v10 =	vld [tilespmem:s1+$0x2A0]  }
0x142: {  	v11 =	vld [tilespmem:s1+$0x2B0]  }
0x143: {  	v12 =	vld [tilespmem:s1+$0x110]  }
0x144: {  	v13 =	vld [tilespmem:s1+$0x130]  }
0x145: {  	v14 =	vld [tilespmem:s1+$0x140]  }
0x146: {  	v15 =	vld [tilespmem:s1+$0x150]  }
0x147: {  	v16 =	vld [tilespmem:s1+$0x160]  }
0x148: {  	v17 =	vld [tilespmem:s1+$0x170]  }
0x149: {  	s12 =	simm.s32 $0x400;
	v0 =	vld.idx.msk [tilespmem:v0+s13+$0x0], $0xffff  }
0x14a: {  	v52 =	vld [tilespmem:s12+$0x280]  }
0x14b: {  	v53 =	vld [tilespmem:s12+$0x290]  }
0x14c: {  	v54 =	vld [tilespmem:s12+$0xD0]  }
0x14d: {  	v18 =	vld [tilespmem:s12+$0x2A0]  }
0x14e: {  	[tilespmem:s1+$0x1A900] =	vst.add.f32.msk $0xffff, v0  }
0x14f: {  	v0 =	vld.idx.msk [tilespmem:v1+s13+$0x0], $0xffff  }
0x150: {  	v1 =	vld [tilespmem:s1+$0x10]  }
0x151: {  	v55 =	vld [tilespmem:s12+$0xF0]  }
0x152: {  	v2 =	vld.idx.msk [tilespmem:v2+s13+$0x0], $0xffff  }
0x153: {  	v19 =	vld [tilespmem:s12+$0x2B0]  }
0x154: {  	[tilespmem:s1+$0x1A910] =	vst.add.f32.msk $0xffff, v0  }
0x155: {  	v0 =	vld.idx.msk [tilespmem:v3+s13+$0x0], $0xffff  }
0x156: {  	v3 =	vld [tilespmem:s1+$0x20]  }
0x157: {  	[tilespmem:s1+$0x1A700] =	vst.add.f32.msk $0xffff, v2  }
0x158: {  	v1 =	vld.idx.msk [tilespmem:v1+s13+$0x0], $0xffff  }
0x159: {  	v2 =	vld [tilespmem:s1+$0x240]  }
0x15a: {  	[tilespmem:s1+$0x1A920] =	vst.add.f32.msk $0xffff, v0  }
0x15b: {  	v0 =	vld.idx.msk [tilespmem:v4+s13+$0x0], $0xffff  }
0x15c: {  	v56 =	vld [tilespmem:s12+$0x110]  }
0x15d: {  	[tilespmem:s1+$0x1A710] =	vst.add.f32.msk $0xffff, v1  }
0x15e: {  	v1 =	vld.idx.msk [tilespmem:v3+s13+$0x0], $0xffff  }
0x15f: {  	v3 =	vld [tilespmem:s1+$0x250]  }
0x160: {  	[tilespmem:s1+$0x1A930] =	vst.add.f32.msk $0xffff, v0  }
0x161: {  	v0 =	vld.idx.msk [tilespmem:v2+s13+$0x0], $0xffff  }
0x162: {  	v2 =	vld [tilespmem:s1+$0x30]  }
0x163: {  	v20 =	vld [tilespmem:s12+$0x2C0]  }
0x164: {  	v4 =	vld [tilespmem:s1+$0x260]  }
0x165: {  	[tilespmem:s1+$0x1A720] =	vst.add.f32.msk $0xffff, v1  }
0x166: {  	[tilespmem:s1+$0x1A940] =	vst.add.f32.msk $0xffff, v0  }
0x167: {  	v0 =	vld.idx.msk [tilespmem:v3+s13+$0x0], $0xffff  }
0x168: {  	v1 =	vld [tilespmem:s1+$0x40]  }
0x169: {  	v57 =	vld [tilespmem:s12+$0x130]  }
0x16a: {  	v2 =	vld.idx.msk [tilespmem:v2+s13+$0x0], $0xffff  }
0x16b: {  	v21 =	vld [tilespmem:s12+$0x2D0]  }
0x16c: {  	[tilespmem:s1+$0x1A950] =	vst.add.f32.msk $0xffff, v0  }
0x16d: {  	v0 =	vld.idx.msk [tilespmem:v4+s13+$0x0], $0xffff  }
0x16e: {  	v3 =	vld [tilespmem:s1+$0x50]  }
0x16f: {  	[tilespmem:s1+$0x1A730] =	vst.add.f32.msk $0xffff, v2  }
0x170: {  	v1 =	vld.idx.msk [tilespmem:v1+s13+$0x0], $0xffff  }
0x171: {  	v58 =	vld [tilespmem:s12+$0x150]  }
0x172: {  	[tilespmem:s1+$0x1A960] =	vst.add.f32.msk $0xffff, v0  }
0x173: {  	v0 =	vld.idx.msk [tilespmem:v7+s13+$0x0], $0xffff  }
0x174: {  	v22 =	vld [tilespmem:s12+$0x2E0]  }
0x175: {  	[tilespmem:s1+$0x1A740] =	vst.add.f32.msk $0xffff, v1  }
0x176: {  	v1 =	vld.idx.msk [tilespmem:v3+s13+$0x0], $0xffff  }
0x177: {  	v59 =	vld [tilespmem:s12+$0x170]  }
0x178: {  	[tilespmem:s1+$0x1A970] =	vst.add.f32.msk $0xffff, v0  }
0x179: {  	v0 =	vld.idx.msk [tilespmem:v8+s13+$0x0], $0xffff  }
0x17a: {  	v23 =	vld [tilespmem:s12+$0x2F0]  }
0x17b: {  	[tilespmem:s1+$0x1A750] =	vst.add.f32.msk $0xffff, v1  }
0x17c: {  	v1 =	vld.idx.msk [tilespmem:v5+s13+$0x0], $0xffff  }
0x17d: {  	v24 =	vld [tilespmem:s12+$0x300]  }
0x17e: {  	[tilespmem:s1+$0x1A980] =	vst.add.f32.msk $0xffff, v0  }
0x17f: {  	v0 =	vld.idx.msk [tilespmem:v9+s13+$0x0], $0xffff  }
0x180: {  	v2 =	vld [tilespmem:s1+$0x80]  }
0x181: {  	[tilespmem:s1+$0x1A760] =	vst.add.f32.msk $0xffff, v1  }
0x182: {  	v1 =	vld.idx.msk [tilespmem:v6+s13+$0x0], $0xffff  }
0x183: {  	v61 =	vld [tilespmem:s12+$0x320]  }
0x184: {  	[tilespmem:s1+$0x1A990] =	vst.add.f32.msk $0xffff, v0  }
0x185: {  	v0 =	vld.idx.msk [tilespmem:v10+s13+$0x0], $0xffff  }
0x186: {  	v4 =	vld [tilespmem:s1+$0x90]  }
0x187: {  	[tilespmem:s1+$0x1A770] =	vst.add.f32.msk $0xffff, v1  }
0x188: {  	v1 =	vld.idx.msk [tilespmem:v2+s13+$0x0], $0xffff  }
0x189: {  	v2 =	vld [tilespmem:s1+$0x2C0]  }
0x18a: {  	[tilespmem:s1+$0x1A9A0] =	vst.add.f32.msk $0xffff, v0  }
0x18b: {  	v0 =	vld.idx.msk [tilespmem:v11+s13+$0x0], $0xffff  }
0x18c: {  	v3 =	vld [tilespmem:s1+$0xA0]  }
0x18d: {  	[tilespmem:s1+$0x1A780] =	vst.add.f32.msk $0xffff, v1  }
0x18e: {  	v1 =	vld.idx.msk [tilespmem:v4+s13+$0x0], $0xffff  }
0x18f: {  	v4 =	vld [tilespmem:s1+$0x2D0]  }
0x190: {  	[tilespmem:s1+$0x1A9B0] =	vst.add.f32.msk $0xffff, v0  }
0x191: {  	v0 =	vld.idx.msk [tilespmem:v2+s13+$0x0], $0xffff  }
0x192: {  	v7 =	vld [tilespmem:s1+$0xB0]  }
0x193: {  	[tilespmem:s1+$0x1A790] =	vst.add.f32.msk $0xffff, v1  }
0x194: {  	v1 =	vld.idx.msk [tilespmem:v3+s13+$0x0], $0xffff  }
0x195: {  	v2 =	vld [tilespmem:s1+$0x2E0]  }
0x196: {  	[tilespmem:s1+$0x1A9C0] =	vst.add.f32.msk $0xffff, v0  }
0x197: {  	v0 =	vld.idx.msk [tilespmem:v4+s13+$0x0], $0xffff  }
0x198: {  	v5 =	vld [tilespmem:s1+$0xC0]  }
0x199: {  	[tilespmem:s1+$0x1A7A0] =	vst.add.f32.msk $0xffff, v1  }
0x19a: {  	v1 =	vld.idx.msk [tilespmem:v7+s13+$0x0], $0xffff  }
0x19b: {  	v3 =	vld [tilespmem:s1+$0x2F0]  }
0x19c: {  	[tilespmem:s1+$0x1A9D0] =	vst.add.f32.msk $0xffff, v0  }
0x19d: {  	v2 =	vld.idx.msk [tilespmem:v2+s13+$0x0], $0xffff  }
0x19e: {  	v8 =	vld [tilespmem:s1+$0xD0]  }
0x19f: {  	[tilespmem:s1+$0x1A7B0] =	vst.add.f32.msk $0xffff, v1  }
0x1a0: {  	v1 =	vld.idx.msk [tilespmem:v5+s13+$0x0], $0xffff  }
0x1a1: {  	v4 =	vld [tilespmem:s1+$0x300]  }
0x1a2: {  	[tilespmem:s1+$0x1A9E0] =	vst.add.f32.msk $0xffff, v2  }
0x1a3: {  	v3 =	vld.idx.msk [tilespmem:v3+s13+$0x0], $0xffff  }
0x1a4: {  	v6 =	vld [tilespmem:s1+$0xE0]  }
0x1a5: {  	[tilespmem:s1+$0x1A7C0] =	vst.add.f32.msk $0xffff, v1  }
0x1a6: {  	v1 =	vld.idx.msk [tilespmem:v8+s13+$0x0], $0xffff  }
0x1a7: {  	v5 =	vld [tilespmem:s1+$0x310]  }
0x1a8: {  	[tilespmem:s1+$0x1A9F0] =	vst.add.f32.msk $0xffff, v3  }
0x1a9: {  	v4 =	vld.idx.msk [tilespmem:v4+s13+$0x0], $0xffff  }
0x1aa: {  	v9 =	vld [tilespmem:s1+$0xF0]  }
0x1ab: {  	[tilespmem:s1+$0x1A7D0] =	vst.add.f32.msk $0xffff, v1  }
0x1ac: {  	v1 =	vld.idx.msk [tilespmem:v6+s13+$0x0], $0xffff  }
0x1ad: {  	v6 =	vld [tilespmem:s1+$0x320]  }
0x1ae: {  	[tilespmem:s1+$0x1AA00] =	vst.add.f32.msk $0xffff, v4  }
0x1af: {  	v4 =	vld.idx.msk [tilespmem:v5+s13+$0x0], $0xffff  }
0x1b0: {  	v10 =	vld [tilespmem:s1+$0x100]  }
0x1b1: {  	[tilespmem:s1+$0x1A7E0] =	vst.add.f32.msk $0xffff, v1  }
0x1b2: {  	v1 =	vld.idx.msk [tilespmem:v9+s13+$0x0], $0xffff  }
0x1b3: {  	v5 =	vld [tilespmem:s1+$0x330]  }
0x1b4: {  	[tilespmem:s1+$0x1AA10] =	vst.add.f32.msk $0xffff, v4  }
0x1b5: {  	v6 =	vld.idx.msk [tilespmem:v6+s13+$0x0], $0xffff  }
0x1b6: {  	v62 =	vld [tilespmem:s12+$0x330]  }
0x1b7: {  	[tilespmem:s1+$0x1A7F0] =	vst.add.f32.msk $0xffff, v1  }
0x1b8: {  	v1 =	vld.idx.msk [tilespmem:v10+s13+$0x0], $0xffff  }
0x1b9: {  	v7 =	vld [tilespmem:s1+$0x340]  }
0x1ba: {  	[tilespmem:s1+$0x1AA20] =	vst.add.f32.msk $0xffff, v6  }
0x1bb: {  	v6 =	vld.idx.msk [tilespmem:v5+s13+$0x0], $0xffff  }
0x1bc: {  	v11 =	vld [tilespmem:s1+$0x120]  }
0x1bd: {  	[tilespmem:s1+$0x1A800] =	vst.add.f32.msk $0xffff, v1  }
0x1be: {  	v1 =	vld.idx.msk [tilespmem:v12+s13+$0x0], $0xffff  }
0x1bf: {  	v8 =	vld [tilespmem:s1+$0x350]  }
0x1c0: {  	[tilespmem:s1+$0x1AA30] =	vst.add.f32.msk $0xffff, v6  }
0x1c1: {  	v6 =	vld.idx.msk [tilespmem:v7+s13+$0x0], $0xffff  }
0x1c2: {  	v63 =	vld [tilespmem:s12+$0x350]  }
0x1c3: {  	[tilespmem:s1+$0x1A810] =	vst.add.f32.msk $0xffff, v1  }
0x1c4: {  	v1 =	vld.idx.msk [tilespmem:v11+s13+$0x0], $0xffff  }
0x1c5: {  	v7 =	vld [tilespmem:s1+$0x360]  }
0x1c6: {  	[tilespmem:s1+$0x1AA40] =	vst.add.f32.msk $0xffff, v6  }
0x1c7: {  	v8 =	vld.idx.msk [tilespmem:v8+s13+$0x0], $0xffff  }
0x1c8: {  	v0 =	vld [tilespmem:s1+$0x180]  }
0x1c9: {  	[tilespmem:s1+$0x1A820] =	vst.add.f32.msk $0xffff, v1  }
0x1ca: {  	v1 =	vld.idx.msk [tilespmem:v13+s13+$0x0], $0xffff  }
0x1cb: {  	v9 =	vld [tilespmem:s1+$0x370]  }
0x1cc: {  	[tilespmem:s1+$0x1AA50] =	vst.add.f32.msk $0xffff, v8  }
0x1cd: {  	v8 =	vld.idx.msk [tilespmem:v7+s13+$0x0], $0xffff  }
0x1ce: {  	v2 =	vld [tilespmem:s1+$0x190]  }
0x1cf: {  	[tilespmem:s1+$0x1A830] =	vst.add.f32.msk $0xffff, v1  }
0x1d0: {  	v1 =	vld.idx.msk [tilespmem:v14+s13+$0x0], $0xffff  }
0x1d1: {  	v10 =	vld [tilespmem:s1+$0x380]  }
0x1d2: {  	[tilespmem:s1+$0x1AA60] =	vst.add.f32.msk $0xffff, v8  }
0x1d3: {  	v8 =	vld.idx.msk [tilespmem:v9+s13+$0x0], $0xffff  }
0x1d4: {  	v3 =	vld [tilespmem:s1+$0x1A0]  }
0x1d5: {  	[tilespmem:s1+$0x1A840] =	vst.add.f32.msk $0xffff, v1  }
0x1d6: {  	v1 =	vld.idx.msk [tilespmem:v15+s13+$0x0], $0xffff  }
0x1d7: {  	v9 =	vld [tilespmem:s1+$0x390]  }
0x1d8: {  	[tilespmem:s1+$0x1AA70] =	vst.add.f32.msk $0xffff, v8  }
0x1d9: {  	v10 =	vld.idx.msk [tilespmem:v10+s13+$0x0], $0xffff  }
0x1da: {  	v4 =	vld [tilespmem:s1+$0x1B0]  }
0x1db: {  	[tilespmem:s1+$0x1A850] =	vst.add.f32.msk $0xffff, v1  }
0x1dc: {  	v1 =	vld.idx.msk [tilespmem:v16+s13+$0x0], $0xffff  }
0x1dd: {  	v11 =	vld [tilespmem:s1+$0x3A0]  }
0x1de: {  	[tilespmem:s1+$0x1AA80] =	vst.add.f32.msk $0xffff, v10  }
0x1df: {  	v9 =	vld.idx.msk [tilespmem:v9+s13+$0x0], $0xffff  }
0x1e0: {  	v12 =	vld [tilespmem:s12+$0x10]  }
0x1e1: {  	[tilespmem:s1+$0x1A860] =	vst.add.f32.msk $0xffff, v1  }
0x1e2: {  	v1 =	vld.idx.msk [tilespmem:v17+s13+$0x0], $0xffff  }
0x1e3: {  	v10 =	vld [tilespmem:s1+$0x3B0]  }
0x1e4: {  	[tilespmem:s1+$0x1AA90] =	vst.add.f32.msk $0xffff, v9  }
0x1e5: {  	v9 =	vld.idx.msk [tilespmem:v11+s13+$0x0], $0xffff  }
0x1e6: {  	v11 =	vld [tilespmem:s12+$0x0]  }
0x1e7: {  	[tilespmem:s1+$0x1A870] =	vst.add.f32.msk $0xffff, v1  }
0x1e8: {  	v1 =	vld [tilespmem:s12+$0x200]  }
0x1e9: {  	v13 =	vld [tilespmem:s1+$0x3C0]  }
0x1ea: {  	v14 =	vld [tilespmem:s12+$0x210]  }
0x1eb: {  	[tilespmem:s1+$0x1AAA0] =	vst.add.f32.msk $0xffff, v9  }
0x1ec: {  	v9 =	vld.idx.msk [tilespmem:v10+s13+$0x0], $0xffff  }
0x1ed: {  	v15 =	vld [tilespmem:s1+$0x3D0]  }
0x1ee: {  	v10 =	vld [tilespmem:s12+$0x20]  }
0x1ef: {  	v11 =	vld.idx.msk [tilespmem:v11+s13+$0x0], $0xffff  }
0x1f0: {  	v1 =	vld.idx.msk [tilespmem:v1+s13+$0x0], $0xffff  }
0x1f1: {  	[tilespmem:s1+$0x1AAB0] =	vst.add.f32.msk $0xffff, v9  }
0x1f2: {  	v9 =	vld.idx.msk [tilespmem:v13+s13+$0x0], $0xffff  }
0x1f3: {  	v13 =	vld [tilespmem:s12+$0x220]  }
0x1f4: {  	[tilespmem:s12+$0x1A700] =	vst.add.f32.msk $0xffff, v11  }
0x1f5: {  	v11 =	vld [tilespmem:s1+$0x3E0]  }
0x1f6: {  	[tilespmem:s12+$0x1A900] =	vst.add.f32.msk $0xffff, v1  }
0x1f7: {  	v12 =	vld.idx.msk [tilespmem:v12+s13+$0x0], $0xffff  }
0x1f8: {  	v1 =	vld.idx.msk [tilespmem:v14+s13+$0x0], $0xffff  }
0x1f9: {  	v14 =	vld [tilespmem:s12+$0x230]  }
0x1fa: {  	[tilespmem:s1+$0x1AAC0] =	vst.add.f32.msk $0xffff, v9  }
0x1fb: {  	v9 =	vld.idx.msk [tilespmem:v15+s13+$0x0], $0xffff  }
0x1fc: {  	[tilespmem:s12+$0x1A710] =	vst.add.f32.msk $0xffff, v12  }
0x1fd: {  	[tilespmem:s12+$0x1A910] =	vst.add.f32.msk $0xffff, v1  }
0x1fe: {  	v1 =	vld.idx.msk [tilespmem:v13+s13+$0x0], $0xffff  }
0x1ff: {  	v13 =	vld [tilespmem:s1+$0x3F0]  }
0x200: {  	[tilespmem:s1+$0x1AAD0] =	vst.add.f32.msk $0xffff, v9  }
0x201: {  	v9 =	vld.idx.msk [tilespmem:v11+s13+$0x0], $0xffff  }
0x202: {  	v11 =	vld [tilespmem:s12+$0x240]  }
0x203: {  	[tilespmem:s12+$0x1A920] =	vst.add.f32.msk $0xffff, v1  }
0x204: {  	v1 =	vld.idx.msk [tilespmem:v14+s13+$0x0], $0xffff  }
0x205: {  	v12 =	vld [tilespmem:s12+$0x250]  }
0x206: {  	v10 =	vld.idx.msk [tilespmem:v10+s13+$0x0], $0xffff  }
0x207: {  	[tilespmem:s1+$0x1AAE0] =	vst.add.f32.msk $0xffff, v9  }
0x208: {  	v9 =	vld.idx.msk [tilespmem:v13+s13+$0x0], $0xffff  }
0x209: {  	[tilespmem:s12+$0x1A930] =	vst.add.f32.msk $0xffff, v1  }
0x20a: {  	v1 =	vld.idx.msk [tilespmem:v11+s13+$0x0], $0xffff  }
0x20b: {  	v11 =	vld [tilespmem:s12+$0x30]  }
0x20c: {  	[tilespmem:s12+$0x1A720] =	vst.add.f32.msk $0xffff, v10  }
0x20d: {  	v10 =	vld [tilespmem:s12+$0x260]  }
0x20e: {  	[tilespmem:s1+$0x1AAF0] =	vst.add.f32.msk $0xffff, v9  }
0x20f: {  	[tilespmem:s12+$0x1A940] =	vst.add.f32.msk $0xffff, v1  }
0x210: {  	v1 =	vld.idx.msk [tilespmem:v12+s13+$0x0], $0xffff  }
0x211: {  	v9 =	vld [tilespmem:s12+$0x40]  }
0x212: {  	v5 =	vld [tilespmem:s1+$0x1C0]  }
0x213: {  	v11 =	vld.idx.msk [tilespmem:v11+s13+$0x0], $0xffff  }
0x214: {  	v15 =	vld [tilespmem:s12+$0x270]  }
0x215: {  	[tilespmem:s12+$0x1A950] =	vst.add.f32.msk $0xffff, v1  }
0x216: {  	v1 =	vld.idx.msk [tilespmem:v10+s13+$0x0], $0xffff  }
0x217: {  	v12 =	vld [tilespmem:s12+$0x50]  }
0x218: {  	[tilespmem:s12+$0x1A730] =	vst.add.f32.msk $0xffff, v11  }
0x219: {  	v9 =	vld.idx.msk [tilespmem:v9+s13+$0x0], $0xffff  }
0x21a: {  	v6 =	vld [tilespmem:s1+$0x1D0]  }
0x21b: {  	[tilespmem:s12+$0x1A960] =	vst.add.f32.msk $0xffff, v1  }
0x21c: {  	v1 =	vld.idx.msk [tilespmem:v15+s13+$0x0], $0xffff  }
0x21d: {  	v13 =	vld [tilespmem:s12+$0x60]  }
0x21e: {  	[tilespmem:s12+$0x1A740] =	vst.add.f32.msk $0xffff, v9  }
0x21f: {  	v9 =	vld.idx.msk [tilespmem:v12+s13+$0x0], $0xffff  }
0x220: {  	v7 =	vld [tilespmem:s1+$0x1E0]  }
0x221: {  	[tilespmem:s12+$0x1A970] =	vst.add.f32.msk $0xffff, v1  }
0x222: {  	v1 =	vld.idx.msk [tilespmem:v52+s13+$0x0], $0xffff  }
0x223: {  	v14 =	vld [tilespmem:s12+$0x70]  }
0x224: {  	[tilespmem:s12+$0x1A750] =	vst.add.f32.msk $0xffff, v9  }
0x225: {  	v9 =	vld.idx.msk [tilespmem:v13+s13+$0x0], $0xffff  }
0x226: {  	v8 =	vld [tilespmem:s1+$0x1F0]  }
0x227: {  	[tilespmem:s12+$0x1A980] =	vst.add.f32.msk $0xffff, v1  }
0x228: {  	v1 =	vld.idx.msk [tilespmem:v53+s13+$0x0], $0xffff  }
0x229: {  	v10 =	vld [tilespmem:s12+$0x80]  }
0x22a: {  	[tilespmem:s12+$0x1A760] =	vst.add.f32.msk $0xffff, v9  }
0x22b: {  	v9 =	vld.idx.msk [tilespmem:v14+s13+$0x0], $0xffff  }
0x22c: {  	v11 =	vld [tilespmem:s12+$0x90]  }
0x22d: {  	[tilespmem:s12+$0x1A990] =	vst.add.f32.msk $0xffff, v1  }
0x22e: {  	v1 =	vld.idx.msk [tilespmem:v18+s13+$0x0], $0xffff  }
0x22f: {  	v15 =	vld [tilespmem:s12+$0xB0]  }
0x230: {  	[tilespmem:s12+$0x1A770] =	vst.add.f32.msk $0xffff, v9  }
0x231: {  	v9 =	vld.idx.msk [tilespmem:v10+s13+$0x0], $0xffff  }
0x232: {  	v12 =	vld [tilespmem:s12+$0xA0]  }
0x233: {  	[tilespmem:s12+$0x1A9A0] =	vst.add.f32.msk $0xffff, v1  }
0x234: {  	v1 =	vld.idx.msk [tilespmem:v19+s13+$0x0], $0xffff  }
0x235: {  	v13 =	vld [tilespmem:s12+$0xC0]  }
0x236: {  	[tilespmem:s12+$0x1A780] =	vst.add.f32.msk $0xffff, v9  }
0x237: {  	v9 =	vld.idx.msk [tilespmem:v11+s13+$0x0], $0xffff  }
0x238: {  	v14 =	vld [tilespmem:s12+$0xE0]  }
0x239: {  	[tilespmem:s12+$0x1A9B0] =	vst.add.f32.msk $0xffff, v1  }
0x23a: {  	v1 =	vld.idx.msk [tilespmem:v20+s13+$0x0], $0xffff  }
0x23b: {  	v10 =	vld [tilespmem:s12+$0x100]  }
0x23c: {  	[tilespmem:s12+$0x1A790] =	vst.add.f32.msk $0xffff, v9  }
0x23d: {  	v9 =	vld.idx.msk [tilespmem:v12+s13+$0x0], $0xffff  }
0x23e: {  	v11 =	vld [tilespmem:s12+$0x120]  }
0x23f: {  	[tilespmem:s12+$0x1A9C0] =	vst.add.f32.msk $0xffff, v1  }
0x240: {  	v1 =	vld.idx.msk [tilespmem:v21+s13+$0x0], $0xffff  }
0x241: {  	v12 =	vld [tilespmem:s12+$0x140]  }
0x242: {  	[tilespmem:s12+$0x1A7A0] =	vst.add.f32.msk $0xffff, v9  }
0x243: {  	v9 =	vld.idx.msk [tilespmem:v15+s13+$0x0], $0xffff  }
0x244: {  	v15 =	vld [tilespmem:s12+$0x160]  }
0x245: {  	[tilespmem:s12+$0x1A9D0] =	vst.add.f32.msk $0xffff, v1  }
0x246: {  	v1 =	vld [tilespmem:s12+$0x180]  }
0x247: {  	v22 =	vld.idx.msk [tilespmem:v22+s13+$0x0], $0xffff  }
0x248: {  	[tilespmem:s12+$0x1A7B0] =	vst.add.f32.msk $0xffff, v9  }
0x249: {  	v9 =	vld.idx.msk [tilespmem:v13+s13+$0x0], $0xffff  }
0x24a: {  	v13 =	vld.idx.msk [tilespmem:v0+s13+$0x0], $0xffff  }
0x24b: {  	v0 =	vld [tilespmem:s12+$0x190]  }
0x24c: {  	[tilespmem:s12+$0x1A9E0] =	vst.add.f32.msk $0xffff, v22  }
0x24d: {  	v22 =	vld.idx.msk [tilespmem:v23+s13+$0x0], $0xffff  }
0x24e: {  	[tilespmem:s12+$0x1A7C0] =	vst.add.f32.msk $0xffff, v9  }
0x24f: {  	v9 =	vld.idx.msk [tilespmem:v54+s13+$0x0], $0xffff  }
0x250: {  	[tilespmem:s1+$0x1A880] =	vst.add.f32.msk $0xffff, v13  }
0x251: {  	v13 =	vld [tilespmem:s12+$0x310]  }
0x252: {  	[tilespmem:s12+$0x1A9F0] =	vst.add.f32.msk $0xffff, v22  }
0x253: {  	v60 =	vld.idx.msk [tilespmem:v24+s13+$0x0], $0xffff  }
0x254: {  	[tilespmem:s12+$0x1A7D0] =	vst.add.f32.msk $0xffff, v9  }
0x255: {  	v9 =	vld.idx.msk [tilespmem:v14+s13+$0x0], $0xffff  }
0x256: {  	v14 =	vld.idx.msk [tilespmem:v2+s13+$0x0], $0xffff  }
0x257: {  	v2 =	vld [tilespmem:s12+$0x1A0]  }
0x258: {  	[tilespmem:s12+$0x1AA00] =	vst.add.f32.msk $0xffff, v60  }
0x259: {  	v13 =	vld.idx.msk [tilespmem:v13+s13+$0x0], $0xffff  }
0x25a: {  	[tilespmem:s12+$0x1A7E0] =	vst.add.f32.msk $0xffff, v9  }
0x25b: {  	[tilespmem:s1+$0x1A890] =	vst.add.f32.msk $0xffff, v14  }
0x25c: {  	v9 =	vld.idx.msk [tilespmem:v55+s13+$0x0], $0xffff  }
0x25d: {  	v14 =	vld.idx.msk [tilespmem:v3+s13+$0x0], $0xffff  }
0x25e: {  	v3 =	vld [tilespmem:s12+$0x1B0]  }
0x25f: {  	[tilespmem:s12+$0x1AA10] =	vst.add.f32.msk $0xffff, v13  }
0x260: {  	v13 =	vld.idx.msk [tilespmem:v61+s13+$0x0], $0xffff  }
0x261: {  	[tilespmem:s12+$0x1A7F0] =	vst.add.f32.msk $0xffff, v9  }
0x262: {  	[tilespmem:s1+$0x1A8A0] =	vst.add.f32.msk $0xffff, v14  }
0x263: {  	v9 =	vld.idx.msk [tilespmem:v10+s13+$0x0], $0xffff  }
0x264: {  	v10 =	vld [tilespmem:s12+$0x340]  }
0x265: {  	v14 =	vld.idx.msk [tilespmem:v4+s13+$0x0], $0xffff  }
0x266: {  	[tilespmem:s12+$0x1AA20] =	vst.add.f32.msk $0xffff, v13  }
0x267: {  	v13 =	vld.idx.msk [tilespmem:v62+s13+$0x0], $0xffff  }
0x268: {  	v4 =	vld [tilespmem:s12+$0x1C0]  }
0x269: {  	[tilespmem:s12+$0x1A800] =	vst.add.f32.msk $0xffff, v9  }
0x26a: {  	v9 =	vld.idx.msk [tilespmem:v56+s13+$0x0], $0xffff  }
0x26b: {  	[tilespmem:s1+$0x1A8B0] =	vst.add.f32.msk $0xffff, v14  }
0x26c: {  	[tilespmem:s12+$0x1AA30] =	vst.add.f32.msk $0xffff, v13  }
0x26d: {  	v13 =	vld [tilespmem:s12+$0x360]  }
0x26e: {  	v10 =	vld.idx.msk [tilespmem:v10+s13+$0x0], $0xffff  }
0x26f: {  	[tilespmem:s12+$0x1A810] =	vst.add.f32.msk $0xffff, v9  }
0x270: {  	v9 =	vld.idx.msk [tilespmem:v11+s13+$0x0], $0xffff  }
0x271: {  	v11 =	vld.idx.msk [tilespmem:v5+s13+$0x0], $0xffff  }
0x272: {  	v5 =	vld [tilespmem:s12+$0x1D0]  }
0x273: {  	[tilespmem:s12+$0x1AA40] =	vst.add.f32.msk $0xffff, v10  }
0x274: {  	v10 =	vld.idx.msk [tilespmem:v63+s13+$0x0], $0xffff  }
0x275: {  	[tilespmem:s12+$0x1A820] =	vst.add.f32.msk $0xffff, v9  }
0x276: {  	[tilespmem:s1+$0x1A8C0] =	vst.add.f32.msk $0xffff, v11  }
0x277: {  	v9 =	vld.idx.msk [tilespmem:v57+s13+$0x0], $0xffff  }
0x278: {  	v11 =	vld [tilespmem:s12+$0x370]  }
0x279: {  	[tilespmem:s12+$0x1AA50] =	vst.add.f32.msk $0xffff, v10  }
0x27a: {  	v10 =	vld.idx.msk [tilespmem:v13+s13+$0x0], $0xffff  }
0x27b: {  	v13 =	vld [tilespmem:s12+$0x380]  }
0x27c: {  	[tilespmem:s12+$0x1A830] =	vst.add.f32.msk $0xffff, v9  }
0x27d: {  	v9 =	vld.idx.msk [tilespmem:v12+s13+$0x0], $0xffff  }
0x27e: {  	v12 =	vld.idx.msk [tilespmem:v6+s13+$0x0], $0xffff  }
0x27f: {  	v6 =	vld [tilespmem:s12+$0x1E0]  }
0x280: {  	[tilespmem:s12+$0x1AA60] =	vst.add.f32.msk $0xffff, v10  }
0x281: {  	v10 =	vld.idx.msk [tilespmem:v11+s13+$0x0], $0xffff  }
0x282: {  	[tilespmem:s12+$0x1A840] =	vst.add.f32.msk $0xffff, v9  }
0x283: {  	[tilespmem:s1+$0x1A8D0] =	vst.add.f32.msk $0xffff, v12  }
0x284: {  	v12 =	vld [tilespmem:s12+$0x390]  }
0x285: {  	v9 =	vld.idx.msk [tilespmem:v58+s13+$0x0], $0xffff  }
0x286: {  	v11 =	vld.idx.msk [tilespmem:v7+s13+$0x0], $0xffff  }
0x287: {  	v7 =	vld [tilespmem:s12+$0x1F0]  }
0x288: {  	[tilespmem:s12+$0x1AA70] =	vst.add.f32.msk $0xffff, v10  }
0x289: {  	v10 =	vld.idx.msk [tilespmem:v13+s13+$0x0], $0xffff  }
0x28a: {  	[tilespmem:s12+$0x1A850] =	vst.add.f32.msk $0xffff, v9  }
0x28b: {  	v9 =	vld.idx.msk [tilespmem:v15+s13+$0x0], $0xffff  }
0x28c: {  	[tilespmem:s1+$0x1A8E0] =	vst.add.f32.msk $0xffff, v11  }
0x28d: {  	v11 =	vld [tilespmem:s12+$0x3A0]  }
0x28e: {  	[tilespmem:s12+$0x1AA80] =	vst.add.f32.msk $0xffff, v10  }
0x28f: {  	v13 =	vld.idx.msk [tilespmem:v12+s13+$0x0], $0xffff  }
0x290: {  	[tilespmem:s12+$0x1A860] =	vst.add.f32.msk $0xffff, v9  }
0x291: {  	v12 =	vld.idx.msk [tilespmem:v59+s13+$0x0], $0xffff  }
0x292: {  	v9 =	vld.idx.msk [tilespmem:v8+s13+$0x0], $0xffff  }
0x293: {  	v10 =	vld [tilespmem:s12+$0x3B0]  }
0x294: {  	[tilespmem:s12+$0x1AA90] =	vst.add.f32.msk $0xffff, v13  }
0x295: {  	s15 =	simm.s32 $0x2;
	s17 =	simm.s32 $0x2000;
	v11 =	vld.idx.msk [tilespmem:v11+s13+$0x0], $0xffff  }
.LBB2_2:
0x296: {  	s19 =	sshra.s32 s17, $0x2;
	s15 =	sadd.s32 $0x2, s15;
	[tilespmem:s12+$0x1A870] =	vst.add.f32.msk $0xffff, v12  }
0x297: {  	v8 =	vmov v9;
	v12 =	vld [tilespmem:s19+$0x200];
	p0 =	slt.u32 s15, $0xE  }
0x298: {  	v9 =	vld [tilespmem:s19+$0x0]  }
0x299: {  	v13 =	vld [tilespmem:s19+$0x10]  }
0x29a: {  	v14 =	vld [tilespmem:s12+$0x3C0]  }
0x29b: {  	[tilespmem:s12+$0x1AAA0] =	vst.add.f32.msk $0xffff, v11  }
0x29c: {  	v10 =	vld.idx.msk [tilespmem:v10+s13+$0x0], $0xffff  }
0x29d: {  	v11 =	vld [tilespmem:s19+$0x20]  }
0x29e: {  	v15 =	vld [tilespmem:s19+$0x210]  }
0x29f: {  	v12 =	vld.idx.msk [tilespmem:v12+s13+$0x0], $0xffff  }
0x2a0: {  	v9 =	vld.idx.msk [tilespmem:v9+s13+$0x0], $0xffff  }
0x2a1: {  	v16 =	vld [tilespmem:s12+$0x3D0]  }
0x2a2: {  	[tilespmem:s12+$0x1AAB0] =	vst.add.f32.msk $0xffff, v10  }
0x2a3: {  	v10 =	vld.idx.msk [tilespmem:v14+s13+$0x0], $0xffff  }
0x2a4: {  	v14 =	vld [tilespmem:s19+$0x220]  }
0x2a5: {  	[tilespmem:s19+$0x1A900] =	vst.add.f32.msk $0xffff, v12  }
0x2a6: {  	v12 =	vld.idx.msk [tilespmem:v15+s13+$0x0], $0xffff  }
0x2a7: {  	[tilespmem:s19+$0x1A700] =	vst.add.f32.msk $0xffff, v9  }
0x2a8: {  	v9 =	vld [tilespmem:s12+$0x3E0]  }
0x2a9: {  	[tilespmem:s12+$0x1AAC0] =	vst.add.f32.msk $0xffff, v10  }
0x2aa: {  	v10 =	vld.idx.msk [tilespmem:v16+s13+$0x0], $0xffff  }
0x2ab: {  	v15 =	vld [tilespmem:s19+$0x230]  }
0x2ac: {  	[tilespmem:s19+$0x1A910] =	vst.add.f32.msk $0xffff, v12  }
0x2ad: {  	v12 =	vld.idx.msk [tilespmem:v14+s13+$0x0], $0xffff  }
0x2ae: {  	v13 =	vld.idx.msk [tilespmem:v13+s13+$0x0], $0xffff  }
0x2af: {  	v14 =	vld [tilespmem:s12+$0x3F0]  }
0x2b0: {  	[tilespmem:s12+$0x1AAD0] =	vst.add.f32.msk $0xffff, v10  }
0x2b1: {  	v9 =	vld.idx.msk [tilespmem:v9+s13+$0x0], $0xffff  }
0x2b2: {  	v10 =	vld [tilespmem:s19+$0x240]  }
0x2b3: {  	[tilespmem:s19+$0x1A920] =	vst.add.f32.msk $0xffff, v12  }
0x2b4: {  	v12 =	vld.idx.msk [tilespmem:v15+s13+$0x0], $0xffff  }
0x2b5: {  	[tilespmem:s19+$0x1A710] =	vst.add.f32.msk $0xffff, v13  }
0x2b6: {  	v11 =	vld.idx.msk [tilespmem:v11+s13+$0x0], $0xffff  }
0x2b7: {  	[tilespmem:s12+$0x1AAE0] =	vst.add.f32.msk $0xffff, v9  }
0x2b8: {  	v9 =	vld.idx.msk [tilespmem:v14+s13+$0x0], $0xffff  }
0x2b9: {  	v13 =	vld [tilespmem:s19+$0x250]  }
0x2ba: {  	[tilespmem:s19+$0x1A930] =	vst.add.f32.msk $0xffff, v12  }
0x2bb: {  	v10 =	vld.idx.msk [tilespmem:v10+s13+$0x0], $0xffff  }
0x2bc: {  	v12 =	vld [tilespmem:s19+$0x30]  }
0x2bd: {  	[tilespmem:s19+$0x1A720] =	vst.add.f32.msk $0xffff, v11  }
0x2be: {  	[tilespmem:s12+$0x1AAF0] =	vst.add.f32.msk $0xffff, v9  }
0x2bf: {  	v9 =	vld [tilespmem:s19+$0x40]  }
0x2c0: {  	v11 =	vld [tilespmem:s19+$0x260]  }
0x2c1: {  	[tilespmem:s19+$0x1A940] =	vst.add.f32.msk $0xffff, v10  }
0x2c2: {  	v10 =	vld.idx.msk [tilespmem:v13+s13+$0x0], $0xffff  }
0x2c3: {  	v13 =	vld [tilespmem:s19+$0x50]  }
0x2c4: {  	v12 =	vld.idx.msk [tilespmem:v12+s13+$0x0], $0xffff  }
0x2c5: {  	v14 =	vld [tilespmem:s19+$0x60]  }
0x2c6: {  	v15 =	vld [tilespmem:s19+$0x70]  }
0x2c7: {  	v16 =	vld [tilespmem:s19+$0x270]  }
0x2c8: {  	[tilespmem:s19+$0x1A950] =	vst.add.f32.msk $0xffff, v10  }
0x2c9: {  	v10 =	vld.idx.msk [tilespmem:v11+s13+$0x0], $0xffff  }
0x2ca: {  	[tilespmem:s19+$0x1A730] =	vst.add.f32.msk $0xffff, v12  }
0x2cb: {  	v9 =	vld.idx.msk [tilespmem:v9+s13+$0x0], $0xffff  }
0x2cc: {  	v11 =	vld [tilespmem:s19+$0x80]  }
0x2cd: {  	v12 =	vld [tilespmem:s19+$0x90]  }
0x2ce: {  	v17 =	vld [tilespmem:s19+$0x280]  }
0x2cf: {  	[tilespmem:s19+$0x1A960] =	vst.add.f32.msk $0xffff, v10  }
0x2d0: {  	v10 =	vld.idx.msk [tilespmem:v16+s13+$0x0], $0xffff  }
0x2d1: {  	[tilespmem:s19+$0x1A740] =	vst.add.f32.msk $0xffff, v9  }
0x2d2: {  	v9 =	vld.idx.msk [tilespmem:v13+s13+$0x0], $0xffff  }
0x2d3: {  	v16 =	vld [tilespmem:s19+$0xA0]  }
0x2d4: {  	v18 =	vld [tilespmem:s19+$0xB0]  }
0x2d5: {  	v13 =	vld [tilespmem:s19+$0x290]  }
0x2d6: {  	[tilespmem:s19+$0x1A970] =	vst.add.f32.msk $0xffff, v10  }
0x2d7: {  	v10 =	vld.idx.msk [tilespmem:v17+s13+$0x0], $0xffff  }
0x2d8: {  	[tilespmem:s19+$0x1A750] =	vst.add.f32.msk $0xffff, v9  }
0x2d9: {  	v9 =	vld.idx.msk [tilespmem:v14+s13+$0x0], $0xffff  }
0x2da: {  	v14 =	vld [tilespmem:s19+$0xC0]  }
0x2db: {  	v17 =	vld [tilespmem:s19+$0xD0]  }
0x2dc: {  	v19 =	vld [tilespmem:s19+$0x2A0]  }
0x2dd: {  	[tilespmem:s19+$0x1A980] =	vst.add.f32.msk $0xffff, v10  }
0x2de: {  	v10 =	vld.idx.msk [tilespmem:v13+s13+$0x0], $0xffff  }
0x2df: {  	[tilespmem:s19+$0x1A760] =	vst.add.f32.msk $0xffff, v9  }
0x2e0: {  	v9 =	vld.idx.msk [tilespmem:v15+s13+$0x0], $0xffff  }
0x2e1: {  	v15 =	vld [tilespmem:s19+$0xE0]  }
0x2e2: {  	v20 =	vld [tilespmem:s19+$0xF0]  }
0x2e3: {  	v13 =	vld [tilespmem:s19+$0x2B0]  }
0x2e4: {  	[tilespmem:s19+$0x1A990] =	vst.add.f32.msk $0xffff, v10  }
0x2e5: {  	v10 =	vld.idx.msk [tilespmem:v19+s13+$0x0], $0xffff  }
0x2e6: {  	[tilespmem:s19+$0x1A770] =	vst.add.f32.msk $0xffff, v9  }
0x2e7: {  	v9 =	vld.idx.msk [tilespmem:v11+s13+$0x0], $0xffff  }
0x2e8: {  	v19 =	vld [tilespmem:s19+$0x100]  }
0x2e9: {  	v21 =	vld [tilespmem:s19+$0x110]  }
0x2ea: {  	v11 =	vld [tilespmem:s19+$0x2C0]  }
0x2eb: {  	[tilespmem:s19+$0x1A9A0] =	vst.add.f32.msk $0xffff, v10  }
0x2ec: {  	v10 =	vld.idx.msk [tilespmem:v13+s13+$0x0], $0xffff  }
0x2ed: {  	[tilespmem:s19+$0x1A780] =	vst.add.f32.msk $0xffff, v9  }
0x2ee: {  	v9 =	vld.idx.msk [tilespmem:v12+s13+$0x0], $0xffff  }
0x2ef: {  	v22 =	vld [tilespmem:s19+$0x120]  }
0x2f0: {  	v13 =	vld [tilespmem:s19+$0x130]  }
0x2f1: {  	v23 =	vld [tilespmem:s19+$0x2D0]  }
0x2f2: {  	[tilespmem:s19+$0x1A9B0] =	vst.add.f32.msk $0xffff, v10  }
0x2f3: {  	v10 =	vld.idx.msk [tilespmem:v11+s13+$0x0], $0xffff  }
0x2f4: {  	[tilespmem:s19+$0x1A790] =	vst.add.f32.msk $0xffff, v9  }
0x2f5: {  	v9 =	vld.idx.msk [tilespmem:v16+s13+$0x0], $0xffff  }
0x2f6: {  	v12 =	vld [tilespmem:s19+$0x140]  }
0x2f7: {  	v11 =	vld [tilespmem:s19+$0x150]  }
0x2f8: {  	v16 =	vld [tilespmem:s19+$0x2E0]  }
0x2f9: {  	[tilespmem:s19+$0x1A9C0] =	vst.add.f32.msk $0xffff, v10  }
0x2fa: {  	v23 =	vld.idx.msk [tilespmem:v23+s13+$0x0], $0xffff  }
0x2fb: {  	[tilespmem:s19+$0x1A7A0] =	vst.add.f32.msk $0xffff, v9  }
0x2fc: {  	v18 =	vld.idx.msk [tilespmem:v18+s13+$0x0], $0xffff  }
0x2fd: {  	v10 =	vld [tilespmem:s19+$0x160]  }
0x2fe: {  	v9 =	vld [tilespmem:s19+$0x170]  }
0x2ff: {  	v24 =	vld [tilespmem:s19+$0x2F0]  }
0x300: {  	[tilespmem:s19+$0x1A9D0] =	vst.add.f32.msk $0xffff, v23  }
0x301: {  	v16 =	vld.idx.msk [tilespmem:v16+s13+$0x0], $0xffff  }
0x302: {  	[tilespmem:s19+$0x1A7B0] =	vst.add.f32.msk $0xffff, v18  }
0x303: {  	v14 =	vld.idx.msk [tilespmem:v14+s13+$0x0], $0xffff  }
0x304: {  	v18 =	vld [tilespmem:s19+$0x180]  }
0x305: {  	v23 =	vld.idx.msk [tilespmem:v1+s13+$0x0], $0xffff  }
0x306: {  	v25 =	vld [tilespmem:s19+$0x300]  }
0x307: {  	[tilespmem:s19+$0x1A9E0] =	vst.add.f32.msk $0xffff, v16  }
0x308: {  	v16 =	vld.idx.msk [tilespmem:v24+s13+$0x0], $0xffff  }
0x309: {  	[tilespmem:s19+$0x1A7C0] =	vst.add.f32.msk $0xffff, v14;
	v1 =	vmov v18  }
0x30a: {  	v14 =	vld.idx.msk [tilespmem:v17+s13+$0x0], $0xffff  }
0x30b: {  	v17 =	vld [tilespmem:s19+$0x190]  }
0x30c: {  	[tilespmem:s12+$0x1A880] =	vst.add.f32.msk $0xffff, v23  }
0x30d: {  	v18 =	vld [tilespmem:s19+$0x310]  }
0x30e: {  	[tilespmem:s19+$0x1A9F0] =	vst.add.f32.msk $0xffff, v16  }
0x30f: {  	v16 =	vld.idx.msk [tilespmem:v25+s13+$0x0], $0xffff  }
0x310: {  	[tilespmem:s19+$0x1A7D0] =	vst.add.f32.msk $0xffff, v14  }
0x311: {  	v14 =	vld.idx.msk [tilespmem:v15+s13+$0x0], $0xffff  }
0x312: {  	v15 =	vld.idx.msk [tilespmem:v0+s13+$0x0], $0xffff;
	v0 =	vmov v17  }
0x313: {  	v17 =	vld [tilespmem:s19+$0x1A0]  }
0x314: {  	v23 =	vld [tilespmem:s19+$0x320]  }
0x315: {  	[tilespmem:s19+$0x1AA00] =	vst.add.f32.msk $0xffff, v16  }
0x316: {  	v16 =	vld.idx.msk [tilespmem:v18+s13+$0x0], $0xffff  }
0x317: {  	[tilespmem:s19+$0x1A7E0] =	vst.add.f32.msk $0xffff, v14  }
0x318: {  	v14 =	vld.idx.msk [tilespmem:v20+s13+$0x0], $0xffff  }
0x319: {  	[tilespmem:s12+$0x1A890] =	vst.add.f32.msk $0xffff, v15  }
0x31a: {  	v15 =	vld.idx.msk [tilespmem:v2+s13+$0x0], $0xffff;
	v2 =	vmov v17  }
0x31b: {  	v17 =	vld [tilespmem:s19+$0x330]  }
0x31c: {  	[tilespmem:s19+$0x1AA10] =	vst.add.f32.msk $0xffff, v16  }
0x31d: {  	v16 =	vld.idx.msk [tilespmem:v23+s13+$0x0], $0xffff  }
0x31e: {  	[tilespmem:s19+$0x1A7F0] =	vst.add.f32.msk $0xffff, v14  }
0x31f: {  	v14 =	vld.idx.msk [tilespmem:v19+s13+$0x0], $0xffff  }
0x320: {  	v18 =	vld [tilespmem:s19+$0x1B0]  }
0x321: {  	[tilespmem:s12+$0x1A8A0] =	vst.add.f32.msk $0xffff, v15  }
0x322: {  	v15 =	vld [tilespmem:s19+$0x340]  }
0x323: {  	[tilespmem:s19+$0x1AA20] =	vst.add.f32.msk $0xffff, v16  }
0x324: {  	v16 =	vld.idx.msk [tilespmem:v17+s13+$0x0], $0xffff  }
0x325: {  	[tilespmem:s19+$0x1A800] =	vst.add.f32.msk $0xffff, v14  }
0x326: {  	v14 =	vld.idx.msk [tilespmem:v21+s13+$0x0], $0xffff  }
0x327: {  	v17 =	vld.idx.msk [tilespmem:v3+s13+$0x0], $0xffff;
	v3 =	vmov v18  }
0x328: {  	v18 =	vld [tilespmem:s19+$0x1C0]  }
0x329: {  	v19 =	vld [tilespmem:s19+$0x350]  }
0x32a: {  	[tilespmem:s19+$0x1AA30] =	vst.add.f32.msk $0xffff, v16  }
0x32b: {  	v15 =	vld.idx.msk [tilespmem:v15+s13+$0x0], $0xffff  }
0x32c: {  	[tilespmem:s19+$0x1A810] =	vst.add.f32.msk $0xffff, v14  }
0x32d: {  	v14 =	vld.idx.msk [tilespmem:v22+s13+$0x0], $0xffff  }
0x32e: {  	[tilespmem:s12+$0x1A8B0] =	vst.add.f32.msk $0xffff, v17  }
0x32f: {  	v16 =	vld.idx.msk [tilespmem:v4+s13+$0x0], $0xffff;
	v4 =	vmov v18  }
0x330: {  	v17 =	vld [tilespmem:s19+$0x360]  }
0x331: {  	[tilespmem:s19+$0x1AA40] =	vst.add.f32.msk $0xffff, v15  }
0x332: {  	v15 =	vld.idx.msk [tilespmem:v19+s13+$0x0], $0xffff  }
0x333: {  	[tilespmem:s19+$0x1A820] =	vst.add.f32.msk $0xffff, v14  }
0x334: {  	v13 =	vld.idx.msk [tilespmem:v13+s13+$0x0], $0xffff  }
0x335: {  	v14 =	vld [tilespmem:s19+$0x1D0]  }
0x336: {  	[tilespmem:s12+$0x1A8C0] =	vst.add.f32.msk $0xffff, v16  }
0x337: {  	v16 =	vld [tilespmem:s19+$0x370]  }
0x338: {  	[tilespmem:s19+$0x1AA50] =	vst.add.f32.msk $0xffff, v15  }
0x339: {  	v15 =	vld.idx.msk [tilespmem:v17+s13+$0x0], $0xffff  }
0x33a: {  	[tilespmem:s19+$0x1A830] =	vst.add.f32.msk $0xffff, v13  }
0x33b: {  	v12 =	vld.idx.msk [tilespmem:v12+s13+$0x0], $0xffff  }
0x33c: {  	v13 =	vld.idx.msk [tilespmem:v5+s13+$0x0], $0xffff;
	v5 =	vmov v14  }
0x33d: {  	v14 =	vld [tilespmem:s19+$0x1E0]  }
0x33e: {  	v17 =	vld [tilespmem:s19+$0x380]  }
0x33f: {  	[tilespmem:s19+$0x1AA60] =	vst.add.f32.msk $0xffff, v15  }
0x340: {  	v15 =	vld.idx.msk [tilespmem:v16+s13+$0x0], $0xffff  }
0x341: {  	[tilespmem:s19+$0x1A840] =	vst.add.f32.msk $0xffff, v12  }
0x342: {  	v11 =	vld.idx.msk [tilespmem:v11+s13+$0x0], $0xffff  }
0x343: {  	[tilespmem:s12+$0x1A8D0] =	vst.add.f32.msk $0xffff, v13  }
0x344: {  	v12 =	vld.idx.msk [tilespmem:v6+s13+$0x0], $0xffff;
	v6 =	vmov v14  }
0x345: {  	v13 =	vld [tilespmem:s19+$0x390]  }
0x346: {  	[tilespmem:s19+$0x1AA70] =	vst.add.f32.msk $0xffff, v15  }
0x347: {  	v14 =	vld.idx.msk [tilespmem:v17+s13+$0x0], $0xffff  }
0x348: {  	[tilespmem:s19+$0x1A850] =	vst.add.f32.msk $0xffff, v11  }
0x349: {  	v10 =	vld.idx.msk [tilespmem:v10+s13+$0x0], $0xffff  }
0x34a: {  	v11 =	vld [tilespmem:s19+$0x1F0]  }
0x34b: {  	[tilespmem:s12+$0x1A8E0] =	vst.add.f32.msk $0xffff, v12  }
0x34c: {  	v15 =	vld [tilespmem:s19+$0x3A0]  }
0x34d: {  	[tilespmem:s19+$0x1AA80] =	vst.add.f32.msk $0xffff, v14  }
0x34e: {  	v13 =	vld.idx.msk [tilespmem:v13+s13+$0x0], $0xffff  }
0x34f: {  	[tilespmem:s19+$0x1A860] =	vst.add.f32.msk $0xffff, v10  }
0x350: {  	v12 =	vld.idx.msk [tilespmem:v9+s13+$0x0], $0xffff  }
.Ltmp0:
0x351: {  	v9 =	vld.idx.msk [tilespmem:v7+s13+$0x0], $0xffff;
	v7 =	vmov v11;
	(pc) =	sbr.rel @p0 .LBB2_2-.Ltmp0, $4  }
0x352: {  	[tilespmem:s1+$0x1A8F0] =	vst.add.f32.msk $0xffff, v8;
	s1 =	smov.u32 s12;
	s12 =	smov.u32 s19  }
0x353: {  	v10 =	vld [tilespmem:s12+$0x3B0]  }
0x354: {  	[tilespmem:s12+$0x1AA90] =	vst.add.f32.msk $0xffff, v13  }
0x355: {  	s17 =	sadd.s32 $0x1000, s17;
	v11 =	vld.idx.msk [tilespmem:v15+s13+$0x0], $0xffff  }
0x356: {  	_ =	sdelay $0x2  }
0x357: {  	[tilespmem:s12+$0x1A870] =	vst.add.f32.msk $0xffff, v12  }
0x358: {  	v1 =	vld.idx.msk [tilespmem:v1+s13+$0x0], $0xffff;
	_ =	sdelay $0x4  }
0x359: {  	[tilespmem:s12+$0x1A880] =	vst.add.f32.msk $0xffff, v1  }
0x35a: {  	v0 =	vld.idx.msk [tilespmem:v0+s13+$0x0], $0xffff;
	_ =	sdelay $0x4  }
0x35b: {  	[tilespmem:s12+$0x1A890] =	vst.add.f32.msk $0xffff, v0  }
0x35c: {  	v0 =	vld.idx.msk [tilespmem:v2+s13+$0x0], $0xffff;
	_ =	sdelay $0x1  }
0x35d: {  	v1 =	vld [tilespmem:s12+$0x3C0]  }
0x35e: {  	[tilespmem:s12+$0x1AAA0] =	vst.add.f32.msk $0xffff, v11  }
0x35f: {  	v2 =	vld.idx.msk [tilespmem:v10+s13+$0x0], $0xffff  }
0x360: {  	[tilespmem:s12+$0x1A8A0] =	vst.add.f32.msk $0xffff, v0  }
0x361: {  	v0 =	vld.idx.msk [tilespmem:v3+s13+$0x0], $0xffff;
	_ =	sdelay $0x1  }
0x362: {  	v3 =	vld [tilespmem:s12+$0x3D0]  }
0x363: {  	[tilespmem:s12+$0x1AAB0] =	vst.add.f32.msk $0xffff, v2  }
0x364: {  	v1 =	vld.idx.msk [tilespmem:v1+s13+$0x0], $0xffff  }
0x365: {  	[tilespmem:s12+$0x1A8B0] =	vst.add.f32.msk $0xffff, v0  }
0x366: {  	v0 =	vld.idx.msk [tilespmem:v4+s13+$0x0], $0xffff;
	_ =	sdelay $0x1  }
0x367: {  	v2 =	vld [tilespmem:s12+$0x3E0]  }
0x368: {  	[tilespmem:s12+$0x1AAC0] =	vst.add.f32.msk $0xffff, v1  }
0x369: {  	v1 =	vld.idx.msk [tilespmem:v3+s13+$0x0], $0xffff  }
0x36a: {  	[tilespmem:s12+$0x1A8C0] =	vst.add.f32.msk $0xffff, v0  }
0x36b: {  	v0 =	vld.idx.msk [tilespmem:v5+s13+$0x0], $0xffff;
	_ =	sdelay $0x1  }
0x36c: {  	v3 =	vld [tilespmem:s12+$0x3F0]  }
0x36d: {  	[tilespmem:s12+$0x1AAD0] =	vst.add.f32.msk $0xffff, v1  }
0x36e: {  	v1 =	vld.idx.msk [tilespmem:v2+s13+$0x0], $0xffff  }
0x36f: {  	[tilespmem:s12+$0x1A8D0] =	vst.add.f32.msk $0xffff, v0  }
0x370: {  	v0 =	vld.idx.msk [tilespmem:v6+s13+$0x0], $0xffff;
	_ =	sdelay $0x2  }
0x371: {  	[tilespmem:s12+$0x1AAE0] =	vst.add.f32.msk $0xffff, v1  }
0x372: {  	v1 =	vld.idx.msk [tilespmem:v3+s13+$0x0], $0xffff  }
0x373: {  	[tilespmem:s12+$0x1A8E0] =	vst.add.f32.msk $0xffff, v0  }
0x374: {  	v0 =	vld.idx.msk [tilespmem:v7+s13+$0x0], $0xffff;
	_ =	sdelay $0x2  }
0x375: {  	[tilespmem:s1+$0x1A8F0] =	vst.add.f32.msk $0xffff, v9  }
0x376: {  	[tilespmem:s12+$0x1AAF0] =	vst.add.f32.msk $0xffff, v1  }
0x377: {  	[tilespmem:s12+$0x1A8F0] =	vst.add.f32.msk $0xffff, v0  }
0x378: {  	[bflag:$0x0] =	sbarrier.arrive $0xFFFF  }
0x379: {  	s4 =	simm.s32 $0x400;
	s25 =	rddreg [dreg:$0x6]  }
0x37a: {  	[tilespmem:s13], [sflag:$0x1] =	stream.strided.gather [hbm4b:s25+s11], $0x18700, s4, s11, $0x38;
	[tilespmem:$0x1E700] =	vst v63  }
0x37b: {  	s20 =	simm.s32 $0x1A700  }
0x37c: {  	[hbm4b:s8+s11] =	stream.strided.scatter [tilespmem:s20], [sflag:$0x3], $0x200, s2, s11, $0x38;
	[tilespmem:$0x1E700] =	vst v63  }
0x37d: {  	s26 =	sadd.s32 $0x80, s8;
	s21 =	simm.s32 $0x1A900  }
0x37e: {  	[hbm4b:s26+s11] =	stream.strided.scatter [tilespmem:s21], [sflag:$0x3], $0x200, s2, s11, $0x38;
	[tilespmem:$0x1E700] =	vst v63  }
0x37f: {  	s7 =	sadd.s32 $0x100, s8;
	s22 =	simm.s32 $0x1AB00  }
0x380: {  	[hbm4b:s7+s11] =	stream.strided.scatter [tilespmem:s22], [sflag:$0x3], $0x200, s2, s11, $0x38;
	[tilespmem:$0x1E700] =	vst v63  }
0x381: {  	s23 =	simm.s32 $0x1AD00;
	s12 =	sadd.s32 $0x180, s8  }
0x382: {  	[hbm4b:s12+s11] =	stream.strided.scatter [tilespmem:s23], [sflag:$0x3], $0x200, s2, s11, $0x38;
	[tilespmem:$0x1E700] =	vst v63  }
0x383: {  	s15 =	sadd.s32 $0x200, s8;
	s24 =	simm.s32 $0x1AF00  }
0x384: {  	[hbm4b:s15+s11] =	stream.strided.scatter [tilespmem:s24], [sflag:$0x3], $0x200, s2, s11, $0x38;
	[tilespmem:$0x1E700] =	vst v63  }
0x385: {  	s17 =	sadd.s32 $0x280, s8;
	s25 =	simm.s32 $0x1B100  }
0x386: {  	[hbm4b:s17+s11] =	stream.strided.scatter [tilespmem:s25], [sflag:$0x3], $0x200, s2, s11, $0x38;
	[tilespmem:$0x1E700] =	vst v63  }
0x387: {  	s19 =	sadd.s32 $0x300, s8;
	s26 =	simm.s32 $0x1B300  }
0x388: {  	[hbm4b:s19+s11] =	stream.strided.scatter [tilespmem:s26], [sflag:$0x3], $0x200, s2, s11, $0x38;
	[tilespmem:$0x1E700] =	vst v63  }
0x389: {  	s28 =	simm.s32 $0x1B500;
	s7 =	sadd.s32 $0x380, s8  }
0x38a: {  	[hbm4b:s7+s11] =	stream.strided.scatter [tilespmem:s28], [sflag:$0x3], $0x200, s2, s11, $0x38;
	[tilespmem:$0x1E700] =	vst v63  }
0x38b: {  	s29 =	simm.s32 $0x1B700;
	s12 =	sadd.s32 $0x400, s8  }
0x38c: {  	[hbm4b:s12+s11] =	stream.strided.scatter [tilespmem:s29], [sflag:$0x3], $0x200, s2, s11, $0x38;
	[tilespmem:$0x1E700] =	vst v63  }
0x38d: {  	s15 =	sadd.s32 $0x480, s8;
	s17 =	simm.s32 $0x1B900  }
0x38e: {  	[hbm4b:s15+s11] =	stream.strided.scatter [tilespmem:s17], [sflag:$0x3], $0x200, s2, s11, $0x38;
	[tilespmem:$0x1E700] =	vst v63  }
0x38f: {  	s19 =	sadd.s32 $0x500, s8;
	s7 =	simm.s32 $0x1BB00  }
0x390: {  	[hbm4b:s19+s11] =	stream.strided.scatter [tilespmem:s7], [sflag:$0x3], $0x200, s2, s11, $0x38;
	[tilespmem:$0x1E700] =	vst v63  }
0x391: {  	s15 =	sadd.s32 $0x580, s8;
	s17 =	simm.s32 $0x1BD00  }
0x392: {  	[hbm4b:s15+s11] =	stream.strided.scatter [tilespmem:s17], [sflag:$0x3], $0x200, s2, s11, $0x38;
	[tilespmem:$0x1E700] =	vst v63  }
0x393: {  	s19 =	sadd.s32 $0x600, s8;
	s7 =	simm.s32 $0x1BF00  }
0x394: {  	[hbm4b:s19+s11] =	stream.strided.scatter [tilespmem:s7], [sflag:$0x3], $0x200, s2, s11, $0x38;
	[tilespmem:$0x1E700] =	vst v63  }
0x395: {  	s15 =	sadd.s32 $0x680, s8;
	s17 =	simm.s32 $0x1C100  }
0x396: {  	[hbm4b:s15+s11] =	stream.strided.scatter [tilespmem:s17], [sflag:$0x3], $0x200, s2, s11, $0x38;
	[tilespmem:$0x1E700] =	vst v63  }
0x397: {  	s19 =	sadd.s32 $0x700, s8;
	s7 =	simm.s32 $0x1C300  }
0x398: {  	[hbm4b:s19+s11] =	stream.strided.scatter [tilespmem:s7], [sflag:$0x3], $0x200, s2, s11, $0x38;
	[tilespmem:$0x1E700] =	vst v63  }
0x399: {  	s15 =	sadd.s32 $0x780, s8;
	s17 =	simm.s32 $0x1C500;
	s19 =	simm.s32 $0x1  }
0x39a: {  	[hbm4b:s15+s11] =	stream.strided.scatter [tilespmem:s17], [sflag:$0x3], $0x200, s2, s11, $0x38;
	[tilespmem:$0x1E700] =	vst v63  }
0x39b: {  	_ =	swait.ge [sflag:s19], $0x18700  }
0x39c: {  	[sflag:s19] =	ssyncset.done $0x0  }
0x39d: {  	s1 =	simm.s32 $0x0;
	[sflag:s19] =	ssyncadd.s32 $0xFFFE7900  }
0x39e: {  	v0 =	vld [tilespmem:s1+$0x200]  }
0x39f: {  	v1 =	vld [tilespmem:s1+$0x210]  }
0x3a0: {  	v2 =	vld [tilespmem:s1+$0x0]  }
0x3a1: {  	v3 =	vld [tilespmem:s1+$0x220]  }
0x3a2: {  	v4 =	vld [tilespmem:s1+$0x230]  }
0x3a3: {  	v5 =	vld [tilespmem:s1+$0x60]  }
0x3a4: {  	v6 =	vld [tilespmem:s1+$0x70]  }
0x3a5: {  	v7 =	vld [tilespmem:s1+$0x270]  }
0x3a6: {  	v8 =	vld [tilespmem:s1+$0x280]  }
0x3a7: {  	v9 =	vld [tilespmem:s1+$0x290]  }
0x3a8: {  	v10 =	vld [tilespmem:s1+$0x2A0]  }
0x3a9: {  	v11 =	vld [tilespmem:s1+$0x2B0]  }
0x3aa: {  	v12 =	vld [tilespmem:s1+$0x110]  }
0x3ab: {  	v13 =	vld [tilespmem:s1+$0x130]  }
0x3ac: {  	v14 =	vld [tilespmem:s1+$0x140]  }
0x3ad: {  	v15 =	vld [tilespmem:s1+$0x150]  }
0x3ae: {  	v16 =	vld [tilespmem:s1+$0x160]  }
0x3af: {  	v17 =	vld [tilespmem:s1+$0x170]  }
0x3b0: {  	s12 =	simm.s32 $0x400;
	v0 =	vld.idx.msk [tilespmem:v0+s13+$0x0], $0xffff  }
0x3b1: {  	v52 =	vld [tilespmem:s12+$0x280]  }
0x3b2: {  	v53 =	vld [tilespmem:s12+$0x290]  }
0x3b3: {  	v54 =	vld [tilespmem:s12+$0xD0]  }
0x3b4: {  	v18 =	vld [tilespmem:s12+$0x2A0]  }
0x3b5: {  	[tilespmem:s1+$0x1C900] =	vst.add.f32.msk $0xffff, v0  }
0x3b6: {  	v0 =	vld.idx.msk [tilespmem:v1+s13+$0x0], $0xffff  }
0x3b7: {  	v1 =	vld [tilespmem:s1+$0x10]  }
0x3b8: {  	v55 =	vld [tilespmem:s12+$0xF0]  }
0x3b9: {  	v2 =	vld.idx.msk [tilespmem:v2+s13+$0x0], $0xffff  }
0x3ba: {  	v19 =	vld [tilespmem:s12+$0x2B0]  }
0x3bb: {  	[tilespmem:s1+$0x1C910] =	vst.add.f32.msk $0xffff, v0  }
0x3bc: {  	v0 =	vld.idx.msk [tilespmem:v3+s13+$0x0], $0xffff  }
0x3bd: {  	v3 =	vld [tilespmem:s1+$0x20]  }
0x3be: {  	[tilespmem:s1+$0x1C700] =	vst.add.f32.msk $0xffff, v2  }
0x3bf: {  	v1 =	vld.idx.msk [tilespmem:v1+s13+$0x0], $0xffff  }
0x3c0: {  	v2 =	vld [tilespmem:s1+$0x240]  }
0x3c1: {  	[tilespmem:s1+$0x1C920] =	vst.add.f32.msk $0xffff, v0  }
0x3c2: {  	v0 =	vld.idx.msk [tilespmem:v4+s13+$0x0], $0xffff  }
0x3c3: {  	v56 =	vld [tilespmem:s12+$0x110]  }
0x3c4: {  	[tilespmem:s1+$0x1C710] =	vst.add.f32.msk $0xffff, v1  }
0x3c5: {  	v1 =	vld.idx.msk [tilespmem:v3+s13+$0x0], $0xffff  }
0x3c6: {  	v3 =	vld [tilespmem:s1+$0x250]  }
0x3c7: {  	[tilespmem:s1+$0x1C930] =	vst.add.f32.msk $0xffff, v0  }
0x3c8: {  	v0 =	vld.idx.msk [tilespmem:v2+s13+$0x0], $0xffff  }
0x3c9: {  	v2 =	vld [tilespmem:s1+$0x30]  }
0x3ca: {  	v20 =	vld [tilespmem:s12+$0x2C0]  }
0x3cb: {  	v4 =	vld [tilespmem:s1+$0x260]  }
0x3cc: {  	[tilespmem:s1+$0x1C720] =	vst.add.f32.msk $0xffff, v1  }
0x3cd: {  	[tilespmem:s1+$0x1C940] =	vst.add.f32.msk $0xffff, v0  }
0x3ce: {  	v0 =	vld.idx.msk [tilespmem:v3+s13+$0x0], $0xffff  }
0x3cf: {  	v1 =	vld [tilespmem:s1+$0x40]  }
0x3d0: {  	v57 =	vld [tilespmem:s12+$0x130]  }
0x3d1: {  	v2 =	vld.idx.msk [tilespmem:v2+s13+$0x0], $0xffff  }
0x3d2: {  	v21 =	vld [tilespmem:s12+$0x2D0]  }
0x3d3: {  	[tilespmem:s1+$0x1C950] =	vst.add.f32.msk $0xffff, v0  }
0x3d4: {  	v0 =	vld.idx.msk [tilespmem:v4+s13+$0x0], $0xffff  }
0x3d5: {  	v3 =	vld [tilespmem:s1+$0x50]  }
0x3d6: {  	[tilespmem:s1+$0x1C730] =	vst.add.f32.msk $0xffff, v2  }
0x3d7: {  	v1 =	vld.idx.msk [tilespmem:v1+s13+$0x0], $0xffff  }
0x3d8: {  	v58 =	vld [tilespmem:s12+$0x150]  }
0x3d9: {  	[tilespmem:s1+$0x1C960] =	vst.add.f32.msk $0xffff, v0  }
0x3da: {  	v0 =	vld.idx.msk [tilespmem:v7+s13+$0x0], $0xffff  }
0x3db: {  	v22 =	vld [tilespmem:s12+$0x2E0]  }
0x3dc: {  	[tilespmem:s1+$0x1C740] =	vst.add.f32.msk $0xffff, v1  }
0x3dd: {  	v1 =	vld.idx.msk [tilespmem:v3+s13+$0x0], $0xffff  }
0x3de: {  	v59 =	vld [tilespmem:s12+$0x170]  }
0x3df: {  	[tilespmem:s1+$0x1C970] =	vst.add.f32.msk $0xffff, v0  }
0x3e0: {  	v0 =	vld.idx.msk [tilespmem:v8+s13+$0x0], $0xffff  }
0x3e1: {  	v23 =	vld [tilespmem:s12+$0x2F0]  }
0x3e2: {  	[tilespmem:s1+$0x1C750] =	vst.add.f32.msk $0xffff, v1  }
0x3e3: {  	v1 =	vld.idx.msk [tilespmem:v5+s13+$0x0], $0xffff  }
0x3e4: {  	v24 =	vld [tilespmem:s12+$0x300]  }
0x3e5: {  	[tilespmem:s1+$0x1C980] =	vst.add.f32.msk $0xffff, v0  }
0x3e6: {  	v0 =	vld.idx.msk [tilespmem:v9+s13+$0x0], $0xffff  }
0x3e7: {  	v2 =	vld [tilespmem:s1+$0x80]  }
0x3e8: {  	[tilespmem:s1+$0x1C760] =	vst.add.f32.msk $0xffff, v1  }
0x3e9: {  	v1 =	vld.idx.msk [tilespmem:v6+s13+$0x0], $0xffff  }
0x3ea: {  	v61 =	vld [tilespmem:s12+$0x320]  }
0x3eb: {  	[tilespmem:s1+$0x1C990] =	vst.add.f32.msk $0xffff, v0  }
0x3ec: {  	v0 =	vld.idx.msk [tilespmem:v10+s13+$0x0], $0xffff  }
0x3ed: {  	v4 =	vld [tilespmem:s1+$0x90]  }
0x3ee: {  	[tilespmem:s1+$0x1C770] =	vst.add.f32.msk $0xffff, v1  }
0x3ef: {  	v1 =	vld.idx.msk [tilespmem:v2+s13+$0x0], $0xffff  }
0x3f0: {  	v2 =	vld [tilespmem:s1+$0x2C0]  }
0x3f1: {  	[tilespmem:s1+$0x1C9A0] =	vst.add.f32.msk $0xffff, v0  }
0x3f2: {  	v0 =	vld.idx.msk [tilespmem:v11+s13+$0x0], $0xffff  }
0x3f3: {  	v3 =	vld [tilespmem:s1+$0xA0]  }
0x3f4: {  	[tilespmem:s1+$0x1C780] =	vst.add.f32.msk $0xffff, v1  }
0x3f5: {  	v1 =	vld.idx.msk [tilespmem:v4+s13+$0x0], $0xffff  }
0x3f6: {  	v4 =	vld [tilespmem:s1+$0x2D0]  }
0x3f7: {  	[tilespmem:s1+$0x1C9B0] =	vst.add.f32.msk $0xffff, v0  }
0x3f8: {  	v0 =	vld.idx.msk [tilespmem:v2+s13+$0x0], $0xffff  }
0x3f9: {  	v7 =	vld [tilespmem:s1+$0xB0]  }
0x3fa: {  	[tilespmem:s1+$0x1C790] =	vst.add.f32.msk $0xffff, v1  }
0x3fb: {  	v1 =	vld.idx.msk [tilespmem:v3+s13+$0x0], $0xffff  }
0x3fc: {  	v2 =	vld [tilespmem:s1+$0x2E0]  }
0x3fd: {  	[tilespmem:s1+$0x1C9C0] =	vst.add.f32.msk $0xffff, v0  }
0x3fe: {  	v0 =	vld.idx.msk [tilespmem:v4+s13+$0x0], $0xffff  }
0x3ff: {  	v5 =	vld [tilespmem:s1+$0xC0]  }
0x400: {  	[tilespmem:s1+$0x1C7A0] =	vst.add.f32.msk $0xffff, v1  }
0x401: {  	v1 =	vld.idx.msk [tilespmem:v7+s13+$0x0], $0xffff  }
0x402: {  	v3 =	vld [tilespmem:s1+$0x2F0]  }
0x403: {  	[tilespmem:s1+$0x1C9D0] =	vst.add.f32.msk $0xffff, v0  }
0x404: {  	v2 =	vld.idx.msk [tilespmem:v2+s13+$0x0], $0xffff  }
0x405: {  	v8 =	vld [tilespmem:s1+$0xD0]  }
0x406: {  	[tilespmem:s1+$0x1C7B0] =	vst.add.f32.msk $0xffff, v1  }
0x407: {  	v1 =	vld.idx.msk [tilespmem:v5+s13+$0x0], $0xffff  }
0x408: {  	v4 =	vld [tilespmem:s1+$0x300]  }
0x409: {  	[tilespmem:s1+$0x1C9E0] =	vst.add.f32.msk $0xffff, v2  }
0x40a: {  	v3 =	vld.idx.msk [tilespmem:v3+s13+$0x0], $0xffff  }
0x40b: {  	v6 =	vld [tilespmem:s1+$0xE0]  }
0x40c: {  	[tilespmem:s1+$0x1C7C0] =	vst.add.f32.msk $0xffff, v1  }
0x40d: {  	v1 =	vld.idx.msk [tilespmem:v8+s13+$0x0], $0xffff  }
0x40e: {  	v5 =	vld [tilespmem:s1+$0x310]  }
0x40f: {  	[tilespmem:s1+$0x1C9F0] =	vst.add.f32.msk $0xffff, v3  }
0x410: {  	v4 =	vld.idx.msk [tilespmem:v4+s13+$0x0], $0xffff  }
0x411: {  	v9 =	vld [tilespmem:s1+$0xF0]  }
0x412: {  	[tilespmem:s1+$0x1C7D0] =	vst.add.f32.msk $0xffff, v1  }
0x413: {  	v1 =	vld.idx.msk [tilespmem:v6+s13+$0x0], $0xffff  }
0x414: {  	v6 =	vld [tilespmem:s1+$0x320]  }
0x415: {  	[tilespmem:s1+$0x1CA00] =	vst.add.f32.msk $0xffff, v4  }
0x416: {  	v4 =	vld.idx.msk [tilespmem:v5+s13+$0x0], $0xffff  }
0x417: {  	v10 =	vld [tilespmem:s1+$0x100]  }
0x418: {  	[tilespmem:s1+$0x1C7E0] =	vst.add.f32.msk $0xffff, v1  }
0x419: {  	v1 =	vld.idx.msk [tilespmem:v9+s13+$0x0], $0xffff  }
0x41a: {  	v5 =	vld [tilespmem:s1+$0x330]  }
0x41b: {  	[tilespmem:s1+$0x1CA10] =	vst.add.f32.msk $0xffff, v4  }
0x41c: {  	v6 =	vld.idx.msk [tilespmem:v6+s13+$0x0], $0xffff  }
0x41d: {  	v62 =	vld [tilespmem:s12+$0x330]  }
0x41e: {  	[tilespmem:s1+$0x1C7F0] =	vst.add.f32.msk $0xffff, v1  }
0x41f: {  	v1 =	vld.idx.msk [tilespmem:v10+s13+$0x0], $0xffff  }
0x420: {  	v7 =	vld [tilespmem:s1+$0x340]  }
0x421: {  	[tilespmem:s1+$0x1CA20] =	vst.add.f32.msk $0xffff, v6  }
0x422: {  	v6 =	vld.idx.msk [tilespmem:v5+s13+$0x0], $0xffff  }
0x423: {  	v11 =	vld [tilespmem:s1+$0x120]  }
0x424: {  	[tilespmem:s1+$0x1C800] =	vst.add.f32.msk $0xffff, v1  }
0x425: {  	v1 =	vld.idx.msk [tilespmem:v12+s13+$0x0], $0xffff  }
0x426: {  	v8 =	vld [tilespmem:s1+$0x350]  }
0x427: {  	[tilespmem:s1+$0x1CA30] =	vst.add.f32.msk $0xffff, v6  }
0x428: {  	v6 =	vld.idx.msk [tilespmem:v7+s13+$0x0], $0xffff  }
0x429: {  	v63 =	vld [tilespmem:s12+$0x350]  }
0x42a: {  	[tilespmem:s1+$0x1C810] =	vst.add.f32.msk $0xffff, v1  }
0x42b: {  	v1 =	vld.idx.msk [tilespmem:v11+s13+$0x0], $0xffff  }
0x42c: {  	v7 =	vld [tilespmem:s1+$0x360]  }
0x42d: {  	[tilespmem:s1+$0x1CA40] =	vst.add.f32.msk $0xffff, v6  }
0x42e: {  	v8 =	vld.idx.msk [tilespmem:v8+s13+$0x0], $0xffff  }
0x42f: {  	v0 =	vld [tilespmem:s1+$0x180]  }
0x430: {  	[tilespmem:s1+$0x1C820] =	vst.add.f32.msk $0xffff, v1  }
0x431: {  	v1 =	vld.idx.msk [tilespmem:v13+s13+$0x0], $0xffff  }
0x432: {  	v9 =	vld [tilespmem:s1+$0x370]  }
0x433: {  	[tilespmem:s1+$0x1CA50] =	vst.add.f32.msk $0xffff, v8  }
0x434: {  	v8 =	vld.idx.msk [tilespmem:v7+s13+$0x0], $0xffff  }
0x435: {  	v2 =	vld [tilespmem:s1+$0x190]  }
0x436: {  	[tilespmem:s1+$0x1C830] =	vst.add.f32.msk $0xffff, v1  }
0x437: {  	v1 =	vld.idx.msk [tilespmem:v14+s13+$0x0], $0xffff  }
0x438: {  	v10 =	vld [tilespmem:s1+$0x380]  }
0x439: {  	[tilespmem:s1+$0x1CA60] =	vst.add.f32.msk $0xffff, v8  }
0x43a: {  	v8 =	vld.idx.msk [tilespmem:v9+s13+$0x0], $0xffff  }
0x43b: {  	v3 =	vld [tilespmem:s1+$0x1A0]  }
0x43c: {  	[tilespmem:s1+$0x1C840] =	vst.add.f32.msk $0xffff, v1  }
0x43d: {  	v1 =	vld.idx.msk [tilespmem:v15+s13+$0x0], $0xffff  }
0x43e: {  	v9 =	vld [tilespmem:s1+$0x390]  }
0x43f: {  	[tilespmem:s1+$0x1CA70] =	vst.add.f32.msk $0xffff, v8  }
0x440: {  	v10 =	vld.idx.msk [tilespmem:v10+s13+$0x0], $0xffff  }
0x441: {  	v4 =	vld [tilespmem:s1+$0x1B0]  }
0x442: {  	[tilespmem:s1+$0x1C850] =	vst.add.f32.msk $0xffff, v1  }
0x443: {  	v1 =	vld.idx.msk [tilespmem:v16+s13+$0x0], $0xffff  }
0x444: {  	v11 =	vld [tilespmem:s1+$0x3A0]  }
0x445: {  	[tilespmem:s1+$0x1CA80] =	vst.add.f32.msk $0xffff, v10  }
0x446: {  	v9 =	vld.idx.msk [tilespmem:v9+s13+$0x0], $0xffff  }
0x447: {  	v12 =	vld [tilespmem:s12+$0x10]  }
0x448: {  	[tilespmem:s1+$0x1C860] =	vst.add.f32.msk $0xffff, v1  }
0x449: {  	v1 =	vld.idx.msk [tilespmem:v17+s13+$0x0], $0xffff  }
0x44a: {  	v10 =	vld [tilespmem:s1+$0x3B0]  }
0x44b: {  	[tilespmem:s1+$0x1CA90] =	vst.add.f32.msk $0xffff, v9  }
0x44c: {  	v9 =	vld.idx.msk [tilespmem:v11+s13+$0x0], $0xffff  }
0x44d: {  	v11 =	vld [tilespmem:s12+$0x0]  }
0x44e: {  	[tilespmem:s1+$0x1C870] =	vst.add.f32.msk $0xffff, v1  }
0x44f: {  	v1 =	vld [tilespmem:s12+$0x200]  }
0x450: {  	v13 =	vld [tilespmem:s1+$0x3C0]  }
0x451: {  	v14 =	vld [tilespmem:s12+$0x210]  }
0x452: {  	[tilespmem:s1+$0x1CAA0] =	vst.add.f32.msk $0xffff, v9  }
0x453: {  	v9 =	vld.idx.msk [tilespmem:v10+s13+$0x0], $0xffff  }
0x454: {  	v15 =	vld [tilespmem:s1+$0x3D0]  }
0x455: {  	v10 =	vld [tilespmem:s12+$0x20]  }
0x456: {  	v11 =	vld.idx.msk [tilespmem:v11+s13+$0x0], $0xffff  }
0x457: {  	v1 =	vld.idx.msk [tilespmem:v1+s13+$0x0], $0xffff  }
0x458: {  	[tilespmem:s1+$0x1CAB0] =	vst.add.f32.msk $0xffff, v9  }
0x459: {  	v9 =	vld.idx.msk [tilespmem:v13+s13+$0x0], $0xffff  }
0x45a: {  	v13 =	vld [tilespmem:s12+$0x220]  }
0x45b: {  	[tilespmem:s12+$0x1C700] =	vst.add.f32.msk $0xffff, v11  }
0x45c: {  	v11 =	vld [tilespmem:s1+$0x3E0]  }
0x45d: {  	[tilespmem:s12+$0x1C900] =	vst.add.f32.msk $0xffff, v1  }
0x45e: {  	v12 =	vld.idx.msk [tilespmem:v12+s13+$0x0], $0xffff  }
0x45f: {  	v1 =	vld.idx.msk [tilespmem:v14+s13+$0x0], $0xffff  }
0x460: {  	v14 =	vld [tilespmem:s12+$0x230]  }
0x461: {  	[tilespmem:s1+$0x1CAC0] =	vst.add.f32.msk $0xffff, v9  }
0x462: {  	v9 =	vld.idx.msk [tilespmem:v15+s13+$0x0], $0xffff  }
0x463: {  	[tilespmem:s12+$0x1C710] =	vst.add.f32.msk $0xffff, v12  }
0x464: {  	[tilespmem:s12+$0x1C910] =	vst.add.f32.msk $0xffff, v1  }
0x465: {  	v1 =	vld.idx.msk [tilespmem:v13+s13+$0x0], $0xffff  }
0x466: {  	v13 =	vld [tilespmem:s1+$0x3F0]  }
0x467: {  	[tilespmem:s1+$0x1CAD0] =	vst.add.f32.msk $0xffff, v9  }
0x468: {  	v9 =	vld.idx.msk [tilespmem:v11+s13+$0x0], $0xffff  }
0x469: {  	v11 =	vld [tilespmem:s12+$0x240]  }
0x46a: {  	[tilespmem:s12+$0x1C920] =	vst.add.f32.msk $0xffff, v1  }
0x46b: {  	v1 =	vld.idx.msk [tilespmem:v14+s13+$0x0], $0xffff  }
0x46c: {  	v12 =	vld [tilespmem:s12+$0x250]  }
0x46d: {  	v10 =	vld.idx.msk [tilespmem:v10+s13+$0x0], $0xffff  }
0x46e: {  	[tilespmem:s1+$0x1CAE0] =	vst.add.f32.msk $0xffff, v9  }
0x46f: {  	v9 =	vld.idx.msk [tilespmem:v13+s13+$0x0], $0xffff  }
0x470: {  	[tilespmem:s12+$0x1C930] =	vst.add.f32.msk $0xffff, v1  }
0x471: {  	v1 =	vld.idx.msk [tilespmem:v11+s13+$0x0], $0xffff  }
0x472: {  	v11 =	vld [tilespmem:s12+$0x30]  }
0x473: {  	[tilespmem:s12+$0x1C720] =	vst.add.f32.msk $0xffff, v10  }
0x474: {  	v10 =	vld [tilespmem:s12+$0x260]  }
0x475: {  	[tilespmem:s1+$0x1CAF0] =	vst.add.f32.msk $0xffff, v9  }
0x476: {  	[tilespmem:s12+$0x1C940] =	vst.add.f32.msk $0xffff, v1  }
0x477: {  	v1 =	vld.idx.msk [tilespmem:v12+s13+$0x0], $0xffff  }
0x478: {  	v9 =	vld [tilespmem:s12+$0x40]  }
0x479: {  	v5 =	vld [tilespmem:s1+$0x1C0]  }
0x47a: {  	v11 =	vld.idx.msk [tilespmem:v11+s13+$0x0], $0xffff  }
0x47b: {  	v15 =	vld [tilespmem:s12+$0x270]  }
0x47c: {  	[tilespmem:s12+$0x1C950] =	vst.add.f32.msk $0xffff, v1  }
0x47d: {  	v1 =	vld.idx.msk [tilespmem:v10+s13+$0x0], $0xffff  }
0x47e: {  	v12 =	vld [tilespmem:s12+$0x50]  }
0x47f: {  	[tilespmem:s12+$0x1C730] =	vst.add.f32.msk $0xffff, v11  }
0x480: {  	v9 =	vld.idx.msk [tilespmem:v9+s13+$0x0], $0xffff  }
0x481: {  	v6 =	vld [tilespmem:s1+$0x1D0]  }
0x482: {  	[tilespmem:s12+$0x1C960] =	vst.add.f32.msk $0xffff, v1  }
0x483: {  	v1 =	vld.idx.msk [tilespmem:v15+s13+$0x0], $0xffff  }
0x484: {  	v13 =	vld [tilespmem:s12+$0x60]  }
0x485: {  	[tilespmem:s12+$0x1C740] =	vst.add.f32.msk $0xffff, v9  }
0x486: {  	v9 =	vld.idx.msk [tilespmem:v12+s13+$0x0], $0xffff  }
0x487: {  	v7 =	vld [tilespmem:s1+$0x1E0]  }
0x488: {  	[tilespmem:s12+$0x1C970] =	vst.add.f32.msk $0xffff, v1  }
0x489: {  	v1 =	vld.idx.msk [tilespmem:v52+s13+$0x0], $0xffff  }
0x48a: {  	v14 =	vld [tilespmem:s12+$0x70]  }
0x48b: {  	[tilespmem:s12+$0x1C750] =	vst.add.f32.msk $0xffff, v9  }
0x48c: {  	v9 =	vld.idx.msk [tilespmem:v13+s13+$0x0], $0xffff  }
0x48d: {  	v8 =	vld [tilespmem:s1+$0x1F0]  }
0x48e: {  	[tilespmem:s12+$0x1C980] =	vst.add.f32.msk $0xffff, v1  }
0x48f: {  	v1 =	vld.idx.msk [tilespmem:v53+s13+$0x0], $0xffff  }
0x490: {  	v10 =	vld [tilespmem:s12+$0x80]  }
0x491: {  	[tilespmem:s12+$0x1C760] =	vst.add.f32.msk $0xffff, v9  }
0x492: {  	v9 =	vld.idx.msk [tilespmem:v14+s13+$0x0], $0xffff  }
0x493: {  	v11 =	vld [tilespmem:s12+$0x90]  }
0x494: {  	[tilespmem:s12+$0x1C990] =	vst.add.f32.msk $0xffff, v1  }
0x495: {  	v1 =	vld.idx.msk [tilespmem:v18+s13+$0x0], $0xffff  }
0x496: {  	v15 =	vld [tilespmem:s12+$0xB0]  }
0x497: {  	[tilespmem:s12+$0x1C770] =	vst.add.f32.msk $0xffff, v9  }
0x498: {  	v9 =	vld.idx.msk [tilespmem:v10+s13+$0x0], $0xffff  }
0x499: {  	v12 =	vld [tilespmem:s12+$0xA0]  }
0x49a: {  	[tilespmem:s12+$0x1C9A0] =	vst.add.f32.msk $0xffff, v1  }
0x49b: {  	v1 =	vld.idx.msk [tilespmem:v19+s13+$0x0], $0xffff  }
0x49c: {  	v13 =	vld [tilespmem:s12+$0xC0]  }
0x49d: {  	[tilespmem:s12+$0x1C780] =	vst.add.f32.msk $0xffff, v9  }
0x49e: {  	v9 =	vld.idx.msk [tilespmem:v11+s13+$0x0], $0xffff  }
0x49f: {  	v14 =	vld [tilespmem:s12+$0xE0]  }
0x4a0: {  	[tilespmem:s12+$0x1C9B0] =	vst.add.f32.msk $0xffff, v1  }
0x4a1: {  	v1 =	vld.idx.msk [tilespmem:v20+s13+$0x0], $0xffff  }
0x4a2: {  	v10 =	vld [tilespmem:s12+$0x100]  }
0x4a3: {  	[tilespmem:s12+$0x1C790] =	vst.add.f32.msk $0xffff, v9  }
0x4a4: {  	v9 =	vld.idx.msk [tilespmem:v12+s13+$0x0], $0xffff  }
0x4a5: {  	v11 =	vld [tilespmem:s12+$0x120]  }
0x4a6: {  	[tilespmem:s12+$0x1C9C0] =	vst.add.f32.msk $0xffff, v1  }
0x4a7: {  	v1 =	vld.idx.msk [tilespmem:v21+s13+$0x0], $0xffff  }
0x4a8: {  	v12 =	vld [tilespmem:s12+$0x140]  }
0x4a9: {  	[tilespmem:s12+$0x1C7A0] =	vst.add.f32.msk $0xffff, v9  }
0x4aa: {  	v9 =	vld.idx.msk [tilespmem:v15+s13+$0x0], $0xffff  }
0x4ab: {  	v15 =	vld [tilespmem:s12+$0x160]  }
0x4ac: {  	[tilespmem:s12+$0x1C9D0] =	vst.add.f32.msk $0xffff, v1  }
0x4ad: {  	v1 =	vld [tilespmem:s12+$0x180]  }
0x4ae: {  	v22 =	vld.idx.msk [tilespmem:v22+s13+$0x0], $0xffff  }
0x4af: {  	[tilespmem:s12+$0x1C7B0] =	vst.add.f32.msk $0xffff, v9  }
0x4b0: {  	v9 =	vld.idx.msk [tilespmem:v13+s13+$0x0], $0xffff  }
0x4b1: {  	v13 =	vld.idx.msk [tilespmem:v0+s13+$0x0], $0xffff  }
0x4b2: {  	v0 =	vld [tilespmem:s12+$0x190]  }
0x4b3: {  	[tilespmem:s12+$0x1C9E0] =	vst.add.f32.msk $0xffff, v22  }
0x4b4: {  	v22 =	vld.idx.msk [tilespmem:v23+s13+$0x0], $0xffff  }
0x4b5: {  	[tilespmem:s12+$0x1C7C0] =	vst.add.f32.msk $0xffff, v9  }
0x4b6: {  	v9 =	vld.idx.msk [tilespmem:v54+s13+$0x0], $0xffff  }
0x4b7: {  	[tilespmem:s1+$0x1C880] =	vst.add.f32.msk $0xffff, v13  }
0x4b8: {  	v13 =	vld [tilespmem:s12+$0x310]  }
0x4b9: {  	[tilespmem:s12+$0x1C9F0] =	vst.add.f32.msk $0xffff, v22  }
0x4ba: {  	v60 =	vld.idx.msk [tilespmem:v24+s13+$0x0], $0xffff  }
0x4bb: {  	[tilespmem:s12+$0x1C7D0] =	vst.add.f32.msk $0xffff, v9  }
0x4bc: {  	v9 =	vld.idx.msk [tilespmem:v14+s13+$0x0], $0xffff  }
0x4bd: {  	v14 =	vld.idx.msk [tilespmem:v2+s13+$0x0], $0xffff  }
0x4be: {  	v2 =	vld [tilespmem:s12+$0x1A0]  }
0x4bf: {  	[tilespmem:s12+$0x1CA00] =	vst.add.f32.msk $0xffff, v60  }
0x4c0: {  	v13 =	vld.idx.msk [tilespmem:v13+s13+$0x0], $0xffff  }
0x4c1: {  	[tilespmem:s12+$0x1C7E0] =	vst.add.f32.msk $0xffff, v9  }
0x4c2: {  	[tilespmem:s1+$0x1C890] =	vst.add.f32.msk $0xffff, v14  }
0x4c3: {  	v9 =	vld.idx.msk [tilespmem:v55+s13+$0x0], $0xffff  }
0x4c4: {  	v14 =	vld.idx.msk [tilespmem:v3+s13+$0x0], $0xffff  }
0x4c5: {  	v3 =	vld [tilespmem:s12+$0x1B0]  }
0x4c6: {  	[tilespmem:s12+$0x1CA10] =	vst.add.f32.msk $0xffff, v13  }
0x4c7: {  	v13 =	vld.idx.msk [tilespmem:v61+s13+$0x0], $0xffff  }
0x4c8: {  	[tilespmem:s12+$0x1C7F0] =	vst.add.f32.msk $0xffff, v9  }
0x4c9: {  	[tilespmem:s1+$0x1C8A0] =	vst.add.f32.msk $0xffff, v14  }
0x4ca: {  	v9 =	vld.idx.msk [tilespmem:v10+s13+$0x0], $0xffff  }
0x4cb: {  	v10 =	vld [tilespmem:s12+$0x340]  }
0x4cc: {  	v14 =	vld.idx.msk [tilespmem:v4+s13+$0x0], $0xffff  }
0x4cd: {  	[tilespmem:s12+$0x1CA20] =	vst.add.f32.msk $0xffff, v13  }
0x4ce: {  	v13 =	vld.idx.msk [tilespmem:v62+s13+$0x0], $0xffff  }
0x4cf: {  	v4 =	vld [tilespmem:s12+$0x1C0]  }
0x4d0: {  	[tilespmem:s12+$0x1C800] =	vst.add.f32.msk $0xffff, v9  }
0x4d1: {  	v9 =	vld.idx.msk [tilespmem:v56+s13+$0x0], $0xffff  }
0x4d2: {  	[tilespmem:s1+$0x1C8B0] =	vst.add.f32.msk $0xffff, v14  }
0x4d3: {  	[tilespmem:s12+$0x1CA30] =	vst.add.f32.msk $0xffff, v13  }
0x4d4: {  	v13 =	vld [tilespmem:s12+$0x360]  }
0x4d5: {  	v10 =	vld.idx.msk [tilespmem:v10+s13+$0x0], $0xffff  }
0x4d6: {  	[tilespmem:s12+$0x1C810] =	vst.add.f32.msk $0xffff, v9  }
0x4d7: {  	v9 =	vld.idx.msk [tilespmem:v11+s13+$0x0], $0xffff  }
0x4d8: {  	v11 =	vld.idx.msk [tilespmem:v5+s13+$0x0], $0xffff  }
0x4d9: {  	v5 =	vld [tilespmem:s12+$0x1D0]  }
0x4da: {  	[tilespmem:s12+$0x1CA40] =	vst.add.f32.msk $0xffff, v10  }
0x4db: {  	v10 =	vld.idx.msk [tilespmem:v63+s13+$0x0], $0xffff  }
0x4dc: {  	[tilespmem:s12+$0x1C820] =	vst.add.f32.msk $0xffff, v9  }
0x4dd: {  	[tilespmem:s1+$0x1C8C0] =	vst.add.f32.msk $0xffff, v11  }
0x4de: {  	v9 =	vld.idx.msk [tilespmem:v57+s13+$0x0], $0xffff  }
0x4df: {  	v11 =	vld [tilespmem:s12+$0x370]  }
0x4e0: {  	[tilespmem:s12+$0x1CA50] =	vst.add.f32.msk $0xffff, v10  }
0x4e1: {  	v10 =	vld.idx.msk [tilespmem:v13+s13+$0x0], $0xffff  }
0x4e2: {  	v13 =	vld [tilespmem:s12+$0x380]  }
0x4e3: {  	[tilespmem:s12+$0x1C830] =	vst.add.f32.msk $0xffff, v9  }
0x4e4: {  	v9 =	vld.idx.msk [tilespmem:v12+s13+$0x0], $0xffff  }
0x4e5: {  	v12 =	vld.idx.msk [tilespmem:v6+s13+$0x0], $0xffff  }
0x4e6: {  	v6 =	vld [tilespmem:s12+$0x1E0]  }
0x4e7: {  	[tilespmem:s12+$0x1CA60] =	vst.add.f32.msk $0xffff, v10  }
0x4e8: {  	v10 =	vld.idx.msk [tilespmem:v11+s13+$0x0], $0xffff  }
0x4e9: {  	[tilespmem:s12+$0x1C840] =	vst.add.f32.msk $0xffff, v9  }
0x4ea: {  	[tilespmem:s1+$0x1C8D0] =	vst.add.f32.msk $0xffff, v12  }
0x4eb: {  	v12 =	vld [tilespmem:s12+$0x390]  }
0x4ec: {  	v9 =	vld.idx.msk [tilespmem:v58+s13+$0x0], $0xffff  }
0x4ed: {  	v11 =	vld.idx.msk [tilespmem:v7+s13+$0x0], $0xffff  }
0x4ee: {  	v7 =	vld [tilespmem:s12+$0x1F0]  }
0x4ef: {  	[tilespmem:s12+$0x1CA70] =	vst.add.f32.msk $0xffff, v10  }
0x4f0: {  	v10 =	vld.idx.msk [tilespmem:v13+s13+$0x0], $0xffff  }
0x4f1: {  	[tilespmem:s12+$0x1C850] =	vst.add.f32.msk $0xffff, v9  }
0x4f2: {  	v9 =	vld.idx.msk [tilespmem:v15+s13+$0x0], $0xffff  }
0x4f3: {  	[tilespmem:s1+$0x1C8E0] =	vst.add.f32.msk $0xffff, v11  }
0x4f4: {  	v11 =	vld [tilespmem:s12+$0x3A0]  }
0x4f5: {  	[tilespmem:s12+$0x1CA80] =	vst.add.f32.msk $0xffff, v10  }
0x4f6: {  	v13 =	vld.idx.msk [tilespmem:v12+s13+$0x0], $0xffff  }
0x4f7: {  	[tilespmem:s12+$0x1C860] =	vst.add.f32.msk $0xffff, v9  }
0x4f8: {  	v12 =	vld.idx.msk [tilespmem:v59+s13+$0x0], $0xffff  }
0x4f9: {  	v9 =	vld.idx.msk [tilespmem:v8+s13+$0x0], $0xffff  }
0x4fa: {  	v10 =	vld [tilespmem:s12+$0x3B0]  }
0x4fb: {  	[tilespmem:s12+$0x1CA90] =	vst.add.f32.msk $0xffff, v13  }
0x4fc: {  	s15 =	simm.s32 $0x2;
	s17 =	simm.s32 $0x2000;
	v11 =	vld.idx.msk [tilespmem:v11+s13+$0x0], $0xffff  }
.LBB2_4:
0x4fd: {  	s19 =	sshra.s32 s17, $0x2;
	s15 =	sadd.s32 $0x2, s15;
	[tilespmem:s12+$0x1C870] =	vst.add.f32.msk $0xffff, v12  }
0x4fe: {  	v8 =	vmov v9;
	v12 =	vld [tilespmem:s19+$0x200];
	p0 =	slt.u32 s15, $0xE  }
0x4ff: {  	v9 =	vld [tilespmem:s19+$0x0]  }
0x500: {  	v13 =	vld [tilespmem:s19+$0x10]  }
0x501: {  	v14 =	vld [tilespmem:s12+$0x3C0]  }
0x502: {  	[tilespmem:s12+$0x1CAA0] =	vst.add.f32.msk $0xffff, v11  }
0x503: {  	v10 =	vld.idx.msk [tilespmem:v10+s13+$0x0], $0xffff  }
0x504: {  	v11 =	vld [tilespmem:s19+$0x20]  }
0x505: {  	v15 =	vld [tilespmem:s19+$0x210]  }
0x506: {  	v12 =	vld.idx.msk [tilespmem:v12+s13+$0x0], $0xffff  }
0x507: {  	v9 =	vld.idx.msk [tilespmem:v9+s13+$0x0], $0xffff  }
0x508: {  	v16 =	vld [tilespmem:s12+$0x3D0]  }
0x509: {  	[tilespmem:s12+$0x1CAB0] =	vst.add.f32.msk $0xffff, v10  }
0x50a: {  	v10 =	vld.idx.msk [tilespmem:v14+s13+$0x0], $0xffff  }
0x50b: {  	v14 =	vld [tilespmem:s19+$0x220]  }
0x50c: {  	[tilespmem:s19+$0x1C900] =	vst.add.f32.msk $0xffff, v12  }
0x50d: {  	v12 =	vld.idx.msk [tilespmem:v15+s13+$0x0], $0xffff  }
0x50e: {  	[tilespmem:s19+$0x1C700] =	vst.add.f32.msk $0xffff, v9  }
0x50f: {  	v9 =	vld [tilespmem:s12+$0x3E0]  }
0x510: {  	[tilespmem:s12+$0x1CAC0] =	vst.add.f32.msk $0xffff, v10  }
0x511: {  	v10 =	vld.idx.msk [tilespmem:v16+s13+$0x0], $0xffff  }
0x512: {  	v15 =	vld [tilespmem:s19+$0x230]  }
0x513: {  	[tilespmem:s19+$0x1C910] =	vst.add.f32.msk $0xffff, v12  }
0x514: {  	v12 =	vld.idx.msk [tilespmem:v14+s13+$0x0], $0xffff  }
0x515: {  	v13 =	vld.idx.msk [tilespmem:v13+s13+$0x0], $0xffff  }
0x516: {  	v14 =	vld [tilespmem:s12+$0x3F0]  }
0x517: {  	[tilespmem:s12+$0x1CAD0] =	vst.add.f32.msk $0xffff, v10  }
0x518: {  	v9 =	vld.idx.msk [tilespmem:v9+s13+$0x0], $0xffff  }
0x519: {  	v10 =	vld [tilespmem:s19+$0x240]  }
0x51a: {  	[tilespmem:s19+$0x1C920] =	vst.add.f32.msk $0xffff, v12  }
0x51b: {  	v12 =	vld.idx.msk [tilespmem:v15+s13+$0x0], $0xffff  }
0x51c: {  	[tilespmem:s19+$0x1C710] =	vst.add.f32.msk $0xffff, v13  }
0x51d: {  	v11 =	vld.idx.msk [tilespmem:v11+s13+$0x0], $0xffff  }
0x51e: {  	[tilespmem:s12+$0x1CAE0] =	vst.add.f32.msk $0xffff, v9  }
0x51f: {  	v9 =	vld.idx.msk [tilespmem:v14+s13+$0x0], $0xffff  }
0x520: {  	v13 =	vld [tilespmem:s19+$0x250]  }
0x521: {  	[tilespmem:s19+$0x1C930] =	vst.add.f32.msk $0xffff, v12  }
0x522: {  	v10 =	vld.idx.msk [tilespmem:v10+s13+$0x0], $0xffff  }
0x523: {  	v12 =	vld [tilespmem:s19+$0x30]  }
0x524: {  	[tilespmem:s19+$0x1C720] =	vst.add.f32.msk $0xffff, v11  }
0x525: {  	[tilespmem:s12+$0x1CAF0] =	vst.add.f32.msk $0xffff, v9  }
0x526: {  	v9 =	vld [tilespmem:s19+$0x40]  }
0x527: {  	v11 =	vld [tilespmem:s19+$0x260]  }
0x528: {  	[tilespmem:s19+$0x1C940] =	vst.add.f32.msk $0xffff, v10  }
0x529: {  	v10 =	vld.idx.msk [tilespmem:v13+s13+$0x0], $0xffff  }
0x52a: {  	v13 =	vld [tilespmem:s19+$0x50]  }
0x52b: {  	v12 =	vld.idx.msk [tilespmem:v12+s13+$0x0], $0xffff  }
0x52c: {  	v14 =	vld [tilespmem:s19+$0x60]  }
0x52d: {  	v15 =	vld [tilespmem:s19+$0x70]  }
0x52e: {  	v16 =	vld [tilespmem:s19+$0x270]  }
0x52f: {  	[tilespmem:s19+$0x1C950] =	vst.add.f32.msk $0xffff, v10  }
0x530: {  	v10 =	vld.idx.msk [tilespmem:v11+s13+$0x0], $0xffff  }
0x531: {  	[tilespmem:s19+$0x1C730] =	vst.add.f32.msk $0xffff, v12  }
0x532: {  	v9 =	vld.idx.msk [tilespmem:v9+s13+$0x0], $0xffff  }
0x533: {  	v11 =	vld [tilespmem:s19+$0x80]  }
0x534: {  	v12 =	vld [tilespmem:s19+$0x90]  }
0x535: {  	v17 =	vld [tilespmem:s19+$0x280]  }
0x536: {  	[tilespmem:s19+$0x1C960] =	vst.add.f32.msk $0xffff, v10  }
0x537: {  	v10 =	vld.idx.msk [tilespmem:v16+s13+$0x0], $0xffff  }
0x538: {  	[tilespmem:s19+$0x1C740] =	vst.add.f32.msk $0xffff, v9  }
0x539: {  	v9 =	vld.idx.msk [tilespmem:v13+s13+$0x0], $0xffff  }
0x53a: {  	v16 =	vld [tilespmem:s19+$0xA0]  }
0x53b: {  	v18 =	vld [tilespmem:s19+$0xB0]  }
0x53c: {  	v13 =	vld [tilespmem:s19+$0x290]  }
0x53d: {  	[tilespmem:s19+$0x1C970] =	vst.add.f32.msk $0xffff, v10  }
0x53e: {  	v10 =	vld.idx.msk [tilespmem:v17+s13+$0x0], $0xffff  }
0x53f: {  	[tilespmem:s19+$0x1C750] =	vst.add.f32.msk $0xffff, v9  }
0x540: {  	v9 =	vld.idx.msk [tilespmem:v14+s13+$0x0], $0xffff  }
0x541: {  	v14 =	vld [tilespmem:s19+$0xC0]  }
0x542: {  	v17 =	vld [tilespmem:s19+$0xD0]  }
0x543: {  	v19 =	vld [tilespmem:s19+$0x2A0]  }
0x544: {  	[tilespmem:s19+$0x1C980] =	vst.add.f32.msk $0xffff, v10  }
0x545: {  	v10 =	vld.idx.msk [tilespmem:v13+s13+$0x0], $0xffff  }
0x546: {  	[tilespmem:s19+$0x1C760] =	vst.add.f32.msk $0xffff, v9  }
0x547: {  	v9 =	vld.idx.msk [tilespmem:v15+s13+$0x0], $0xffff  }
0x548: {  	v15 =	vld [tilespmem:s19+$0xE0]  }
0x549: {  	v20 =	vld [tilespmem:s19+$0xF0]  }
0x54a: {  	v13 =	vld [tilespmem:s19+$0x2B0]  }
0x54b: {  	[tilespmem:s19+$0x1C990] =	vst.add.f32.msk $0xffff, v10  }
0x54c: {  	v10 =	vld.idx.msk [tilespmem:v19+s13+$0x0], $0xffff  }
0x54d: {  	[tilespmem:s19+$0x1C770] =	vst.add.f32.msk $0xffff, v9  }
0x54e: {  	v9 =	vld.idx.msk [tilespmem:v11+s13+$0x0], $0xffff  }
0x54f: {  	v19 =	vld [tilespmem:s19+$0x100]  }
0x550: {  	v21 =	vld [tilespmem:s19+$0x110]  }
0x551: {  	v11 =	vld [tilespmem:s19+$0x2C0]  }
0x552: {  	[tilespmem:s19+$0x1C9A0] =	vst.add.f32.msk $0xffff, v10  }
0x553: {  	v10 =	vld.idx.msk [tilespmem:v13+s13+$0x0], $0xffff  }
0x554: {  	[tilespmem:s19+$0x1C780] =	vst.add.f32.msk $0xffff, v9  }
0x555: {  	v9 =	vld.idx.msk [tilespmem:v12+s13+$0x0], $0xffff  }
0x556: {  	v22 =	vld [tilespmem:s19+$0x120]  }
0x557: {  	v13 =	vld [tilespmem:s19+$0x130]  }
0x558: {  	v23 =	vld [tilespmem:s19+$0x2D0]  }
0x559: {  	[tilespmem:s19+$0x1C9B0] =	vst.add.f32.msk $0xffff, v10  }
0x55a: {  	v10 =	vld.idx.msk [tilespmem:v11+s13+$0x0], $0xffff  }
0x55b: {  	[tilespmem:s19+$0x1C790] =	vst.add.f32.msk $0xffff, v9  }
0x55c: {  	v9 =	vld.idx.msk [tilespmem:v16+s13+$0x0], $0xffff  }
0x55d: {  	v12 =	vld [tilespmem:s19+$0x140]  }
0x55e: {  	v11 =	vld [tilespmem:s19+$0x150]  }
0x55f: {  	v16 =	vld [tilespmem:s19+$0x2E0]  }
0x560: {  	[tilespmem:s19+$0x1C9C0] =	vst.add.f32.msk $0xffff, v10  }
0x561: {  	v23 =	vld.idx.msk [tilespmem:v23+s13+$0x0], $0xffff  }
0x562: {  	[tilespmem:s19+$0x1C7A0] =	vst.add.f32.msk $0xffff, v9  }
0x563: {  	v18 =	vld.idx.msk [tilespmem:v18+s13+$0x0], $0xffff  }
0x564: {  	v10 =	vld [tilespmem:s19+$0x160]  }
0x565: {  	v9 =	vld [tilespmem:s19+$0x170]  }
0x566: {  	v24 =	vld [tilespmem:s19+$0x2F0]  }
0x567: {  	[tilespmem:s19+$0x1C9D0] =	vst.add.f32.msk $0xffff, v23  }
0x568: {  	v16 =	vld.idx.msk [tilespmem:v16+s13+$0x0], $0xffff  }
0x569: {  	[tilespmem:s19+$0x1C7B0] =	vst.add.f32.msk $0xffff, v18  }
0x56a: {  	v14 =	vld.idx.msk [tilespmem:v14+s13+$0x0], $0xffff  }
0x56b: {  	v18 =	vld [tilespmem:s19+$0x180]  }
0x56c: {  	v23 =	vld.idx.msk [tilespmem:v1+s13+$0x0], $0xffff  }
0x56d: {  	v25 =	vld [tilespmem:s19+$0x300]  }
0x56e: {  	[tilespmem:s19+$0x1C9E0] =	vst.add.f32.msk $0xffff, v16  }
0x56f: {  	v16 =	vld.idx.msk [tilespmem:v24+s13+$0x0], $0xffff  }
0x570: {  	[tilespmem:s19+$0x1C7C0] =	vst.add.f32.msk $0xffff, v14;
	v1 =	vmov v18  }
0x571: {  	v14 =	vld.idx.msk [tilespmem:v17+s13+$0x0], $0xffff  }
0x572: {  	v17 =	vld [tilespmem:s19+$0x190]  }
0x573: {  	[tilespmem:s12+$0x1C880] =	vst.add.f32.msk $0xffff, v23  }
0x574: {  	v18 =	vld [tilespmem:s19+$0x310]  }
0x575: {  	[tilespmem:s19+$0x1C9F0] =	vst.add.f32.msk $0xffff, v16  }
0x576: {  	v16 =	vld.idx.msk [tilespmem:v25+s13+$0x0], $0xffff  }
0x577: {  	[tilespmem:s19+$0x1C7D0] =	vst.add.f32.msk $0xffff, v14  }
0x578: {  	v14 =	vld.idx.msk [tilespmem:v15+s13+$0x0], $0xffff  }
0x579: {  	v15 =	vld.idx.msk [tilespmem:v0+s13+$0x0], $0xffff;
	v0 =	vmov v17  }
0x57a: {  	v17 =	vld [tilespmem:s19+$0x1A0]  }
0x57b: {  	v23 =	vld [tilespmem:s19+$0x320]  }
0x57c: {  	[tilespmem:s19+$0x1CA00] =	vst.add.f32.msk $0xffff, v16  }
0x57d: {  	v16 =	vld.idx.msk [tilespmem:v18+s13+$0x0], $0xffff  }
0x57e: {  	[tilespmem:s19+$0x1C7E0] =	vst.add.f32.msk $0xffff, v14  }
0x57f: {  	v14 =	vld.idx.msk [tilespmem:v20+s13+$0x0], $0xffff  }
0x580: {  	[tilespmem:s12+$0x1C890] =	vst.add.f32.msk $0xffff, v15  }
0x581: {  	v15 =	vld.idx.msk [tilespmem:v2+s13+$0x0], $0xffff;
	v2 =	vmov v17  }
0x582: {  	v17 =	vld [tilespmem:s19+$0x330]  }
0x583: {  	[tilespmem:s19+$0x1CA10] =	vst.add.f32.msk $0xffff, v16  }
0x584: {  	v16 =	vld.idx.msk [tilespmem:v23+s13+$0x0], $0xffff  }
0x585: {  	[tilespmem:s19+$0x1C7F0] =	vst.add.f32.msk $0xffff, v14  }
0x586: {  	v14 =	vld.idx.msk [tilespmem:v19+s13+$0x0], $0xffff  }
0x587: {  	v18 =	vld [tilespmem:s19+$0x1B0]  }
0x588: {  	[tilespmem:s12+$0x1C8A0] =	vst.add.f32.msk $0xffff, v15  }
0x589: {  	v15 =	vld [tilespmem:s19+$0x340]  }
0x58a: {  	[tilespmem:s19+$0x1CA20] =	vst.add.f32.msk $0xffff, v16  }
0x58b: {  	v16 =	vld.idx.msk [tilespmem:v17+s13+$0x0], $0xffff  }
0x58c: {  	[tilespmem:s19+$0x1C800] =	vst.add.f32.msk $0xffff, v14  }
0x58d: {  	v14 =	vld.idx.msk [tilespmem:v21+s13+$0x0], $0xffff  }
0x58e: {  	v17 =	vld.idx.msk [tilespmem:v3+s13+$0x0], $0xffff;
	v3 =	vmov v18  }
0x58f: {  	v18 =	vld [tilespmem:s19+$0x1C0]  }
0x590: {  	v19 =	vld [tilespmem:s19+$0x350]  }
0x591: {  	[tilespmem:s19+$0x1CA30] =	vst.add.f32.msk $0xffff, v16  }
0x592: {  	v15 =	vld.idx.msk [tilespmem:v15+s13+$0x0], $0xffff  }
0x593: {  	[tilespmem:s19+$0x1C810] =	vst.add.f32.msk $0xffff, v14  }
0x594: {  	v14 =	vld.idx.msk [tilespmem:v22+s13+$0x0], $0xffff  }
0x595: {  	[tilespmem:s12+$0x1C8B0] =	vst.add.f32.msk $0xffff, v17  }
0x596: {  	v16 =	vld.idx.msk [tilespmem:v4+s13+$0x0], $0xffff;
	v4 =	vmov v18  }
0x597: {  	v17 =	vld [tilespmem:s19+$0x360]  }
0x598: {  	[tilespmem:s19+$0x1CA40] =	vst.add.f32.msk $0xffff, v15  }
0x599: {  	v15 =	vld.idx.msk [tilespmem:v19+s13+$0x0], $0xffff  }
0x59a: {  	[tilespmem:s19+$0x1C820] =	vst.add.f32.msk $0xffff, v14  }
0x59b: {  	v13 =	vld.idx.msk [tilespmem:v13+s13+$0x0], $0xffff  }
0x59c: {  	v14 =	vld [tilespmem:s19+$0x1D0]  }
0x59d: {  	[tilespmem:s12+$0x1C8C0] =	vst.add.f32.msk $0xffff, v16  }
0x59e: {  	v16 =	vld [tilespmem:s19+$0x370]  }
0x59f: {  	[tilespmem:s19+$0x1CA50] =	vst.add.f32.msk $0xffff, v15  }
0x5a0: {  	v15 =	vld.idx.msk [tilespmem:v17+s13+$0x0], $0xffff  }
0x5a1: {  	[tilespmem:s19+$0x1C830] =	vst.add.f32.msk $0xffff, v13  }
0x5a2: {  	v12 =	vld.idx.msk [tilespmem:v12+s13+$0x0], $0xffff  }
0x5a3: {  	v13 =	vld.idx.msk [tilespmem:v5+s13+$0x0], $0xffff;
	v5 =	vmov v14  }
0x5a4: {  	v14 =	vld [tilespmem:s19+$0x1E0]  }
0x5a5: {  	v17 =	vld [tilespmem:s19+$0x380]  }
0x5a6: {  	[tilespmem:s19+$0x1CA60] =	vst.add.f32.msk $0xffff, v15  }
0x5a7: {  	v15 =	vld.idx.msk [tilespmem:v16+s13+$0x0], $0xffff  }
0x5a8: {  	[tilespmem:s19+$0x1C840] =	vst.add.f32.msk $0xffff, v12  }
0x5a9: {  	v11 =	vld.idx.msk [tilespmem:v11+s13+$0x0], $0xffff  }
0x5aa: {  	[tilespmem:s12+$0x1C8D0] =	vst.add.f32.msk $0xffff, v13  }
0x5ab: {  	v12 =	vld.idx.msk [tilespmem:v6+s13+$0x0], $0xffff;
	v6 =	vmov v14  }
0x5ac: {  	v13 =	vld [tilespmem:s19+$0x390]  }
0x5ad: {  	[tilespmem:s19+$0x1CA70] =	vst.add.f32.msk $0xffff, v15  }
0x5ae: {  	v14 =	vld.idx.msk [tilespmem:v17+s13+$0x0], $0xffff  }
0x5af: {  	[tilespmem:s19+$0x1C850] =	vst.add.f32.msk $0xffff, v11  }
0x5b0: {  	v10 =	vld.idx.msk [tilespmem:v10+s13+$0x0], $0xffff  }
0x5b1: {  	v11 =	vld [tilespmem:s19+$0x1F0]  }
0x5b2: {  	[tilespmem:s12+$0x1C8E0] =	vst.add.f32.msk $0xffff, v12  }
0x5b3: {  	v15 =	vld [tilespmem:s19+$0x3A0]  }
0x5b4: {  	[tilespmem:s19+$0x1CA80] =	vst.add.f32.msk $0xffff, v14  }
0x5b5: {  	v13 =	vld.idx.msk [tilespmem:v13+s13+$0x0], $0xffff  }
0x5b6: {  	[tilespmem:s19+$0x1C860] =	vst.add.f32.msk $0xffff, v10  }
0x5b7: {  	v12 =	vld.idx.msk [tilespmem:v9+s13+$0x0], $0xffff  }
.Ltmp1:
0x5b8: {  	v9 =	vld.idx.msk [tilespmem:v7+s13+$0x0], $0xffff;
	v7 =	vmov v11;
	(pc) =	sbr.rel @p0 .LBB2_4-.Ltmp1, $4  }
0x5b9: {  	[tilespmem:s1+$0x1C8F0] =	vst.add.f32.msk $0xffff, v8;
	s1 =	smov.u32 s12;
	s12 =	smov.u32 s19  }
0x5ba: {  	v10 =	vld [tilespmem:s12+$0x3B0]  }
0x5bb: {  	[tilespmem:s12+$0x1CA90] =	vst.add.f32.msk $0xffff, v13  }
0x5bc: {  	s17 =	sadd.s32 $0x1000, s17;
	v11 =	vld.idx.msk [tilespmem:v15+s13+$0x0], $0xffff  }
0x5bd: {  	_ =	sdelay $0x2  }
0x5be: {  	[tilespmem:s12+$0x1C870] =	vst.add.f32.msk $0xffff, v12  }
0x5bf: {  	v1 =	vld.idx.msk [tilespmem:v1+s13+$0x0], $0xffff;
	_ =	sdelay $0x4  }
0x5c0: {  	[tilespmem:s12+$0x1C880] =	vst.add.f32.msk $0xffff, v1  }
0x5c1: {  	v0 =	vld.idx.msk [tilespmem:v0+s13+$0x0], $0xffff;
	_ =	sdelay $0x4  }
0x5c2: {  	[tilespmem:s12+$0x1C890] =	vst.add.f32.msk $0xffff, v0  }
0x5c3: {  	v0 =	vld.idx.msk [tilespmem:v2+s13+$0x0], $0xffff;
	_ =	sdelay $0x1  }
0x5c4: {  	v59 =	vld [tilespmem:s12+$0x3C0]  }
0x5c5: {  	[tilespmem:s12+$0x1CAA0] =	vst.add.f32.msk $0xffff, v11  }
0x5c6: {  	v60 =	vld.idx.msk [tilespmem:v10+s13+$0x0], $0xffff  }
0x5c7: {  	[tilespmem:s12+$0x1C8A0] =	vst.add.f32.msk $0xffff, v0  }
0x5c8: {  	v0 =	vld.idx.msk [tilespmem:v3+s13+$0x0], $0xffff;
	_ =	sdelay $0x1  }
0x5c9: {  	v61 =	vld [tilespmem:s12+$0x3D0]  }
0x5ca: {  	[tilespmem:s12+$0x1CAB0] =	vst.add.f32.msk $0xffff, v60  }
0x5cb: {  	v1 =	vld.idx.msk [tilespmem:v59+s13+$0x0], $0xffff  }
0x5cc: {  	[tilespmem:s12+$0x1C8B0] =	vst.add.f32.msk $0xffff, v0  }
0x5cd: {  	v0 =	vld.idx.msk [tilespmem:v4+s13+$0x0], $0xffff;
	_ =	sdelay $0x1  }
0x5ce: {  	v62 =	vld [tilespmem:s12+$0x3E0]  }
0x5cf: {  	[tilespmem:s12+$0x1CAC0] =	vst.add.f32.msk $0xffff, v1  }
0x5d0: {  	v1 =	vld.idx.msk [tilespmem:v61+s13+$0x0], $0xffff  }
0x5d1: {  	[tilespmem:s12+$0x1C8C0] =	vst.add.f32.msk $0xffff, v0  }
0x5d2: {  	v0 =	vld.idx.msk [tilespmem:v5+s13+$0x0], $0xffff;
	_ =	sdelay $0x1  }
0x5d3: {  	v63 =	vld [tilespmem:s12+$0x3F0]  }
0x5d4: {  	[tilespmem:s12+$0x1CAD0] =	vst.add.f32.msk $0xffff, v1  }
0x5d5: {  	v1 =	vld.idx.msk [tilespmem:v62+s13+$0x0], $0xffff  }
0x5d6: {  	[tilespmem:s12+$0x1C8D0] =	vst.add.f32.msk $0xffff, v0  }
0x5d7: {  	v0 =	vld.idx.msk [tilespmem:v6+s13+$0x0], $0xffff;
	_ =	sdelay $0x2  }
0x5d8: {  	[tilespmem:s12+$0x1CAE0] =	vst.add.f32.msk $0xffff, v1  }
0x5d9: {  	v1 =	vld.idx.msk [tilespmem:v63+s13+$0x0], $0xffff  }
0x5da: {  	[tilespmem:s12+$0x1C8E0] =	vst.add.f32.msk $0xffff, v0  }
0x5db: {  	v0 =	vld.idx.msk [tilespmem:v7+s13+$0x0], $0xffff;
	_ =	sdelay $0x2  }
0x5dc: {  	[tilespmem:s1+$0x1C8F0] =	vst.add.f32.msk $0xffff, v9  }
0x5dd: {  	[tilespmem:s12+$0x1CAF0] =	vst.add.f32.msk $0xffff, v1  }
0x5de: {  	[tilespmem:s12+$0x1C8F0] =	vst.add.f32.msk $0xffff, v0  }
0x5df: {  	s7 =	simm.s32 $0x1C700;
	[bflag:$0x0] =	sbarrier.arrive $0xFFFF  }
0x5e0: {  	[hbm4b:s9+s11] =	stream.strided.scatter [tilespmem:s7], [sflag:$0x3], $0x200, s2, s11, $0x38;
	[tilespmem:$0x1E700] =	vst v63  }
0x5e1: {  	s12 =	sadd.s32 $0x80, s9  }
0x5e2: {  	[hbm4b:s12+s11] =	stream.strided.scatter [tilespmem:s30], [sflag:$0x3], $0x200, s2, s11, $0x38;
	[tilespmem:$0x1E700] =	vst v63  }
0x5e3: {  	s15 =	sadd.s32 $0x100, s9;
	s17 =	simm.s32 $0x1CB00  }
0x5e4: {  	[hbm4b:s15+s11] =	stream.strided.scatter [tilespmem:s17], [sflag:$0x3], $0x200, s2, s11, $0x38;
	[tilespmem:$0x1E700] =	vst v63  }
0x5e5: {  	s19 =	sadd.s32 $0x180, s9  }
0x5e6: {  	[hbm4b:s19+s11] =	stream.strided.scatter [tilespmem:s14], [sflag:$0x3], $0x200, s2, s11, $0x38;
	[tilespmem:$0x1E700] =	vst v63  }
0x5e7: {  	s7 =	simm.s32 $0x1CF00;
	s30 =	sadd.s32 $0x200, s9  }
0x5e8: {  	[hbm4b:s30+s11] =	stream.strided.scatter [tilespmem:s7], [sflag:$0x3], $0x200, s2, s11, $0x38;
	[tilespmem:$0x1E700] =	vst v63  }
0x5e9: {  	s14 =	sadd.s32 $0x280, s9  }
0x5ea: {  	[hbm4b:s14+s11] =	stream.strided.scatter [tilespmem:s31], [sflag:$0x3], $0x200, s2, s11, $0x38;
	[tilespmem:$0x1E700] =	vst v63  }
0x5eb: {  	s15 =	sadd.s32 $0x300, s9;
	s7 =	simm.s32 $0x1D300  }
0x5ec: {  	[hbm4b:s15+s11] =	stream.strided.scatter [tilespmem:s7], [sflag:$0x3], $0x200, s2, s11, $0x38;
	[tilespmem:$0x1E700] =	vst v63  }
0x5ed: {  	s17 =	sadd.s32 $0x380, s9;
	s19 =	simm.s32 $0x1D500  }
0x5ee: {  	[hbm4b:s17+s11] =	stream.strided.scatter [tilespmem:s19], [sflag:$0x3], $0x200, s2, s11, $0x38;
	[tilespmem:$0x1E700] =	vst v63  }
0x5ef: {  	s30 =	sadd.s32 $0x400, s9;
	s31 =	simm.s32 $0x1D700  }
0x5f0: {  	[hbm4b:s30+s11] =	stream.strided.scatter [tilespmem:s31], [sflag:$0x3], $0x200, s2, s11, $0x38;
	[tilespmem:$0x1E700] =	vst v63  }
0x5f1: {  	s12 =	simm.s32 $0x1D900;
	s7 =	sadd.s32 $0x480, s9  }
0x5f2: {  	[hbm4b:s7+s11] =	stream.strided.scatter [tilespmem:s12], [sflag:$0x3], $0x200, s2, s11, $0x38;
	[tilespmem:$0x1E700] =	vst v63  }
0x5f3: {  	s14 =	sadd.s32 $0x500, s9;
	s15 =	simm.s32 $0x1DB00  }
0x5f4: {  	[hbm4b:s14+s11] =	stream.strided.scatter [tilespmem:s15], [sflag:$0x3], $0x200, s2, s11, $0x38;
	[tilespmem:$0x1E700] =	vst v63  }
0x5f5: {  	s17 =	sadd.s32 $0x580, s9;
	s19 =	simm.s32 $0x1DD00  }
0x5f6: {  	[hbm4b:s17+s11] =	stream.strided.scatter [tilespmem:s19], [sflag:$0x3], $0x200, s2, s11, $0x38;
	[tilespmem:$0x1E700] =	vst v63  }
0x5f7: {  	s30 =	sadd.s32 $0x600, s9;
	s31 =	simm.s32 $0x1DF00  }
0x5f8: {  	[hbm4b:s30+s11] =	stream.strided.scatter [tilespmem:s31], [sflag:$0x3], $0x200, s2, s11, $0x38;
	[tilespmem:$0x1E700] =	vst v63  }
0x5f9: {  	s7 =	sadd.s32 $0x680, s9;
	s12 =	simm.s32 $0x1E100  }
0x5fa: {  	[hbm4b:s7+s11] =	stream.strided.scatter [tilespmem:s12], [sflag:$0x3], $0x200, s2, s11, $0x38;
	[tilespmem:$0x1E700] =	vst v63  }
0x5fb: {  	s14 =	sadd.s32 $0x700, s9;
	s15 =	simm.s32 $0x1E300  }
0x5fc: {  	[hbm4b:s14+s11] =	stream.strided.scatter [tilespmem:s15], [sflag:$0x3], $0x200, s2, s11, $0x38;
	[tilespmem:$0x1E700] =	vst v63  }
0x5fd: {  	s17 =	sadd.s32 $0x780, s9;
	s19 =	simm.s32 $0x1E500;
	s30 =	simm.s32 $0x3  }
0x5fe: {  	[hbm4b:s17+s11] =	stream.strided.scatter [tilespmem:s19], [sflag:$0x3], $0x200, s2, s11, $0x38;
	[tilespmem:$0x1E700] =	vst v63  }
0x5ff: {  	_ =	swait.ge [sflag:s30], $0x2000  }
0x600: {  	[sflag:s30] =	ssyncset.done $0x0  }
0x601: {  	[sflag:s30] =	ssyncadd.s32 $0xFFFFE000  }
0x602: {  	_ =	swait.ge [sflag:s30], $0x2000  }
0x603: {  	s10 =	sadd.s32 $0x1, s10;
	s31 =	rddreg [dreg:$0x7]  }
0x604: {  	p0 =	sne.s32 s10, s31  }
.Ltmp2:
0x605: {  	_ = 	snop;
	(pc) =	sbr.rel @p0 .LBB2_1-.Ltmp2, $3  }
0x606: {  	_ =	sdelay $0x1  }
0x607: {  	[sflag:s30] =	ssyncset.done $0x0  }
0x608: {  	[sflag:s30] =	ssyncadd.s32 $0xFFFFE000  }
0x609: {  	_ =	sfence.sel $0x180000  }
0x60a: {  	[bflag:$0x0] =	sbarrier.arrive $0xFFFF  }
0x60b: {  	_ =	strace $0x90000047  }
0x60c: {  	s0 =	stileid.u32;
	[bflag:$0x2] =	sbarrier.arrive $0xFFFF  }
0x60d: {  	p0 =	sne.s32 s0, $0x0;
	s0 =	rddreg [dreg:$0x4]  }
0x60e: {  	s0 =	sadd.s32 @!p0 $0x100000, s0  }
0x60f: {  	[sflag:s0] =	ssyncadd.tile.s32 @!p0 $0x1;
	_ =	shalt  }
.Lfunc_end2:
_tile_overlayer_lowered:
.L_overlay_start_2:
0x610: {  	(tag) =	ssettag $0x2  }
0x611: {  	s0 =	rddreg [dreg:$0x0];
	s2 =	stileid.u32  }
0x612: {  	s1 =	rddreg [dreg:$0x1];
	p0 =	sne.s32 s2, $0x0  }
0x613: {  	s3 =	rddreg [dreg:$0x2];
	[bflag:$0x3] =	sbarrier.arrive $0xFFFF;
	s2 =	simm.s32 @!p0 $0x1C04  }
0x614: {  	[timem:s3], [sflag:s2] =	dma.local @!p0 [hbm:s0], s1  }
0x615: {  	s0 =	simm.s32 @!p0 $0x4  }
0x616: {  	_ =	swait.ge @!p0 [sflag:s0], s1  }
0x617: {  	s1 =	ssub.s32 @!p0 $0x0, s1;
	[sflag:s0] =	ssyncset.done @!p0 $0x0  }
0x618: {  	[sflag:s0] =	ssyncadd.s32 @!p0 s1  }
0x619: {  	[bflag:$0x3] =	sbarrier.arrive $0xFFFF  }
0x61a: {  	_ =	shalt  }

</sc_bundles>
